<compile_context>
chip_gen: v7x
topology: tpu7x:2x2x1
jax: 0.10.2.dev20260603
libtpu: 0.0.44.dev20260713+nightly
codegen_flags: <defaults>
</compile_context>

<pallas_src>
import functools

import jax
import jax.numpy as jnp
from jax import lax
from jax.experimental import pallas as pl
from jax.experimental.pallas import tpu as pltpu
from jax.experimental.pallas import tpu_sc as plsc

NC = 2
NS = 16
NW = NC * NS
LANES = 16
NBUF = 8
K = 4


def _tc_prep(prompt_no, indices, lp, vocab):
    n, l, d = prompt_no.shape
    batch = indices.shape[0]

    def body(p_ref, i_ref, pn_ref, ip_ref):
        pn = jnp.mean(p_ref[...], axis=0)
        pn_ref[...] = jnp.concatenate(
            [pn, jnp.zeros((lp - l, d), jnp.float32)], axis=0)
        pad = (lax.broadcasted_iota(jnp.int32, (batch, lp - l), 0)
               * (lp - l)
               + lax.broadcasted_iota(jnp.int32, (batch, lp - l), 1))
        ip_ref[...] = jnp.concatenate(
            [i_ref[...], (pad * 127) % vocab], axis=1)

    return pl.pallas_call(
        body,
        out_shape=(
            jax.ShapeDtypeStruct((lp, d), jnp.float32),
            jax.ShapeDtypeStruct((batch, lp), jnp.int32),
        ),
    )(prompt_no, indices)


def _tc_cast(rows, batch, l, lp, d):
    bb = 128
    nt = lp * d // 128

    def body(r_ref, o_ref):
        x = r_ref[...]
        x = jnp.transpose(x, (1, 2, 0))
        x = x.reshape(nt, 2, d, bb)
        x = x.reshape(lp, d, bb)
        o_ref[...] = x[:l]

    return pl.pallas_call(
        body,
        grid=(batch // bb,),
        in_specs=[pl.BlockSpec((bb, nt, 128), lambda i: (i, 0, 0))],
        out_specs=pl.BlockSpec((l, d, bb), lambda i: (0, 0, i)),
        out_shape=jax.ShapeDtypeStruct((l, d, batch), jnp.float32),
    )(rows)


def _sc_gather_add(idxp, tablep, pnp, d):
    lp = pnp.shape[0]
    dp = tablep.shape[1]
    nq = d // LANES
    batch = idxp.shape[0]
    nblk = batch // NW
    niter = nblk // NBUF
    nt = lp * d // 128

    mesh = plsc.VectorSubcoreMesh(core_axis_name="c", subcore_axis_name="s")

    @functools.partial(
        pl.kernel,
        out_type=jax.ShapeDtypeStruct((batch, nt, 128), jnp.float32),
        mesh=mesh,
        scratch_types=[
            pltpu.VMEM((nblk, lp), jnp.int32),
            pltpu.VMEM((lp, d), jnp.float32),
            pltpu.VMEM((NBUF, lp, dp), jnp.float32),
            pltpu.VMEM((K, nt, 128), jnp.float32),
            pltpu.SemaphoreType.DMA((NBUF,)),
            pltpu.SemaphoreType.DMA((K,)),
        ],
        compiler_params=pltpu.CompilerParams(use_tc_tiling_on_sc=False),
    )
    def k(idx_hbm, table_hbm, pn_hbm, out_hbm, idx_v, pn_v, gbuf, obuf,
          gsem, osem):
        wid = lax.axis_index("s") * NC + lax.axis_index("c")
        blk0 = wid * nblk
        pltpu.sync_copy(idx_hbm.at[pl.ds(blk0, nblk)], idx_v)
        pltpu.sync_copy(pn_hbm, pn_v)

        for s in range(NBUF):
            pltpu.async_copy(table_hbm.at[idx_v.at[s]],
                             gbuf.at[s], gsem.at[s])

        def outer(i, carry):
            base = i * NBUF
            for half in range(2):
                slots = [half * K + j for j in range(K)]
                for j, s in enumerate(slots):
                    pltpu.make_async_copy(
                        table_hbm.at[idx_v.at[0]],
                        gbuf.at[s], gsem.at[s]).wait()

                    if half == 0:
                        @pl.when(i > 0)
                        def _(j=j):
                            pltpu.make_async_copy(
                                obuf.at[j], out_hbm.at[0],
                                osem.at[j]).wait()
                    else:
                        pltpu.make_async_copy(
                            obuf.at[j], out_hbm.at[0],
                            osem.at[j]).wait()

                def row_body(u, c2):
                    for uq in range(128 // LANES):
                        r = u * 2 + uq // nq
                        col = (uq % nq) * LANES
                        pnq = pn_v[r, pl.ds(col, LANES)]
                        for j, s in enumerate(slots):
                            obuf[j, u, pl.ds(uq * LANES, LANES)] = (
                                gbuf[s, r, pl.ds(col, LANES)] + pnq)
                    return c2

                lax.fori_loop(0, nt, row_body, 0, unroll=1)

                for j, s in enumerate(slots):
                    b = base + half * K + j
                    pltpu.async_copy(
                        obuf.at[j], out_hbm.at[blk0 + b],
                        osem.at[j])

                    @pl.when(i < niter - 1)
                    def _(b=b, s=s):
                        pltpu.async_copy(
                            table_hbm.at[idx_v.at[b + NBUF]],
                            gbuf.at[s], gsem.at[s])
            return carry

        lax.fori_loop(0, niter, outer, 0)

        for j in range(K):
            pltpu.make_async_copy(obuf.at[j], out_hbm.at[0],
                                  osem.at[j]).wait()

    return k(idxp, tablep, pnp)


def kernel(indices, table, prompt_no):
    batch, l = indices.shape
    d = table.shape[1]
    lp = (l + 7) // 8 * 8
    pnp, idxp = _tc_prep(prompt_no, indices.astype(jnp.int32), lp,
                         table.shape[0])
    rows = _sc_gather_add(idxp, table, pnp, d)
    out_t = _tc_cast(rows, batch, l, lp, d)
    return jnp.transpose(out_t, (2, 0, 1))

# --- scband reference (transcript-rebuilt; emitter-appended) ---
"""Pipeline reference for scband-clipnembedding-adapter-3341484556729 (READ-ONLY COPY).

The authoritative reference and input builder live on the scoring server;
editing this copy changes nothing except your own understanding.
"""

import jax, jax.numpy as jnp
import numpy as np

VOCAB = 1000000
EMBED_DIM = 64
NUM_NO_TEXTS = 16
CONTEXT_LENGTH = 77
BATCH = 4096


def setup_inputs(seed: int = 0) -> dict:
    key = jax.random.key(seed)
    k1, k2, k3 = jax.random.split(key, 3)
    indices = jax.random.randint(k1, (BATCH, CONTEXT_LENGTH), 0, VOCAB, dtype=jnp.int64 if jax.config.jax_enable_x64 else jnp.int32)
    table = jax.random.normal(k2, (VOCAB, EMBED_DIM), dtype=jnp.float32)
    prompt_no = jax.random.normal(k3, (NUM_NO_TEXTS, CONTEXT_LENGTH, EMBED_DIM), dtype=jnp.float32) * 0.01
    return {"indices": indices, "table": table, "prompt_no": prompt_no}


def reference(indices, table, prompt_no):
    # embedding lookup: gather rows from table
    embeddings = jnp.take(table, indices, axis=0)  # [B, L, D]
    # eval-mode CLIPN path: add mean of "no" prompts
    pn = jnp.mean(prompt_no, axis=0, keepdims=True)  # [1, L, D]
    return embeddings + pn

if __name__ == "__main__":
    import jax
    _d = setup_inputs()
    print(jax.jit(kernel)(*tuple(_d.values())))

</pallas_src>

<mosaic_0001>
#map = affine_map<(d0, d1) -> (0, 0)>
#map1 = affine_map<(d0, d1) -> (0, 0, 0)>
module attributes {stable_mosaic.version = 14 : i64} {
  func.func @k(%arg0: i32, %arg1: i32, %arg2: memref<4096x80xi32, #tpu.memory_space<hbm>>, %arg3: memref<1000000x64xf32, #tpu.memory_space<hbm>>, %arg4: memref<80x64xf32, #tpu.memory_space<hbm>>, %arg5: memref<4096x40x128xf32, #tpu.memory_space<hbm>>, %arg6: memref<128x80xi32, #tpu.memory_space<vmem>>, %arg7: memref<80x64xf32, #tpu.memory_space<vmem>>, %arg8: memref<8x80x64xf32, #tpu.memory_space<vmem>>, %arg9: memref<4x40x128xf32, #tpu.memory_space<vmem>>, %arg10: memref<8x!tpu.dma_semaphore, #tpu.memory_space<semaphore_mem>>, %arg11: memref<4x!tpu.dma_semaphore, #tpu.memory_space<semaphore_mem>>) attributes {dimension_semantics = [#tpu.dimension_semantics<core_parallel>, #tpu.dimension_semantics<subcore_parallel>], iteration_bounds = array<i64: 2, 16>, scalar_prefetch = 0 : i64, scratch_operands = 6 : i64, tpu.core_type = #tpu.core_type<sc_vector_subcore>, window_params = [{transform_indices = #map}, {transform_indices = #map}, {transform_indices = #map}, {transform_indices = #map1}]} {
    %mul3A = arith.constant 2 : i32
    %mul3A_0 = arith.muli %arg1, %mul3A : i32
    %add3A = arith.addi %mul3A_0, %arg0 : i32
    %mul3A_1 = arith.constant 128 : i32
    %mul3A_2 = arith.muli %add3A, %mul3A_1 : i32
    "tpu.region"() ({
      %run_scoped3A = tpu.sem_alloc : memref<!tpu.dma_semaphore, #tpu.memory_space<semaphore_mem>>
      %dma_start3A_210 = arith.constant 0 : i32
      %dma_start3A_211 = tpu.memref_slice %arg2[%mul3A_2, %dma_start3A_210] : memref<4096x80xi32, #tpu.memory_space<hbm>> -> memref<128x80xi32, #tpu.memory_space<hbm>>
      %dma_start3A_212 = arith.constant 0 : i32
      %dma_start3A_213 = tpu.memref_slice %arg2[%mul3A_2, %dma_start3A_212] : memref<4096x80xi32, #tpu.memory_space<hbm>> -> memref<128x80xi32, #tpu.memory_space<hbm>>
      tpu.enqueue_dma source(%dma_start3A_213 : memref<128x80xi32, #tpu.memory_space<hbm>>) target(%arg6 : memref<128x80xi32, #tpu.memory_space<vmem>>) target_semaphore(%run_scoped3A : memref<!tpu.dma_semaphore, #tpu.memory_space<semaphore_mem>>)
      %dma_wait3A_214 = arith.constant 0 : i32
      %dma_wait3A_215 = tpu.memref_slice %arg2[%mul3A_2, %dma_wait3A_214] : memref<4096x80xi32, #tpu.memory_space<hbm>> -> memref<128x80xi32, #tpu.memory_space<hbm>>
      %dma_wait3A_216 = arith.constant 0 : i32
      %dma_wait3A_217 = tpu.memref_slice %arg2[%mul3A_2, %dma_wait3A_216] : memref<4096x80xi32, #tpu.memory_space<hbm>> -> memref<128x80xi32, #tpu.memory_space<hbm>>
      tpu.wait_dma2 semaphore(%run_scoped3A : memref<!tpu.dma_semaphore, #tpu.memory_space<semaphore_mem>>) src(%dma_wait3A_217 : memref<128x80xi32, #tpu.memory_space<hbm>>) dst(%arg6 : memref<128x80xi32, #tpu.memory_space<vmem>>)
      tpu.yield
    }) : () -> ()
    "tpu.region"() ({
      %run_scoped3A = tpu.sem_alloc : memref<!tpu.dma_semaphore, #tpu.memory_space<semaphore_mem>>
      tpu.enqueue_dma source(%arg4 : memref<80x64xf32, #tpu.memory_space<hbm>>) target(%arg7 : memref<80x64xf32, #tpu.memory_space<vmem>>) target_semaphore(%run_scoped3A : memref<!tpu.dma_semaphore, #tpu.memory_space<semaphore_mem>>)
      tpu.wait_dma2 semaphore(%run_scoped3A : memref<!tpu.dma_semaphore, #tpu.memory_space<semaphore_mem>>) src(%arg4 : memref<80x64xf32, #tpu.memory_space<hbm>>) dst(%arg7 : memref<80x64xf32, #tpu.memory_space<vmem>>)
      tpu.yield
    }) : () -> ()
    %dma_start3A = arith.constant 0 : i32
    %dma_start3A_3 = arith.constant 0 : i32
    %dma_start3A_4 = arith.constant 0 : i32
    %dma_start3A_5 = arith.constant 0 : i32
    %dma_start3A_6 = arith.constant 0 : i32
    %dma_start3A_7 = tpu.memref_slice %arg8[%dma_start3A_3, %dma_start3A_5, %dma_start3A_6] : memref<8x80x64xf32, #tpu.memory_space<vmem>> -> memref<1x80x64xf32, #tpu.memory_space<vmem>>
    %dma_start3A_8 = tpu.memref_squeeze %dma_start3A_7 : memref<1x80x64xf32, #tpu.memory_space<vmem>> -> memref<80x64xf32, #tpu.memory_space<vmem>>
    %dma_start3A_9 = arith.constant 0 : i32
    %dma_start3A_10 = tpu.memref_slice %arg6[%dma_start3A, %dma_start3A_9] : memref<128x80xi32, #tpu.memory_space<vmem>> -> memref<1x80xi32, #tpu.memory_space<vmem>>
    %dma_start3A_11 = tpu.memref_squeeze %dma_start3A_10 : memref<1x80xi32, #tpu.memory_space<vmem>> -> memref<80xi32, #tpu.memory_space<vmem>>
    %dma_start3A_12 = arith.constant 0 : i32
    %dma_start3A_13 = arith.constant 0 : i32
    %dma_start3A_14 = tpu.memref_slice %arg3[%dma_start3A_12, %dma_start3A_13] : memref<1000000x64xf32, #tpu.memory_space<hbm>> -> memref<1000000x64xf32, #tpu.memory_space<hbm>>
    %dma_start3A_15 = tpu.memref_slice %arg10[%dma_start3A_4] : memref<8x!tpu.dma_semaphore, #tpu.memory_space<semaphore_mem>> -> memref<1x!tpu.dma_semaphore, #tpu.memory_space<semaphore_mem>>
    %dma_start3A_16 = tpu.memref_squeeze %dma_start3A_15 : memref<1x!tpu.dma_semaphore, #tpu.memory_space<semaphore_mem>> -> memref<!tpu.dma_semaphore, #tpu.memory_space<semaphore_mem>>
    tpu.enqueue_indirect_dma source(%dma_start3A_14 : memref<1000000x64xf32, #tpu.memory_space<hbm>>) target(%dma_start3A_8 : memref<80x64xf32, #tpu.memory_space<vmem>>) offsets(%dma_start3A_11 : memref<80xi32, #tpu.memory_space<vmem>>) semaphore(%dma_start3A_16 : memref<!tpu.dma_semaphore, #tpu.memory_space<semaphore_mem>>)
    %dma_start3A_17 = arith.constant 1 : i32
    %dma_start3A_18 = arith.constant 1 : i32
    %dma_start3A_19 = arith.constant 1 : i32
    %dma_start3A_20 = arith.constant 0 : i32
    %dma_start3A_21 = arith.constant 0 : i32
    %dma_start3A_22 = tpu.memref_slice %arg8[%dma_start3A_18, %dma_start3A_20, %dma_start3A_21] : memref<8x80x64xf32, #tpu.memory_space<vmem>> -> memref<1x80x64xf32, #tpu.memory_space<vmem>>
    %dma_start3A_23 = tpu.memref_squeeze %dma_start3A_22 : memref<1x80x64xf32, #tpu.memory_space<vmem>> -> memref<80x64xf32, #tpu.memory_space<vmem>>
    %dma_start3A_24 = arith.constant 0 : i32
    %dma_start3A_25 = tpu.memref_slice %arg6[%dma_start3A_17, %dma_start3A_24] : memref<128x80xi32, #tpu.memory_space<vmem>> -> memref<1x80xi32, #tpu.memory_space<vmem>>
    %dma_start3A_26 = tpu.memref_squeeze %dma_start3A_25 : memref<1x80xi32, #tpu.memory_space<vmem>> -> memref<80xi32, #tpu.memory_space<vmem>>
    %dma_start3A_27 = arith.constant 0 : i32
    %dma_start3A_28 = arith.constant 0 : i32
    %dma_start3A_29 = tpu.memref_slice %arg3[%dma_start3A_27, %dma_start3A_28] : memref<1000000x64xf32, #tpu.memory_space<hbm>> -> memref<1000000x64xf32, #tpu.memory_space<hbm>>
    %dma_start3A_30 = tpu.memref_slice %arg10[%dma_start3A_19] : memref<8x!tpu.dma_semaphore, #tpu.memory_space<semaphore_mem>> -> memref<1x!tpu.dma_semaphore, #tpu.memory_space<semaphore_mem>>
    %dma_start3A_31 = tpu.memref_squeeze %dma_start3A_30 : memref<1x!tpu.dma_semaphore, #tpu.memory_space<semaphore_mem>> -> memref<!tpu.dma_semaphore, #tpu.memory_space<semaphore_mem>>
    tpu.enqueue_indirect_dma source(%dma_start3A_29 : memref<1000000x64xf32, #tpu.memory_space<hbm>>) target(%dma_start3A_23 : memref<80x64xf32, #tpu.memory_space<vmem>>) offsets(%dma_start3A_26 : memref<80xi32, #tpu.memory_space<vmem>>) semaphore(%dma_start3A_31 : memref<!tpu.dma_semaphore, #tpu.memory_space<semaphore_mem>>)
    %dma_start3A_32 = arith.constant 2 : i32
    %dma_start3A_33 = arith.constant 2 : i32
    %dma_start3A_34 = arith.constant 2 : i32
    %dma_start3A_35 = arith.constant 0 : i32
    %dma_start3A_36 = arith.constant 0 : i32
    %dma_start3A_37 = tpu.memref_slice %arg8[%dma_start3A_33, %dma_start3A_35, %dma_start3A_36] : memref<8x80x64xf32, #tpu.memory_space<vmem>> -> memref<1x80x64xf32, #tpu.memory_space<vmem>>
    %dma_start3A_38 = tpu.memref_squeeze %dma_start3A_37 : memref<1x80x64xf32, #tpu.memory_space<vmem>> -> memref<80x64xf32, #tpu.memory_space<vmem>>
    %dma_start3A_39 = arith.constant 0 : i32
    %dma_start3A_40 = tpu.memref_slice %arg6[%dma_start3A_32, %dma_start3A_39] : memref<128x80xi32, #tpu.memory_space<vmem>> -> memref<1x80xi32, #tpu.memory_space<vmem>>
    %dma_start3A_41 = tpu.memref_squeeze %dma_start3A_40 : memref<1x80xi32, #tpu.memory_space<vmem>> -> memref<80xi32, #tpu.memory_space<vmem>>
    %dma_start3A_42 = arith.constant 0 : i32
    %dma_start3A_43 = arith.constant 0 : i32
    %dma_start3A_44 = tpu.memref_slice %arg3[%dma_start3A_42, %dma_start3A_43] : memref<1000000x64xf32, #tpu.memory_space<hbm>> -> memref<1000000x64xf32, #tpu.memory_space<hbm>>
    %dma_start3A_45 = tpu.memref_slice %arg10[%dma_start3A_34] : memref<8x!tpu.dma_semaphore, #tpu.memory_space<semaphore_mem>> -> memref<1x!tpu.dma_semaphore, #tpu.memory_space<semaphore_mem>>
    %dma_start3A_46 = tpu.memref_squeeze %dma_start3A_45 : memref<1x!tpu.dma_semaphore, #tpu.memory_space<semaphore_mem>> -> memref<!tpu.dma_semaphore, #tpu.memory_space<semaphore_mem>>
    tpu.enqueue_indirect_dma source(%dma_start3A_44 : memref<1000000x64xf32, #tpu.memory_space<hbm>>) target(%dma_start3A_38 : memref<80x64xf32, #tpu.memory_space<vmem>>) offsets(%dma_start3A_41 : memref<80xi32, #tpu.memory_space<vmem>>) semaphore(%dma_start3A_46 : memref<!tpu.dma_semaphore, #tpu.memory_space<semaphore_mem>>)
    %dma_start3A_47 = arith.constant 3 : i32
    %dma_start3A_48 = arith.constant 3 : i32
    %dma_start3A_49 = arith.constant 3 : i32
    %dma_start3A_50 = arith.constant 0 : i32
    %dma_start3A_51 = arith.constant 0 : i32
    %dma_start3A_52 = tpu.memref_slice %arg8[%dma_start3A_48, %dma_start3A_50, %dma_start3A_51] : memref<8x80x64xf32, #tpu.memory_space<vmem>> -> memref<1x80x64xf32, #tpu.memory_space<vmem>>
    %dma_start3A_53 = tpu.memref_squeeze %dma_start3A_52 : memref<1x80x64xf32, #tpu.memory_space<vmem>> -> memref<80x64xf32, #tpu.memory_space<vmem>>
    %dma_start3A_54 = arith.constant 0 : i32
    %dma_start3A_55 = tpu.memref_slice %arg6[%dma_start3A_47, %dma_start3A_54] : memref<128x80xi32, #tpu.memory_space<vmem>> -> memref<1x80xi32, #tpu.memory_space<vmem>>
    %dma_start3A_56 = tpu.memref_squeeze %dma_start3A_55 : memref<1x80xi32, #tpu.memory_space<vmem>> -> memref<80xi32, #tpu.memory_space<vmem>>
    %dma_start3A_57 = arith.constant 0 : i32
    %dma_start3A_58 = arith.constant 0 : i32
    %dma_start3A_59 = tpu.memref_slice %arg3[%dma_start3A_57, %dma_start3A_58] : memref<1000000x64xf32, #tpu.memory_space<hbm>> -> memref<1000000x64xf32, #tpu.memory_space<hbm>>
    %dma_start3A_60 = tpu.memref_slice %arg10[%dma_start3A_49] : memref<8x!tpu.dma_semaphore, #tpu.memory_space<semaphore_mem>> -> memref<1x!tpu.dma_semaphore, #tpu.memory_space<semaphore_mem>>
    %dma_start3A_61 = tpu.memref_squeeze %dma_start3A_60 : memref<1x!tpu.dma_semaphore, #tpu.memory_space<semaphore_mem>> -> memref<!tpu.dma_semaphore, #tpu.memory_space<semaphore_mem>>
    tpu.enqueue_indirect_dma source(%dma_start3A_59 : memref<1000000x64xf32, #tpu.memory_space<hbm>>) target(%dma_start3A_53 : memref<80x64xf32, #tpu.memory_space<vmem>>) offsets(%dma_start3A_56 : memref<80xi32, #tpu.memory_space<vmem>>) semaphore(%dma_start3A_61 : memref<!tpu.dma_semaphore, #tpu.memory_space<semaphore_mem>>)
    %dma_start3A_62 = arith.constant 4 : i32
    %dma_start3A_63 = arith.constant 4 : i32
    %dma_start3A_64 = arith.constant 4 : i32
    %dma_start3A_65 = arith.constant 0 : i32
    %dma_start3A_66 = arith.constant 0 : i32
    %dma_start3A_67 = tpu.memref_slice %arg8[%dma_start3A_63, %dma_start3A_65, %dma_start3A_66] : memref<8x80x64xf32, #tpu.memory_space<vmem>> -> memref<1x80x64xf32, #tpu.memory_space<vmem>>
    %dma_start3A_68 = tpu.memref_squeeze %dma_start3A_67 : memref<1x80x64xf32, #tpu.memory_space<vmem>> -> memref<80x64xf32, #tpu.memory_space<vmem>>
    %dma_start3A_69 = arith.constant 0 : i32
    %dma_start3A_70 = tpu.memref_slice %arg6[%dma_start3A_62, %dma_start3A_69] : memref<128x80xi32, #tpu.memory_space<vmem>> -> memref<1x80xi32, #tpu.memory_space<vmem>>
    %dma_start3A_71 = tpu.memref_squeeze %dma_start3A_70 : memref<1x80xi32, #tpu.memory_space<vmem>> -> memref<80xi32, #tpu.memory_space<vmem>>
    %dma_start3A_72 = arith.constant 0 : i32
    %dma_start3A_73 = arith.constant 0 : i32
    %dma_start3A_74 = tpu.memref_slice %arg3[%dma_start3A_72, %dma_start3A_73] : memref<1000000x64xf32, #tpu.memory_space<hbm>> -> memref<1000000x64xf32, #tpu.memory_space<hbm>>
    %dma_start3A_75 = tpu.memref_slice %arg10[%dma_start3A_64] : memref<8x!tpu.dma_semaphore, #tpu.memory_space<semaphore_mem>> -> memref<1x!tpu.dma_semaphore, #tpu.memory_space<semaphore_mem>>
    %dma_start3A_76 = tpu.memref_squeeze %dma_start3A_75 : memref<1x!tpu.dma_semaphore, #tpu.memory_space<semaphore_mem>> -> memref<!tpu.dma_semaphore, #tpu.memory_space<semaphore_mem>>
    tpu.enqueue_indirect_dma source(%dma_start3A_74 : memref<1000000x64xf32, #tpu.memory_space<hbm>>) target(%dma_start3A_68 : memref<80x64xf32, #tpu.memory_space<vmem>>) offsets(%dma_start3A_71 : memref<80xi32, #tpu.memory_space<vmem>>) semaphore(%dma_start3A_76 : memref<!tpu.dma_semaphore, #tpu.memory_space<semaphore_mem>>)
    %dma_start3A_77 = arith.constant 5 : i32
    %dma_start3A_78 = arith.constant 5 : i32
    %dma_start3A_79 = arith.constant 5 : i32
    %dma_start3A_80 = arith.constant 0 : i32
    %dma_start3A_81 = arith.constant 0 : i32
    %dma_start3A_82 = tpu.memref_slice %arg8[%dma_start3A_78, %dma_start3A_80, %dma_start3A_81] : memref<8x80x64xf32, #tpu.memory_space<vmem>> -> memref<1x80x64xf32, #tpu.memory_space<vmem>>
    %dma_start3A_83 = tpu.memref_squeeze %dma_start3A_82 : memref<1x80x64xf32, #tpu.memory_space<vmem>> -> memref<80x64xf32, #tpu.memory_space<vmem>>
    %dma_start3A_84 = arith.constant 0 : i32
    %dma_start3A_85 = tpu.memref_slice %arg6[%dma_start3A_77, %dma_start3A_84] : memref<128x80xi32, #tpu.memory_space<vmem>> -> memref<1x80xi32, #tpu.memory_space<vmem>>
    %dma_start3A_86 = tpu.memref_squeeze %dma_start3A_85 : memref<1x80xi32, #tpu.memory_space<vmem>> -> memref<80xi32, #tpu.memory_space<vmem>>
    %dma_start3A_87 = arith.constant 0 : i32
    %dma_start3A_88 = arith.constant 0 : i32
    %dma_start3A_89 = tpu.memref_slice %arg3[%dma_start3A_87, %dma_start3A_88] : memref<1000000x64xf32, #tpu.memory_space<hbm>> -> memref<1000000x64xf32, #tpu.memory_space<hbm>>
    %dma_start3A_90 = tpu.memref_slice %arg10[%dma_start3A_79] : memref<8x!tpu.dma_semaphore, #tpu.memory_space<semaphore_mem>> -> memref<1x!tpu.dma_semaphore, #tpu.memory_space<semaphore_mem>>
    %dma_start3A_91 = tpu.memref_squeeze %dma_start3A_90 : memref<1x!tpu.dma_semaphore, #tpu.memory_space<semaphore_mem>> -> memref<!tpu.dma_semaphore, #tpu.memory_space<semaphore_mem>>
    tpu.enqueue_indirect_dma source(%dma_start3A_89 : memref<1000000x64xf32, #tpu.memory_space<hbm>>) target(%dma_start3A_83 : memref<80x64xf32, #tpu.memory_space<vmem>>) offsets(%dma_start3A_86 : memref<80xi32, #tpu.memory_space<vmem>>) semaphore(%dma_start3A_91 : memref<!tpu.dma_semaphore, #tpu.memory_space<semaphore_mem>>)
    %dma_start3A_92 = arith.constant 6 : i32
    %dma_start3A_93 = arith.constant 6 : i32
    %dma_start3A_94 = arith.constant 6 : i32
    %dma_start3A_95 = arith.constant 0 : i32
    %dma_start3A_96 = arith.constant 0 : i32
    %dma_start3A_97 = tpu.memref_slice %arg8[%dma_start3A_93, %dma_start3A_95, %dma_start3A_96] : memref<8x80x64xf32, #tpu.memory_space<vmem>> -> memref<1x80x64xf32, #tpu.memory_space<vmem>>
    %dma_start3A_98 = tpu.memref_squeeze %dma_start3A_97 : memref<1x80x64xf32, #tpu.memory_space<vmem>> -> memref<80x64xf32, #tpu.memory_space<vmem>>
    %dma_start3A_99 = arith.constant 0 : i32
    %dma_start3A_100 = tpu.memref_slice %arg6[%dma_start3A_92, %dma_start3A_99] : memref<128x80xi32, #tpu.memory_space<vmem>> -> memref<1x80xi32, #tpu.memory_space<vmem>>
    %dma_start3A_101 = tpu.memref_squeeze %dma_start3A_100 : memref<1x80xi32, #tpu.memory_space<vmem>> -> memref<80xi32, #tpu.memory_space<vmem>>
    %dma_start3A_102 = arith.constant 0 : i32
    %dma_start3A_103 = arith.constant 0 : i32
    %dma_start3A_104 = tpu.memref_slice %arg3[%dma_start3A_102, %dma_start3A_103] : memref<1000000x64xf32, #tpu.memory_space<hbm>> -> memref<1000000x64xf32, #tpu.memory_space<hbm>>
    %dma_start3A_105 = tpu.memref_slice %arg10[%dma_start3A_94] : memref<8x!tpu.dma_semaphore, #tpu.memory_space<semaphore_mem>> -> memref<1x!tpu.dma_semaphore, #tpu.memory_space<semaphore_mem>>
    %dma_start3A_106 = tpu.memref_squeeze %dma_start3A_105 : memref<1x!tpu.dma_semaphore, #tpu.memory_space<semaphore_mem>> -> memref<!tpu.dma_semaphore, #tpu.memory_space<semaphore_mem>>
    tpu.enqueue_indirect_dma source(%dma_start3A_104 : memref<1000000x64xf32, #tpu.memory_space<hbm>>) target(%dma_start3A_98 : memref<80x64xf32, #tpu.memory_space<vmem>>) offsets(%dma_start3A_101 : memref<80xi32, #tpu.memory_space<vmem>>) semaphore(%dma_start3A_106 : memref<!tpu.dma_semaphore, #tpu.memory_space<semaphore_mem>>)
    %dma_start3A_107 = arith.constant 7 : i32
    %dma_start3A_108 = arith.constant 7 : i32
    %dma_start3A_109 = arith.constant 7 : i32
    %dma_start3A_110 = arith.constant 0 : i32
    %dma_start3A_111 = arith.constant 0 : i32
    %dma_start3A_112 = tpu.memref_slice %arg8[%dma_start3A_108, %dma_start3A_110, %dma_start3A_111] : memref<8x80x64xf32, #tpu.memory_space<vmem>> -> memref<1x80x64xf32, #tpu.memory_space<vmem>>
    %dma_start3A_113 = tpu.memref_squeeze %dma_start3A_112 : memref<1x80x64xf32, #tpu.memory_space<vmem>> -> memref<80x64xf32, #tpu.memory_space<vmem>>
    %dma_start3A_114 = arith.constant 0 : i32
    %dma_start3A_115 = tpu.memref_slice %arg6[%dma_start3A_107, %dma_start3A_114] : memref<128x80xi32, #tpu.memory_space<vmem>> -> memref<1x80xi32, #tpu.memory_space<vmem>>
    %dma_start3A_116 = tpu.memref_squeeze %dma_start3A_115 : memref<1x80xi32, #tpu.memory_space<vmem>> -> memref<80xi32, #tpu.memory_space<vmem>>
    %dma_start3A_117 = arith.constant 0 : i32
    %dma_start3A_118 = arith.constant 0 : i32
    %dma_start3A_119 = tpu.memref_slice %arg3[%dma_start3A_117, %dma_start3A_118] : memref<1000000x64xf32, #tpu.memory_space<hbm>> -> memref<1000000x64xf32, #tpu.memory_space<hbm>>
    %dma_start3A_120 = tpu.memref_slice %arg10[%dma_start3A_109] : memref<8x!tpu.dma_semaphore, #tpu.memory_space<semaphore_mem>> -> memref<1x!tpu.dma_semaphore, #tpu.memory_space<semaphore_mem>>
    %dma_start3A_121 = tpu.memref_squeeze %dma_start3A_120 : memref<1x!tpu.dma_semaphore, #tpu.memory_space<semaphore_mem>> -> memref<!tpu.dma_semaphore, #tpu.memory_space<semaphore_mem>>
    tpu.enqueue_indirect_dma source(%dma_start3A_119 : memref<1000000x64xf32, #tpu.memory_space<hbm>>) target(%dma_start3A_113 : memref<80x64xf32, #tpu.memory_space<vmem>>) offsets(%dma_start3A_116 : memref<80xi32, #tpu.memory_space<vmem>>) semaphore(%dma_start3A_121 : memref<!tpu.dma_semaphore, #tpu.memory_space<semaphore_mem>>)
    %scan3A = arith.constant 0 : i32
    %scan3A_122 = arith.constant 0 : i32
    %scan3A_123 = arith.constant 16 : i32
    %scan3A_124 = arith.addi %scan3A_122, %scan3A_123 : i32
    %scan3A_125 = arith.constant 1 : i32
    scf.for %scan3A_210 = %scan3A_122 to %scan3A_124 step %scan3A_125  : i32 {
      %mul3A_211 = arith.constant 8 : i32
      %mul3A_212 = arith.muli %scan3A_210, %mul3A_211 : i32
      %dma_wait3A_213 = arith.constant 0 : i32
      %dma_wait3A_214 = arith.constant 0 : i32
      %dma_wait3A_215 = arith.constant 0 : i32
      %dma_wait3A_216 = arith.constant 0 : i32
      %dma_wait3A_217 = arith.constant 0 : i32
      %dma_wait3A_218 = tpu.memref_slice %arg8[%dma_wait3A_214, %dma_wait3A_216, %dma_wait3A_217] : memref<8x80x64xf32, #tpu.memory_space<vmem>> -> memref<1x80x64xf32, #tpu.memory_space<vmem>>
      %dma_wait3A_219 = tpu.memref_squeeze %dma_wait3A_218 : memref<1x80x64xf32, #tpu.memory_space<vmem>> -> memref<80x64xf32, #tpu.memory_space<vmem>>
      %dma_wait3A_220 = arith.constant 0 : i32
      %dma_wait3A_221 = tpu.memref_slice %arg6[%dma_wait3A_213, %dma_wait3A_220] : memref<128x80xi32, #tpu.memory_space<vmem>> -> memref<1x80xi32, #tpu.memory_space<vmem>>
      %dma_wait3A_222 = tpu.memref_squeeze %dma_wait3A_221 : memref<1x80xi32, #tpu.memory_space<vmem>> -> memref<80xi32, #tpu.memory_space<vmem>>
      %dma_wait3A_223 = arith.constant 0 : i32
      %dma_wait3A_224 = arith.constant 0 : i32
      %dma_wait3A_225 = tpu.memref_slice %arg3[%dma_wait3A_223, %dma_wait3A_224] : memref<1000000x64xf32, #tpu.memory_space<hbm>> -> memref<1000000x64xf32, #tpu.memory_space<hbm>>
      %dma_wait3A_226 = tpu.memref_slice %arg10[%dma_wait3A_215] : memref<8x!tpu.dma_semaphore, #tpu.memory_space<semaphore_mem>> -> memref<1x!tpu.dma_semaphore, #tpu.memory_space<semaphore_mem>>
      %dma_wait3A_227 = tpu.memref_squeeze %dma_wait3A_226 : memref<1x!tpu.dma_semaphore, #tpu.memory_space<semaphore_mem>> -> memref<!tpu.dma_semaphore, #tpu.memory_space<semaphore_mem>>
      tpu.wait_indirect_dma semaphore(%dma_wait3A_227 : memref<!tpu.dma_semaphore, #tpu.memory_space<semaphore_mem>>) src(%dma_wait3A_225 : memref<1000000x64xf32, #tpu.memory_space<hbm>>) dst(%dma_wait3A_219 : memref<80x64xf32, #tpu.memory_space<vmem>>)
      %gt3A = arith.constant 0 : i32
      %gt3A_228 = arith.cmpi sgt, %scan3A_210, %gt3A : i32
      %convert_element_type3A = arith.extui %gt3A_228 : i1 to i32
      %cond3A = arith.constant 0 : i32
      %cond3A_229 = arith.cmpi ne, %convert_element_type3A, %cond3A : i32
      scf.if %cond3A_229 {
        %dma_wait3A_685 = arith.constant 0 : i32
        %dma_wait3A_686 = arith.constant 0 : i32
        %dma_wait3A_687 = arith.constant 0 : i32
        %dma_wait3A_688 = arith.constant 0 : i32
        %dma_wait3A_689 = arith.constant 0 : i32
        %dma_wait3A_690 = tpu.memref_slice %arg9[%dma_wait3A_685, %dma_wait3A_688, %dma_wait3A_689] : memref<4x40x128xf32, #tpu.memory_space<vmem>> -> memref<1x40x128xf32, #tpu.memory_space<vmem>>
        %dma_wait3A_691 = tpu.memref_squeeze %dma_wait3A_690 : memref<1x40x128xf32, #tpu.memory_space<vmem>> -> memref<40x128xf32, #tpu.memory_space<vmem>>
        %dma_wait3A_692 = arith.constant 0 : i32
        %dma_wait3A_693 = arith.constant 0 : i32
        %dma_wait3A_694 = tpu.memref_slice %arg5[%dma_wait3A_686, %dma_wait3A_692, %dma_wait3A_693] : memref<4096x40x128xf32, #tpu.memory_space<hbm>> -> memref<1x40x128xf32, #tpu.memory_space<hbm>>
        %dma_wait3A_695 = tpu.memref_squeeze %dma_wait3A_694 : memref<1x40x128xf32, #tpu.memory_space<hbm>> -> memref<40x128xf32, #tpu.memory_space<hbm>>
        %dma_wait3A_696 = tpu.memref_slice %arg11[%dma_wait3A_687] : memref<4x!tpu.dma_semaphore, #tpu.memory_space<semaphore_mem>> -> memref<1x!tpu.dma_semaphore, #tpu.memory_space<semaphore_mem>>
        %dma_wait3A_697 = tpu.memref_squeeze %dma_wait3A_696 : memref<1x!tpu.dma_semaphore, #tpu.memory_space<semaphore_mem>> -> memref<!tpu.dma_semaphore, #tpu.memory_space<semaphore_mem>>
        %dma_wait3A_698 = arith.constant 0 : i32
        %dma_wait3A_699 = arith.constant 0 : i32
        %dma_wait3A_700 = tpu.memref_slice %arg5[%dma_wait3A_686, %dma_wait3A_698, %dma_wait3A_699] : memref<4096x40x128xf32, #tpu.memory_space<hbm>> -> memref<1x40x128xf32, #tpu.memory_space<hbm>>
        %dma_wait3A_701 = tpu.memref_squeeze %dma_wait3A_700 : memref<1x40x128xf32, #tpu.memory_space<hbm>> -> memref<40x128xf32, #tpu.memory_space<hbm>>
        %dma_wait3A_702 = arith.constant 0 : i32
        %dma_wait3A_703 = arith.constant 0 : i32
        %dma_wait3A_704 = tpu.memref_slice %arg9[%dma_wait3A_685, %dma_wait3A_702, %dma_wait3A_703] : memref<4x40x128xf32, #tpu.memory_space<vmem>> -> memref<1x40x128xf32, #tpu.memory_space<vmem>>
        %dma_wait3A_705 = tpu.memref_squeeze %dma_wait3A_704 : memref<1x40x128xf32, #tpu.memory_space<vmem>> -> memref<40x128xf32, #tpu.memory_space<vmem>>
        tpu.wait_dma2 semaphore(%dma_wait3A_697 : memref<!tpu.dma_semaphore, #tpu.memory_space<semaphore_mem>>) src(%dma_wait3A_705 : memref<40x128xf32, #tpu.memory_space<vmem>>) dst(%dma_wait3A_701 : memref<40x128xf32, #tpu.memory_space<hbm>>)
      } else {
      }
      %dma_wait3A_230 = arith.constant 0 : i32
      %dma_wait3A_231 = arith.constant 1 : i32
      %dma_wait3A_232 = arith.constant 1 : i32
      %dma_wait3A_233 = arith.constant 0 : i32
      %dma_wait3A_234 = arith.constant 0 : i32
      %dma_wait3A_235 = tpu.memref_slice %arg8[%dma_wait3A_231, %dma_wait3A_233, %dma_wait3A_234] : memref<8x80x64xf32, #tpu.memory_space<vmem>> -> memref<1x80x64xf32, #tpu.memory_space<vmem>>
      %dma_wait3A_236 = tpu.memref_squeeze %dma_wait3A_235 : memref<1x80x64xf32, #tpu.memory_space<vmem>> -> memref<80x64xf32, #tpu.memory_space<vmem>>
      %dma_wait3A_237 = arith.constant 0 : i32
      %dma_wait3A_238 = tpu.memref_slice %arg6[%dma_wait3A_230, %dma_wait3A_237] : memref<128x80xi32, #tpu.memory_space<vmem>> -> memref<1x80xi32, #tpu.memory_space<vmem>>
      %dma_wait3A_239 = tpu.memref_squeeze %dma_wait3A_238 : memref<1x80xi32, #tpu.memory_space<vmem>> -> memref<80xi32, #tpu.memory_space<vmem>>
      %dma_wait3A_240 = arith.constant 0 : i32
      %dma_wait3A_241 = arith.constant 0 : i32
      %dma_wait3A_242 = tpu.memref_slice %arg3[%dma_wait3A_240, %dma_wait3A_241] : memref<1000000x64xf32, #tpu.memory_space<hbm>> -> memref<1000000x64xf32, #tpu.memory_space<hbm>>
      %dma_wait3A_243 = tpu.memref_slice %arg10[%dma_wait3A_232] : memref<8x!tpu.dma_semaphore, #tpu.memory_space<semaphore_mem>> -> memref<1x!tpu.dma_semaphore, #tpu.memory_space<semaphore_mem>>
      %dma_wait3A_244 = tpu.memref_squeeze %dma_wait3A_243 : memref<1x!tpu.dma_semaphore, #tpu.memory_space<semaphore_mem>> -> memref<!tpu.dma_semaphore, #tpu.memory_space<semaphore_mem>>
      tpu.wait_indirect_dma semaphore(%dma_wait3A_244 : memref<!tpu.dma_semaphore, #tpu.memory_space<semaphore_mem>>) src(%dma_wait3A_242 : memref<1000000x64xf32, #tpu.memory_space<hbm>>) dst(%dma_wait3A_236 : memref<80x64xf32, #tpu.memory_space<vmem>>)
      %gt3A_245 = arith.constant 0 : i32
      %gt3A_246 = arith.cmpi sgt, %scan3A_210, %gt3A_245 : i32
      %convert_element_type3A_247 = arith.extui %gt3A_246 : i1 to i32
      %cond3A_248 = arith.constant 0 : i32
      %cond3A_249 = arith.cmpi ne, %convert_element_type3A_247, %cond3A_248 : i32
      scf.if %cond3A_249 {
        %dma_wait3A_685 = arith.constant 1 : i32
        %dma_wait3A_686 = arith.constant 0 : i32
        %dma_wait3A_687 = arith.constant 1 : i32
        %dma_wait3A_688 = arith.constant 0 : i32
        %dma_wait3A_689 = arith.constant 0 : i32
        %dma_wait3A_690 = tpu.memref_slice %arg9[%dma_wait3A_685, %dma_wait3A_688, %dma_wait3A_689] : memref<4x40x128xf32, #tpu.memory_space<vmem>> -> memref<1x40x128xf32, #tpu.memory_space<vmem>>
        %dma_wait3A_691 = tpu.memref_squeeze %dma_wait3A_690 : memref<1x40x128xf32, #tpu.memory_space<vmem>> -> memref<40x128xf32, #tpu.memory_space<vmem>>
        %dma_wait3A_692 = arith.constant 0 : i32
        %dma_wait3A_693 = arith.constant 0 : i32
        %dma_wait3A_694 = tpu.memref_slice %arg5[%dma_wait3A_686, %dma_wait3A_692, %dma_wait3A_693] : memref<4096x40x128xf32, #tpu.memory_space<hbm>> -> memref<1x40x128xf32, #tpu.memory_space<hbm>>
        %dma_wait3A_695 = tpu.memref_squeeze %dma_wait3A_694 : memref<1x40x128xf32, #tpu.memory_space<hbm>> -> memref<40x128xf32, #tpu.memory_space<hbm>>
        %dma_wait3A_696 = tpu.memref_slice %arg11[%dma_wait3A_687] : memref<4x!tpu.dma_semaphore, #tpu.memory_space<semaphore_mem>> -> memref<1x!tpu.dma_semaphore, #tpu.memory_space<semaphore_mem>>
        %dma_wait3A_697 = tpu.memref_squeeze %dma_wait3A_696 : memref<1x!tpu.dma_semaphore, #tpu.memory_space<semaphore_mem>> -> memref<!tpu.dma_semaphore, #tpu.memory_space<semaphore_mem>>
        %dma_wait3A_698 = arith.constant 0 : i32
        %dma_wait3A_699 = arith.constant 0 : i32
        %dma_wait3A_700 = tpu.memref_slice %arg5[%dma_wait3A_686, %dma_wait3A_698, %dma_wait3A_699] : memref<4096x40x128xf32, #tpu.memory_space<hbm>> -> memref<1x40x128xf32, #tpu.memory_space<hbm>>
        %dma_wait3A_701 = tpu.memref_squeeze %dma_wait3A_700 : memref<1x40x128xf32, #tpu.memory_space<hbm>> -> memref<40x128xf32, #tpu.memory_space<hbm>>
        %dma_wait3A_702 = arith.constant 0 : i32
        %dma_wait3A_703 = arith.constant 0 : i32
        %dma_wait3A_704 = tpu.memref_slice %arg9[%dma_wait3A_685, %dma_wait3A_702, %dma_wait3A_703] : memref<4x40x128xf32, #tpu.memory_space<vmem>> -> memref<1x40x128xf32, #tpu.memory_space<vmem>>
        %dma_wait3A_705 = tpu.memref_squeeze %dma_wait3A_704 : memref<1x40x128xf32, #tpu.memory_space<vmem>> -> memref<40x128xf32, #tpu.memory_space<vmem>>
        tpu.wait_dma2 semaphore(%dma_wait3A_697 : memref<!tpu.dma_semaphore, #tpu.memory_space<semaphore_mem>>) src(%dma_wait3A_705 : memref<40x128xf32, #tpu.memory_space<vmem>>) dst(%dma_wait3A_701 : memref<40x128xf32, #tpu.memory_space<hbm>>)
      } else {
      }
      %dma_wait3A_250 = arith.constant 0 : i32
      %dma_wait3A_251 = arith.constant 2 : i32
      %dma_wait3A_252 = arith.constant 2 : i32
      %dma_wait3A_253 = arith.constant 0 : i32
      %dma_wait3A_254 = arith.constant 0 : i32
      %dma_wait3A_255 = tpu.memref_slice %arg8[%dma_wait3A_251, %dma_wait3A_253, %dma_wait3A_254] : memref<8x80x64xf32, #tpu.memory_space<vmem>> -> memref<1x80x64xf32, #tpu.memory_space<vmem>>
      %dma_wait3A_256 = tpu.memref_squeeze %dma_wait3A_255 : memref<1x80x64xf32, #tpu.memory_space<vmem>> -> memref<80x64xf32, #tpu.memory_space<vmem>>
      %dma_wait3A_257 = arith.constant 0 : i32
      %dma_wait3A_258 = tpu.memref_slice %arg6[%dma_wait3A_250, %dma_wait3A_257] : memref<128x80xi32, #tpu.memory_space<vmem>> -> memref<1x80xi32, #tpu.memory_space<vmem>>
      %dma_wait3A_259 = tpu.memref_squeeze %dma_wait3A_258 : memref<1x80xi32, #tpu.memory_space<vmem>> -> memref<80xi32, #tpu.memory_space<vmem>>
      %dma_wait3A_260 = arith.constant 0 : i32
      %dma_wait3A_261 = arith.constant 0 : i32
      %dma_wait3A_262 = tpu.memref_slice %arg3[%dma_wait3A_260, %dma_wait3A_261] : memref<1000000x64xf32, #tpu.memory_space<hbm>> -> memref<1000000x64xf32, #tpu.memory_space<hbm>>
      %dma_wait3A_263 = tpu.memref_slice %arg10[%dma_wait3A_252] : memref<8x!tpu.dma_semaphore, #tpu.memory_space<semaphore_mem>> -> memref<1x!tpu.dma_semaphore, #tpu.memory_space<semaphore_mem>>
      %dma_wait3A_264 = tpu.memref_squeeze %dma_wait3A_263 : memref<1x!tpu.dma_semaphore, #tpu.memory_space<semaphore_mem>> -> memref<!tpu.dma_semaphore, #tpu.memory_space<semaphore_mem>>
      tpu.wait_indirect_dma semaphore(%dma_wait3A_264 : memref<!tpu.dma_semaphore, #tpu.memory_space<semaphore_mem>>) src(%dma_wait3A_262 : memref<1000000x64xf32, #tpu.memory_space<hbm>>) dst(%dma_wait3A_256 : memref<80x64xf32, #tpu.memory_space<vmem>>)
      %gt3A_265 = arith.constant 0 : i32
      %gt3A_266 = arith.cmpi sgt, %scan3A_210, %gt3A_265 : i32
      %convert_element_type3A_267 = arith.extui %gt3A_266 : i1 to i32
      %cond3A_268 = arith.constant 0 : i32
      %cond3A_269 = arith.cmpi ne, %convert_element_type3A_267, %cond3A_268 : i32
      scf.if %cond3A_269 {
        %dma_wait3A_685 = arith.constant 2 : i32
        %dma_wait3A_686 = arith.constant 0 : i32
        %dma_wait3A_687 = arith.constant 2 : i32
        %dma_wait3A_688 = arith.constant 0 : i32
        %dma_wait3A_689 = arith.constant 0 : i32
        %dma_wait3A_690 = tpu.memref_slice %arg9[%dma_wait3A_685, %dma_wait3A_688, %dma_wait3A_689] : memref<4x40x128xf32, #tpu.memory_space<vmem>> -> memref<1x40x128xf32, #tpu.memory_space<vmem>>
        %dma_wait3A_691 = tpu.memref_squeeze %dma_wait3A_690 : memref<1x40x128xf32, #tpu.memory_space<vmem>> -> memref<40x128xf32, #tpu.memory_space<vmem>>
        %dma_wait3A_692 = arith.constant 0 : i32
        %dma_wait3A_693 = arith.constant 0 : i32
        %dma_wait3A_694 = tpu.memref_slice %arg5[%dma_wait3A_686, %dma_wait3A_692, %dma_wait3A_693] : memref<4096x40x128xf32, #tpu.memory_space<hbm>> -> memref<1x40x128xf32, #tpu.memory_space<hbm>>
        %dma_wait3A_695 = tpu.memref_squeeze %dma_wait3A_694 : memref<1x40x128xf32, #tpu.memory_space<hbm>> -> memref<40x128xf32, #tpu.memory_space<hbm>>
        %dma_wait3A_696 = tpu.memref_slice %arg11[%dma_wait3A_687] : memref<4x!tpu.dma_semaphore, #tpu.memory_space<semaphore_mem>> -> memref<1x!tpu.dma_semaphore, #tpu.memory_space<semaphore_mem>>
        %dma_wait3A_697 = tpu.memref_squeeze %dma_wait3A_696 : memref<1x!tpu.dma_semaphore, #tpu.memory_space<semaphore_mem>> -> memref<!tpu.dma_semaphore, #tpu.memory_space<semaphore_mem>>
        %dma_wait3A_698 = arith.constant 0 : i32
        %dma_wait3A_699 = arith.constant 0 : i32
        %dma_wait3A_700 = tpu.memref_slice %arg5[%dma_wait3A_686, %dma_wait3A_698, %dma_wait3A_699] : memref<4096x40x128xf32, #tpu.memory_space<hbm>> -> memref<1x40x128xf32, #tpu.memory_space<hbm>>
        %dma_wait3A_701 = tpu.memref_squeeze %dma_wait3A_700 : memref<1x40x128xf32, #tpu.memory_space<hbm>> -> memref<40x128xf32, #tpu.memory_space<hbm>>
        %dma_wait3A_702 = arith.constant 0 : i32
        %dma_wait3A_703 = arith.constant 0 : i32
        %dma_wait3A_704 = tpu.memref_slice %arg9[%dma_wait3A_685, %dma_wait3A_702, %dma_wait3A_703] : memref<4x40x128xf32, #tpu.memory_space<vmem>> -> memref<1x40x128xf32, #tpu.memory_space<vmem>>
        %dma_wait3A_705 = tpu.memref_squeeze %dma_wait3A_704 : memref<1x40x128xf32, #tpu.memory_space<vmem>> -> memref<40x128xf32, #tpu.memory_space<vmem>>
        tpu.wait_dma2 semaphore(%dma_wait3A_697 : memref<!tpu.dma_semaphore, #tpu.memory_space<semaphore_mem>>) src(%dma_wait3A_705 : memref<40x128xf32, #tpu.memory_space<vmem>>) dst(%dma_wait3A_701 : memref<40x128xf32, #tpu.memory_space<hbm>>)
      } else {
      }
      %dma_wait3A_270 = arith.constant 0 : i32
      %dma_wait3A_271 = arith.constant 3 : i32
      %dma_wait3A_272 = arith.constant 3 : i32
      %dma_wait3A_273 = arith.constant 0 : i32
      %dma_wait3A_274 = arith.constant 0 : i32
      %dma_wait3A_275 = tpu.memref_slice %arg8[%dma_wait3A_271, %dma_wait3A_273, %dma_wait3A_274] : memref<8x80x64xf32, #tpu.memory_space<vmem>> -> memref<1x80x64xf32, #tpu.memory_space<vmem>>
      %dma_wait3A_276 = tpu.memref_squeeze %dma_wait3A_275 : memref<1x80x64xf32, #tpu.memory_space<vmem>> -> memref<80x64xf32, #tpu.memory_space<vmem>>
      %dma_wait3A_277 = arith.constant 0 : i32
      %dma_wait3A_278 = tpu.memref_slice %arg6[%dma_wait3A_270, %dma_wait3A_277] : memref<128x80xi32, #tpu.memory_space<vmem>> -> memref<1x80xi32, #tpu.memory_space<vmem>>
      %dma_wait3A_279 = tpu.memref_squeeze %dma_wait3A_278 : memref<1x80xi32, #tpu.memory_space<vmem>> -> memref<80xi32, #tpu.memory_space<vmem>>
      %dma_wait3A_280 = arith.constant 0 : i32
      %dma_wait3A_281 = arith.constant 0 : i32
      %dma_wait3A_282 = tpu.memref_slice %arg3[%dma_wait3A_280, %dma_wait3A_281] : memref<1000000x64xf32, #tpu.memory_space<hbm>> -> memref<1000000x64xf32, #tpu.memory_space<hbm>>
      %dma_wait3A_283 = tpu.memref_slice %arg10[%dma_wait3A_272] : memref<8x!tpu.dma_semaphore, #tpu.memory_space<semaphore_mem>> -> memref<1x!tpu.dma_semaphore, #tpu.memory_space<semaphore_mem>>
      %dma_wait3A_284 = tpu.memref_squeeze %dma_wait3A_283 : memref<1x!tpu.dma_semaphore, #tpu.memory_space<semaphore_mem>> -> memref<!tpu.dma_semaphore, #tpu.memory_space<semaphore_mem>>
      tpu.wait_indirect_dma semaphore(%dma_wait3A_284 : memref<!tpu.dma_semaphore, #tpu.memory_space<semaphore_mem>>) src(%dma_wait3A_282 : memref<1000000x64xf32, #tpu.memory_space<hbm>>) dst(%dma_wait3A_276 : memref<80x64xf32, #tpu.memory_space<vmem>>)
      %gt3A_285 = arith.constant 0 : i32
      %gt3A_286 = arith.cmpi sgt, %scan3A_210, %gt3A_285 : i32
      %convert_element_type3A_287 = arith.extui %gt3A_286 : i1 to i32
      %cond3A_288 = arith.constant 0 : i32
      %cond3A_289 = arith.cmpi ne, %convert_element_type3A_287, %cond3A_288 : i32
      scf.if %cond3A_289 {
        %dma_wait3A_685 = arith.constant 3 : i32
        %dma_wait3A_686 = arith.constant 0 : i32
        %dma_wait3A_687 = arith.constant 3 : i32
        %dma_wait3A_688 = arith.constant 0 : i32
        %dma_wait3A_689 = arith.constant 0 : i32
        %dma_wait3A_690 = tpu.memref_slice %arg9[%dma_wait3A_685, %dma_wait3A_688, %dma_wait3A_689] : memref<4x40x128xf32, #tpu.memory_space<vmem>> -> memref<1x40x128xf32, #tpu.memory_space<vmem>>
        %dma_wait3A_691 = tpu.memref_squeeze %dma_wait3A_690 : memref<1x40x128xf32, #tpu.memory_space<vmem>> -> memref<40x128xf32, #tpu.memory_space<vmem>>
        %dma_wait3A_692 = arith.constant 0 : i32
        %dma_wait3A_693 = arith.constant 0 : i32
        %dma_wait3A_694 = tpu.memref_slice %arg5[%dma_wait3A_686, %dma_wait3A_692, %dma_wait3A_693] : memref<4096x40x128xf32, #tpu.memory_space<hbm>> -> memref<1x40x128xf32, #tpu.memory_space<hbm>>
        %dma_wait3A_695 = tpu.memref_squeeze %dma_wait3A_694 : memref<1x40x128xf32, #tpu.memory_space<hbm>> -> memref<40x128xf32, #tpu.memory_space<hbm>>
        %dma_wait3A_696 = tpu.memref_slice %arg11[%dma_wait3A_687] : memref<4x!tpu.dma_semaphore, #tpu.memory_space<semaphore_mem>> -> memref<1x!tpu.dma_semaphore, #tpu.memory_space<semaphore_mem>>
        %dma_wait3A_697 = tpu.memref_squeeze %dma_wait3A_696 : memref<1x!tpu.dma_semaphore, #tpu.memory_space<semaphore_mem>> -> memref<!tpu.dma_semaphore, #tpu.memory_space<semaphore_mem>>
        %dma_wait3A_698 = arith.constant 0 : i32
        %dma_wait3A_699 = arith.constant 0 : i32
        %dma_wait3A_700 = tpu.memref_slice %arg5[%dma_wait3A_686, %dma_wait3A_698, %dma_wait3A_699] : memref<4096x40x128xf32, #tpu.memory_space<hbm>> -> memref<1x40x128xf32, #tpu.memory_space<hbm>>
        %dma_wait3A_701 = tpu.memref_squeeze %dma_wait3A_700 : memref<1x40x128xf32, #tpu.memory_space<hbm>> -> memref<40x128xf32, #tpu.memory_space<hbm>>
        %dma_wait3A_702 = arith.constant 0 : i32
        %dma_wait3A_703 = arith.constant 0 : i32
        %dma_wait3A_704 = tpu.memref_slice %arg9[%dma_wait3A_685, %dma_wait3A_702, %dma_wait3A_703] : memref<4x40x128xf32, #tpu.memory_space<vmem>> -> memref<1x40x128xf32, #tpu.memory_space<vmem>>
        %dma_wait3A_705 = tpu.memref_squeeze %dma_wait3A_704 : memref<1x40x128xf32, #tpu.memory_space<vmem>> -> memref<40x128xf32, #tpu.memory_space<vmem>>
        tpu.wait_dma2 semaphore(%dma_wait3A_697 : memref<!tpu.dma_semaphore, #tpu.memory_space<semaphore_mem>>) src(%dma_wait3A_705 : memref<40x128xf32, #tpu.memory_space<vmem>>) dst(%dma_wait3A_701 : memref<40x128xf32, #tpu.memory_space<hbm>>)
      } else {
      }
      %scan3A_290 = arith.constant 0 : i32
      %scan3A_291 = arith.constant 0 : i32
      %scan3A_292 = arith.constant 40 : i32
      %scan3A_293 = arith.addi %scan3A_291, %scan3A_292 : i32
      %scan3A_294 = arith.constant 1 : i32
      scf.for %scan3A_685 = %scan3A_291 to %scan3A_293 step %scan3A_294  : i32 {
        %mul3A_686 = arith.constant 2 : i32
        %mul3A_687 = arith.muli %scan3A_685, %mul3A_686 : i32
        %add3A_688 = arith.constant 0 : i32
        %add3A_689 = arith.addi %mul3A_687, %add3A_688 : i32
        %get3A = arith.index_cast %add3A_689 : i32 to index
        %get3A_690 = arith.constant 0 : index
        %get3A_691 = tpu.vector_load %arg7[%get3A, %get3A_690] {strides = array<i32>} : memref<80x64xf32, #tpu.memory_space<vmem>>, vector<1x16xf32>,
        %get3A_692 = vector.shape_cast %get3A_691 : vector<1x16xf32> to vector<16xf32>
        %get3A_693 = arith.constant 0 : i32
        %get3A_694 = arith.index_cast %get3A_693 : i32 to index
        %get3A_695 = arith.index_cast %add3A_689 : i32 to index
        %get3A_696 = arith.constant 0 : index
        %get3A_697 = tpu.vector_load %arg8[%get3A_694, %get3A_695, %get3A_696] {strides = array<i32>} : memref<8x80x64xf32, #tpu.memory_space<vmem>>, vector<1x1x16xf32>,
        %get3A_698 = vector.shape_cast %get3A_697 : vector<1x1x16xf32> to vector<16xf32>
        %add3A_699 = arith.addf %get3A_698, %get3A_692 : vector<16xf32>
        %swap3A = arith.constant 0 : i32
        %swap3A_700 = arith.index_cast %swap3A : i32 to index
        %swap3A_701 = arith.index_cast %scan3A_685 : i32 to index
        %swap3A_702 = arith.constant 0 : index
        %swap3A_703 = tpu.vector_load %arg9[%swap3A_700, %swap3A_701, %swap3A_702] {strides = array<i32>} : memref<4x40x128xf32, #tpu.memory_space<vmem>>, vector<1x1x16xf32>,
        %swap3A_704 = vector.shape_cast %swap3A_703 : vector<1x1x16xf32> to vector<16xf32>
        %swap3A_705 = vector.shape_cast %add3A_699 : vector<16xf32> to vector<1x1x16xf32>
        tpu.vector_store %arg9[%swap3A_700, %swap3A_701, %swap3A_702], %swap3A_705 {strides = array<i32>} : memref<4x40x128xf32, #tpu.memory_space<vmem>>, vector<1x1x16xf32>,
        %get3A_706 = arith.constant 1 : i32
        %get3A_707 = arith.index_cast %get3A_706 : i32 to index
        %get3A_708 = arith.index_cast %add3A_689 : i32 to index
        %get3A_709 = arith.constant 0 : index
        %get3A_710 = tpu.vector_load %arg8[%get3A_707, %get3A_708, %get3A_709] {strides = array<i32>} : memref<8x80x64xf32, #tpu.memory_space<vmem>>, vector<1x1x16xf32>,
        %get3A_711 = vector.shape_cast %get3A_710 : vector<1x1x16xf32> to vector<16xf32>
        %add3A_712 = arith.addf %get3A_711, %get3A_692 : vector<16xf32>
        %swap3A_713 = arith.constant 1 : i32
        %swap3A_714 = arith.index_cast %swap3A_713 : i32 to index
        %swap3A_715 = arith.index_cast %scan3A_685 : i32 to index
        %swap3A_716 = arith.constant 0 : index
        %swap3A_717 = tpu.vector_load %arg9[%swap3A_714, %swap3A_715, %swap3A_716] {strides = array<i32>} : memref<4x40x128xf32, #tpu.memory_space<vmem>>, vector<1x1x16xf32>,
        %swap3A_718 = vector.shape_cast %swap3A_717 : vector<1x1x16xf32> to vector<16xf32>
        %swap3A_719 = vector.shape_cast %add3A_712 : vector<16xf32> to vector<1x1x16xf32>
        tpu.vector_store %arg9[%swap3A_714, %swap3A_715, %swap3A_716], %swap3A_719 {strides = array<i32>} : memref<4x40x128xf32, #tpu.memory_space<vmem>>, vector<1x1x16xf32>,
        %get3A_720 = arith.constant 2 : i32
        %get3A_721 = arith.index_cast %get3A_720 : i32 to index
        %get3A_722 = arith.index_cast %add3A_689 : i32 to index
        %get3A_723 = arith.constant 0 : index
        %get3A_724 = tpu.vector_load %arg8[%get3A_721, %get3A_722, %get3A_723] {strides = array<i32>} : memref<8x80x64xf32, #tpu.memory_space<vmem>>, vector<1x1x16xf32>,
        %get3A_725 = vector.shape_cast %get3A_724 : vector<1x1x16xf32> to vector<16xf32>
        %add3A_726 = arith.addf %get3A_725, %get3A_692 : vector<16xf32>
        %swap3A_727 = arith.constant 2 : i32
        %swap3A_728 = arith.index_cast %swap3A_727 : i32 to index
        %swap3A_729 = arith.index_cast %scan3A_685 : i32 to index
        %swap3A_730 = arith.constant 0 : index
        %swap3A_731 = tpu.vector_load %arg9[%swap3A_728, %swap3A_729, %swap3A_730] {strides = array<i32>} : memref<4x40x128xf32, #tpu.memory_space<vmem>>, vector<1x1x16xf32>,
        %swap3A_732 = vector.shape_cast %swap3A_731 : vector<1x1x16xf32> to vector<16xf32>
        %swap3A_733 = vector.shape_cast %add3A_726 : vector<16xf32> to vector<1x1x16xf32>
        tpu.vector_store %arg9[%swap3A_728, %swap3A_729, %swap3A_730], %swap3A_733 {strides = array<i32>} : memref<4x40x128xf32, #tpu.memory_space<vmem>>, vector<1x1x16xf32>,
        %get3A_734 = arith.constant 3 : i32
        %get3A_735 = arith.index_cast %get3A_734 : i32 to index
        %get3A_736 = arith.index_cast %add3A_689 : i32 to index
        %get3A_737 = arith.constant 0 : index
        %get3A_738 = tpu.vector_load %arg8[%get3A_735, %get3A_736, %get3A_737] {strides = array<i32>} : memref<8x80x64xf32, #tpu.memory_space<vmem>>, vector<1x1x16xf32>,
        %get3A_739 = vector.shape_cast %get3A_738 : vector<1x1x16xf32> to vector<16xf32>
        %add3A_740 = arith.addf %get3A_739, %get3A_692 : vector<16xf32>
        %swap3A_741 = arith.constant 3 : i32
        %swap3A_742 = arith.index_cast %swap3A_741 : i32 to index
        %swap3A_743 = arith.index_cast %scan3A_685 : i32 to index
        %swap3A_744 = arith.constant 0 : index
        %swap3A_745 = tpu.vector_load %arg9[%swap3A_742, %swap3A_743, %swap3A_744] {strides = array<i32>} : memref<4x40x128xf32, #tpu.memory_space<vmem>>, vector<1x1x16xf32>,
        %swap3A_746 = vector.shape_cast %swap3A_745 : vector<1x1x16xf32> to vector<16xf32>
        %swap3A_747 = vector.shape_cast %add3A_740 : vector<16xf32> to vector<1x1x16xf32>
        tpu.vector_store %arg9[%swap3A_742, %swap3A_743, %swap3A_744], %swap3A_747 {strides = array<i32>} : memref<4x40x128xf32, #tpu.memory_space<vmem>>, vector<1x1x16xf32>,
        %mul3A_748 = arith.constant 2 : i32
        %mul3A_749 = arith.muli %scan3A_685, %mul3A_748 : i32
        %add3A_750 = arith.constant 0 : i32
        %add3A_751 = arith.addi %mul3A_749, %add3A_750 : i32
        %get3A_752 = arith.index_cast %add3A_751 : i32 to index
        %get3A_753 = arith.constant 16 : index
        %get3A_754 = tpu.vector_load %arg7[%get3A_752, %get3A_753] {strides = array<i32>} : memref<80x64xf32, #tpu.memory_space<vmem>>, vector<1x16xf32>,
        %get3A_755 = vector.shape_cast %get3A_754 : vector<1x16xf32> to vector<16xf32>
        %get3A_756 = arith.constant 0 : i32
        %get3A_757 = arith.index_cast %get3A_756 : i32 to index
        %get3A_758 = arith.index_cast %add3A_751 : i32 to index
        %get3A_759 = arith.constant 16 : index
        %get3A_760 = tpu.vector_load %arg8[%get3A_757, %get3A_758, %get3A_759] {strides = array<i32>} : memref<8x80x64xf32, #tpu.memory_space<vmem>>, vector<1x1x16xf32>,
        %get3A_761 = vector.shape_cast %get3A_760 : vector<1x1x16xf32> to vector<16xf32>
        %add3A_762 = arith.addf %get3A_761, %get3A_755 : vector<16xf32>
        %swap3A_763 = arith.constant 0 : i32
        %swap3A_764 = arith.index_cast %swap3A_763 : i32 to index
        %swap3A_765 = arith.index_cast %scan3A_685 : i32 to index
        %swap3A_766 = arith.constant 16 : index
        %swap3A_767 = tpu.vector_load %arg9[%swap3A_764, %swap3A_765, %swap3A_766] {strides = array<i32>} : memref<4x40x128xf32, #tpu.memory_space<vmem>>, vector<1x1x16xf32>,
        %swap3A_768 = vector.shape_cast %swap3A_767 : vector<1x1x16xf32> to vector<16xf32>
        %swap3A_769 = vector.shape_cast %add3A_762 : vector<16xf32> to vector<1x1x16xf32>
        tpu.vector_store %arg9[%swap3A_764, %swap3A_765, %swap3A_766], %swap3A_769 {strides = array<i32>} : memref<4x40x128xf32, #tpu.memory_space<vmem>>, vector<1x1x16xf32>,
        %get3A_770 = arith.constant 1 : i32
        %get3A_771 = arith.index_cast %get3A_770 : i32 to index
        %get3A_772 = arith.index_cast %add3A_751 : i32 to index
        %get3A_773 = arith.constant 16 : index
        %get3A_774 = tpu.vector_load %arg8[%get3A_771, %get3A_772, %get3A_773] {strides = array<i32>} : memref<8x80x64xf32, #tpu.memory_space<vmem>>, vector<1x1x16xf32>,
        %get3A_775 = vector.shape_cast %get3A_774 : vector<1x1x16xf32> to vector<16xf32>
        %add3A_776 = arith.addf %get3A_775, %get3A_755 : vector<16xf32>
        %swap3A_777 = arith.constant 1 : i32
        %swap3A_778 = arith.index_cast %swap3A_777 : i32 to index
        %swap3A_779 = arith.index_cast %scan3A_685 : i32 to index
        %swap3A_780 = arith.constant 16 : index
        %swap3A_781 = tpu.vector_load %arg9[%swap3A_778, %swap3A_779, %swap3A_780] {strides = array<i32>} : memref<4x40x128xf32, #tpu.memory_space<vmem>>, vector<1x1x16xf32>,
        %swap3A_782 = vector.shape_cast %swap3A_781 : vector<1x1x16xf32> to vector<16xf32>
        %swap3A_783 = vector.shape_cast %add3A_776 : vector<16xf32> to vector<1x1x16xf32>
        tpu.vector_store %arg9[%swap3A_778, %swap3A_779, %swap3A_780], %swap3A_783 {strides = array<i32>} : memref<4x40x128xf32, #tpu.memory_space<vmem>>, vector<1x1x16xf32>,
        %get3A_784 = arith.constant 2 : i32
        %get3A_785 = arith.index_cast %get3A_784 : i32 to index
        %get3A_786 = arith.index_cast %add3A_751 : i32 to index
        %get3A_787 = arith.constant 16 : index
        %get3A_788 = tpu.vector_load %arg8[%get3A_785, %get3A_786, %get3A_787] {strides = array<i32>} : memref<8x80x64xf32, #tpu.memory_space<vmem>>, vector<1x1x16xf32>,
        %get3A_789 = vector.shape_cast %get3A_788 : vector<1x1x16xf32> to vector<16xf32>
        %add3A_790 = arith.addf %get3A_789, %get3A_755 : vector<16xf32>
        %swap3A_791 = arith.constant 2 : i32
        %swap3A_792 = arith.index_cast %swap3A_791 : i32 to index
        %swap3A_793 = arith.index_cast %scan3A_685 : i32 to index
        %swap3A_794 = arith.constant 16 : index
        %swap3A_795 = tpu.vector_load %arg9[%swap3A_792, %swap3A_793, %swap3A_794] {strides = array<i32>} : memref<4x40x128xf32, #tpu.memory_space<vmem>>, vector<1x1x16xf32>,
        %swap3A_796 = vector.shape_cast %swap3A_795 : vector<1x1x16xf32> to vector<16xf32>
        %swap3A_797 = vector.shape_cast %add3A_790 : vector<16xf32> to vector<1x1x16xf32>
        tpu.vector_store %arg9[%swap3A_792, %swap3A_793, %swap3A_794], %swap3A_797 {strides = array<i32>} : memref<4x40x128xf32, #tpu.memory_space<vmem>>, vector<1x1x16xf32>,
        %get3A_798 = arith.constant 3 : i32
        %get3A_799 = arith.index_cast %get3A_798 : i32 to index
        %get3A_800 = arith.index_cast %add3A_751 : i32 to index
        %get3A_801 = arith.constant 16 : index
        %get3A_802 = tpu.vector_load %arg8[%get3A_799, %get3A_800, %get3A_801] {strides = array<i32>} : memref<8x80x64xf32, #tpu.memory_space<vmem>>, vector<1x1x16xf32>,
        %get3A_803 = vector.shape_cast %get3A_802 : vector<1x1x16xf32> to vector<16xf32>
        %add3A_804 = arith.addf %get3A_803, %get3A_755 : vector<16xf32>
        %swap3A_805 = arith.constant 3 : i32
        %swap3A_806 = arith.index_cast %swap3A_805 : i32 to index
        %swap3A_807 = arith.index_cast %scan3A_685 : i32 to index
        %swap3A_808 = arith.constant 16 : index
        %swap3A_809 = tpu.vector_load %arg9[%swap3A_806, %swap3A_807, %swap3A_808] {strides = array<i32>} : memref<4x40x128xf32, #tpu.memory_space<vmem>>, vector<1x1x16xf32>,
        %swap3A_810 = vector.shape_cast %swap3A_809 : vector<1x1x16xf32> to vector<16xf32>
        %swap3A_811 = vector.shape_cast %add3A_804 : vector<16xf32> to vector<1x1x16xf32>
        tpu.vector_store %arg9[%swap3A_806, %swap3A_807, %swap3A_808], %swap3A_811 {strides = array<i32>} : memref<4x40x128xf32, #tpu.memory_space<vmem>>, vector<1x1x16xf32>,
        %mul3A_812 = arith.constant 2 : i32
        %mul3A_813 = arith.muli %scan3A_685, %mul3A_812 : i32
        %add3A_814 = arith.constant 0 : i32
        %add3A_815 = arith.addi %mul3A_813, %add3A_814 : i32
        %get3A_816 = arith.index_cast %add3A_815 : i32 to index
        %get3A_817 = arith.constant 32 : index
        %get3A_818 = tpu.vector_load %arg7[%get3A_816, %get3A_817] {strides = array<i32>} : memref<80x64xf32, #tpu.memory_space<vmem>>, vector<1x16xf32>,
        %get3A_819 = vector.shape_cast %get3A_818 : vector<1x16xf32> to vector<16xf32>
        %get3A_820 = arith.constant 0 : i32
        %get3A_821 = arith.index_cast %get3A_820 : i32 to index
        %get3A_822 = arith.index_cast %add3A_815 : i32 to index
        %get3A_823 = arith.constant 32 : index
        %get3A_824 = tpu.vector_load %arg8[%get3A_821, %get3A_822, %get3A_823] {strides = array<i32>} : memref<8x80x64xf32, #tpu.memory_space<vmem>>, vector<1x1x16xf32>,
        %get3A_825 = vector.shape_cast %get3A_824 : vector<1x1x16xf32> to vector<16xf32>
        %add3A_826 = arith.addf %get3A_825, %get3A_819 : vector<16xf32>
        %swap3A_827 = arith.constant 0 : i32
        %swap3A_828 = arith.index_cast %swap3A_827 : i32 to index
        %swap3A_829 = arith.index_cast %scan3A_685 : i32 to index
        %swap3A_830 = arith.constant 32 : index
        %swap3A_831 = tpu.vector_load %arg9[%swap3A_828, %swap3A_829, %swap3A_830] {strides = array<i32>} : memref<4x40x128xf32, #tpu.memory_space<vmem>>, vector<1x1x16xf32>,
        %swap3A_832 = vector.shape_cast %swap3A_831 : vector<1x1x16xf32> to vector<16xf32>
        %swap3A_833 = vector.shape_cast %add3A_826 : vector<16xf32> to vector<1x1x16xf32>
        tpu.vector_store %arg9[%swap3A_828, %swap3A_829, %swap3A_830], %swap3A_833 {strides = array<i32>} : memref<4x40x128xf32, #tpu.memory_space<vmem>>, vector<1x1x16xf32>,
        %get3A_834 = arith.constant 1 : i32
        %get3A_835 = arith.index_cast %get3A_834 : i32 to index
        %get3A_836 = arith.index_cast %add3A_815 : i32 to index
        %get3A_837 = arith.constant 32 : index
        %get3A_838 = tpu.vector_load %arg8[%get3A_835, %get3A_836, %get3A_837] {strides = array<i32>} : memref<8x80x64xf32, #tpu.memory_space<vmem>>, vector<1x1x16xf32>,
        %get3A_839 = vector.shape_cast %get3A_838 : vector<1x1x16xf32> to vector<16xf32>
        %add3A_840 = arith.addf %get3A_839, %get3A_819 : vector<16xf32>
        %swap3A_841 = arith.constant 1 : i32
        %swap3A_842 = arith.index_cast %swap3A_841 : i32 to index
        %swap3A_843 = arith.index_cast %scan3A_685 : i32 to index
        %swap3A_844 = arith.constant 32 : index
        %swap3A_845 = tpu.vector_load %arg9[%swap3A_842, %swap3A_843, %swap3A_844] {strides = array<i32>} : memref<4x40x128xf32, #tpu.memory_space<vmem>>, vector<1x1x16xf32>,
        %swap3A_846 = vector.shape_cast %swap3A_845 : vector<1x1x16xf32> to vector<16xf32>
        %swap3A_847 = vector.shape_cast %add3A_840 : vector<16xf32> to vector<1x1x16xf32>
        tpu.vector_store %arg9[%swap3A_842, %swap3A_843, %swap3A_844], %swap3A_847 {strides = array<i32>} : memref<4x40x128xf32, #tpu.memory_space<vmem>>, vector<1x1x16xf32>,
        %get3A_848 = arith.constant 2 : i32
        %get3A_849 = arith.index_cast %get3A_848 : i32 to index
        %get3A_850 = arith.index_cast %add3A_815 : i32 to index
        %get3A_851 = arith.constant 32 : index
        %get3A_852 = tpu.vector_load %arg8[%get3A_849, %get3A_850, %get3A_851] {strides = array<i32>} : memref<8x80x64xf32, #tpu.memory_space<vmem>>, vector<1x1x16xf32>,
        %get3A_853 = vector.shape_cast %get3A_852 : vector<1x1x16xf32> to vector<16xf32>
        %add3A_854 = arith.addf %get3A_853, %get3A_819 : vector<16xf32>
        %swap3A_855 = arith.constant 2 : i32
        %swap3A_856 = arith.index_cast %swap3A_855 : i32 to index
        %swap3A_857 = arith.index_cast %scan3A_685 : i32 to index
        %swap3A_858 = arith.constant 32 : index
        %swap3A_859 = tpu.vector_load %arg9[%swap3A_856, %swap3A_857, %swap3A_858] {strides = array<i32>} : memref<4x40x128xf32, #tpu.memory_space<vmem>>, vector<1x1x16xf32>,
        %swap3A_860 = vector.shape_cast %swap3A_859 : vector<1x1x16xf32> to vector<16xf32>
        %swap3A_861 = vector.shape_cast %add3A_854 : vector<16xf32> to vector<1x1x16xf32>
        tpu.vector_store %arg9[%swap3A_856, %swap3A_857, %swap3A_858], %swap3A_861 {strides = array<i32>} : memref<4x40x128xf32, #tpu.memory_space<vmem>>, vector<1x1x16xf32>,
        %get3A_862 = arith.constant 3 : i32
        %get3A_863 = arith.index_cast %get3A_862 : i32 to index
        %get3A_864 = arith.index_cast %add3A_815 : i32 to index
        %get3A_865 = arith.constant 32 : index
        %get3A_866 = tpu.vector_load %arg8[%get3A_863, %get3A_864, %get3A_865] {strides = array<i32>} : memref<8x80x64xf32, #tpu.memory_space<vmem>>, vector<1x1x16xf32>,
        %get3A_867 = vector.shape_cast %get3A_866 : vector<1x1x16xf32> to vector<16xf32>
        %add3A_868 = arith.addf %get3A_867, %get3A_819 : vector<16xf32>
        %swap3A_869 = arith.constant 3 : i32
        %swap3A_870 = arith.index_cast %swap3A_869 : i32 to index
        %swap3A_871 = arith.index_cast %scan3A_685 : i32 to index
        %swap3A_872 = arith.constant 32 : index
        %swap3A_873 = tpu.vector_load %arg9[%swap3A_870, %swap3A_871, %swap3A_872] {strides = array<i32>} : memref<4x40x128xf32, #tpu.memory_space<vmem>>, vector<1x1x16xf32>,
        %swap3A_874 = vector.shape_cast %swap3A_873 : vector<1x1x16xf32> to vector<16xf32>
        %swap3A_875 = vector.shape_cast %add3A_868 : vector<16xf32> to vector<1x1x16xf32>
        tpu.vector_store %arg9[%swap3A_870, %swap3A_871, %swap3A_872], %swap3A_875 {strides = array<i32>} : memref<4x40x128xf32, #tpu.memory_space<vmem>>, vector<1x1x16xf32>,
        %mul3A_876 = arith.constant 2 : i32
        %mul3A_877 = arith.muli %scan3A_685, %mul3A_876 : i32
        %add3A_878 = arith.constant 0 : i32
        %add3A_879 = arith.addi %mul3A_877, %add3A_878 : i32
        %get3A_880 = arith.index_cast %add3A_879 : i32 to index
        %get3A_881 = arith.constant 48 : index
        %get3A_882 = tpu.vector_load %arg7[%get3A_880, %get3A_881] {strides = array<i32>} : memref<80x64xf32, #tpu.memory_space<vmem>>, vector<1x16xf32>,
        %get3A_883 = vector.shape_cast %get3A_882 : vector<1x16xf32> to vector<16xf32>
        %get3A_884 = arith.constant 0 : i32
        %get3A_885 = arith.index_cast %get3A_884 : i32 to index
        %get3A_886 = arith.index_cast %add3A_879 : i32 to index
        %get3A_887 = arith.constant 48 : index
        %get3A_888 = tpu.vector_load %arg8[%get3A_885, %get3A_886, %get3A_887] {strides = array<i32>} : memref<8x80x64xf32, #tpu.memory_space<vmem>>, vector<1x1x16xf32>,
        %get3A_889 = vector.shape_cast %get3A_888 : vector<1x1x16xf32> to vector<16xf32>
        %add3A_890 = arith.addf %get3A_889, %get3A_883 : vector<16xf32>
        %swap3A_891 = arith.constant 0 : i32
        %swap3A_892 = arith.index_cast %swap3A_891 : i32 to index
        %swap3A_893 = arith.index_cast %scan3A_685 : i32 to index
        %swap3A_894 = arith.constant 48 : index
        %swap3A_895 = tpu.vector_load %arg9[%swap3A_892, %swap3A_893, %swap3A_894] {strides = array<i32>} : memref<4x40x128xf32, #tpu.memory_space<vmem>>, vector<1x1x16xf32>,
        %swap3A_896 = vector.shape_cast %swap3A_895 : vector<1x1x16xf32> to vector<16xf32>
        %swap3A_897 = vector.shape_cast %add3A_890 : vector<16xf32> to vector<1x1x16xf32>
        tpu.vector_store %arg9[%swap3A_892, %swap3A_893, %swap3A_894], %swap3A_897 {strides = array<i32>} : memref<4x40x128xf32, #tpu.memory_space<vmem>>, vector<1x1x16xf32>,
        %get3A_898 = arith.constant 1 : i32
        %get3A_899 = arith.index_cast %get3A_898 : i32 to index
        %get3A_900 = arith.index_cast %add3A_879 : i32 to index
        %get3A_901 = arith.constant 48 : index
        %get3A_902 = tpu.vector_load %arg8[%get3A_899, %get3A_900, %get3A_901] {strides = array<i32>} : memref<8x80x64xf32, #tpu.memory_space<vmem>>, vector<1x1x16xf32>,
        %get3A_903 = vector.shape_cast %get3A_902 : vector<1x1x16xf32> to vector<16xf32>
        %add3A_904 = arith.addf %get3A_903, %get3A_883 : vector<16xf32>
        %swap3A_905 = arith.constant 1 : i32
        %swap3A_906 = arith.index_cast %swap3A_905 : i32 to index
        %swap3A_907 = arith.index_cast %scan3A_685 : i32 to index
        %swap3A_908 = arith.constant 48 : index
        %swap3A_909 = tpu.vector_load %arg9[%swap3A_906, %swap3A_907, %swap3A_908] {strides = array<i32>} : memref<4x40x128xf32, #tpu.memory_space<vmem>>, vector<1x1x16xf32>,
        %swap3A_910 = vector.shape_cast %swap3A_909 : vector<1x1x16xf32> to vector<16xf32>
        %swap3A_911 = vector.shape_cast %add3A_904 : vector<16xf32> to vector<1x1x16xf32>
        tpu.vector_store %arg9[%swap3A_906, %swap3A_907, %swap3A_908], %swap3A_911 {strides = array<i32>} : memref<4x40x128xf32, #tpu.memory_space<vmem>>, vector<1x1x16xf32>,
        %get3A_912 = arith.constant 2 : i32
        %get3A_913 = arith.index_cast %get3A_912 : i32 to index
        %get3A_914 = arith.index_cast %add3A_879 : i32 to index
        %get3A_915 = arith.constant 48 : index
        %get3A_916 = tpu.vector_load %arg8[%get3A_913, %get3A_914, %get3A_915] {strides = array<i32>} : memref<8x80x64xf32, #tpu.memory_space<vmem>>, vector<1x1x16xf32>,
        %get3A_917 = vector.shape_cast %get3A_916 : vector<1x1x16xf32> to vector<16xf32>
        %add3A_918 = arith.addf %get3A_917, %get3A_883 : vector<16xf32>
        %swap3A_919 = arith.constant 2 : i32
        %swap3A_920 = arith.index_cast %swap3A_919 : i32 to index
        %swap3A_921 = arith.index_cast %scan3A_685 : i32 to index
        %swap3A_922 = arith.constant 48 : index
        %swap3A_923 = tpu.vector_load %arg9[%swap3A_920, %swap3A_921, %swap3A_922] {strides = array<i32>} : memref<4x40x128xf32, #tpu.memory_space<vmem>>, vector<1x1x16xf32>,
        %swap3A_924 = vector.shape_cast %swap3A_923 : vector<1x1x16xf32> to vector<16xf32>
        %swap3A_925 = vector.shape_cast %add3A_918 : vector<16xf32> to vector<1x1x16xf32>
        tpu.vector_store %arg9[%swap3A_920, %swap3A_921, %swap3A_922], %swap3A_925 {strides = array<i32>} : memref<4x40x128xf32, #tpu.memory_space<vmem>>, vector<1x1x16xf32>,
        %get3A_926 = arith.constant 3 : i32
        %get3A_927 = arith.index_cast %get3A_926 : i32 to index
        %get3A_928 = arith.index_cast %add3A_879 : i32 to index
        %get3A_929 = arith.constant 48 : index
        %get3A_930 = tpu.vector_load %arg8[%get3A_927, %get3A_928, %get3A_929] {strides = array<i32>} : memref<8x80x64xf32, #tpu.memory_space<vmem>>, vector<1x1x16xf32>,
        %get3A_931 = vector.shape_cast %get3A_930 : vector<1x1x16xf32> to vector<16xf32>
        %add3A_932 = arith.addf %get3A_931, %get3A_883 : vector<16xf32>
        %swap3A_933 = arith.constant 3 : i32
        %swap3A_934 = arith.index_cast %swap3A_933 : i32 to index
        %swap3A_935 = arith.index_cast %scan3A_685 : i32 to index
        %swap3A_936 = arith.constant 48 : index
        %swap3A_937 = tpu.vector_load %arg9[%swap3A_934, %swap3A_935, %swap3A_936] {strides = array<i32>} : memref<4x40x128xf32, #tpu.memory_space<vmem>>, vector<1x1x16xf32>,
        %swap3A_938 = vector.shape_cast %swap3A_937 : vector<1x1x16xf32> to vector<16xf32>
        %swap3A_939 = vector.shape_cast %add3A_932 : vector<16xf32> to vector<1x1x16xf32>
        tpu.vector_store %arg9[%swap3A_934, %swap3A_935, %swap3A_936], %swap3A_939 {strides = array<i32>} : memref<4x40x128xf32, #tpu.memory_space<vmem>>, vector<1x1x16xf32>,
        %mul3A_940 = arith.constant 2 : i32
        %mul3A_941 = arith.muli %scan3A_685, %mul3A_940 : i32
        %add3A_942 = arith.constant 1 : i32
        %add3A_943 = arith.addi %mul3A_941, %add3A_942 : i32
        %get3A_944 = arith.index_cast %add3A_943 : i32 to index
        %get3A_945 = arith.constant 0 : index
        %get3A_946 = tpu.vector_load %arg7[%get3A_944, %get3A_945] {strides = array<i32>} : memref<80x64xf32, #tpu.memory_space<vmem>>, vector<1x16xf32>,
        %get3A_947 = vector.shape_cast %get3A_946 : vector<1x16xf32> to vector<16xf32>
        %get3A_948 = arith.constant 0 : i32
        %get3A_949 = arith.index_cast %get3A_948 : i32 to index
        %get3A_950 = arith.index_cast %add3A_943 : i32 to index
        %get3A_951 = arith.constant 0 : index
        %get3A_952 = tpu.vector_load %arg8[%get3A_949, %get3A_950, %get3A_951] {strides = array<i32>} : memref<8x80x64xf32, #tpu.memory_space<vmem>>, vector<1x1x16xf32>,
        %get3A_953 = vector.shape_cast %get3A_952 : vector<1x1x16xf32> to vector<16xf32>
        %add3A_954 = arith.addf %get3A_953, %get3A_947 : vector<16xf32>
        %swap3A_955 = arith.constant 0 : i32
        %swap3A_956 = arith.index_cast %swap3A_955 : i32 to index
        %swap3A_957 = arith.index_cast %scan3A_685 : i32 to index
        %swap3A_958 = arith.constant 64 : index
        %swap3A_959 = tpu.vector_load %arg9[%swap3A_956, %swap3A_957, %swap3A_958] {strides = array<i32>} : memref<4x40x128xf32, #tpu.memory_space<vmem>>, vector<1x1x16xf32>,
        %swap3A_960 = vector.shape_cast %swap3A_959 : vector<1x1x16xf32> to vector<16xf32>
        %swap3A_961 = vector.shape_cast %add3A_954 : vector<16xf32> to vector<1x1x16xf32>
        tpu.vector_store %arg9[%swap3A_956, %swap3A_957, %swap3A_958], %swap3A_961 {strides = array<i32>} : memref<4x40x128xf32, #tpu.memory_space<vmem>>, vector<1x1x16xf32>,
        %get3A_962 = arith.constant 1 : i32
        %get3A_963 = arith.index_cast %get3A_962 : i32 to index
        %get3A_964 = arith.index_cast %add3A_943 : i32 to index
        %get3A_965 = arith.constant 0 : index
        %get3A_966 = tpu.vector_load %arg8[%get3A_963, %get3A_964, %get3A_965] {strides = array<i32>} : memref<8x80x64xf32, #tpu.memory_space<vmem>>, vector<1x1x16xf32>,
        %get3A_967 = vector.shape_cast %get3A_966 : vector<1x1x16xf32> to vector<16xf32>
        %add3A_968 = arith.addf %get3A_967, %get3A_947 : vector<16xf32>
        %swap3A_969 = arith.constant 1 : i32
        %swap3A_970 = arith.index_cast %swap3A_969 : i32 to index
        %swap3A_971 = arith.index_cast %scan3A_685 : i32 to index
        %swap3A_972 = arith.constant 64 : index
        %swap3A_973 = tpu.vector_load %arg9[%swap3A_970, %swap3A_971, %swap3A_972] {strides = array<i32>} : memref<4x40x128xf32, #tpu.memory_space<vmem>>, vector<1x1x16xf32>,
        %swap3A_974 = vector.shape_cast %swap3A_973 : vector<1x1x16xf32> to vector<16xf32>
        %swap3A_975 = vector.shape_cast %add3A_968 : vector<16xf32> to vector<1x1x16xf32>
        tpu.vector_store %arg9[%swap3A_970, %swap3A_971, %swap3A_972], %swap3A_975 {strides = array<i32>} : memref<4x40x128xf32, #tpu.memory_space<vmem>>, vector<1x1x16xf32>,
        %get3A_976 = arith.constant 2 : i32
        %get3A_977 = arith.index_cast %get3A_976 : i32 to index
        %get3A_978 = arith.index_cast %add3A_943 : i32 to index
        %get3A_979 = arith.constant 0 : index
        %get3A_980 = tpu.vector_load %arg8[%get3A_977, %get3A_978, %get3A_979] {strides = array<i32>} : memref<8x80x64xf32, #tpu.memory_space<vmem>>, vector<1x1x16xf32>,
        %get3A_981 = vector.shape_cast %get3A_980 : vector<1x1x16xf32> to vector<16xf32>
        %add3A_982 = arith.addf %get3A_981, %get3A_947 : vector<16xf32>
        %swap3A_983 = arith.constant 2 : i32
        %swap3A_984 = arith.index_cast %swap3A_983 : i32 to index
        %swap3A_985 = arith.index_cast %scan3A_685 : i32 to index
        %swap3A_986 = arith.constant 64 : index
        %swap3A_987 = tpu.vector_load %arg9[%swap3A_984, %swap3A_985, %swap3A_986] {strides = array<i32>} : memref<4x40x128xf32, #tpu.memory_space<vmem>>, vector<1x1x16xf32>,
        %swap3A_988 = vector.shape_cast %swap3A_987 : vector<1x1x16xf32> to vector<16xf32>
        %swap3A_989 = vector.shape_cast %add3A_982 : vector<16xf32> to vector<1x1x16xf32>
        tpu.vector_store %arg9[%swap3A_984, %swap3A_985, %swap3A_986], %swap3A_989 {strides = array<i32>} : memref<4x40x128xf32, #tpu.memory_space<vmem>>, vector<1x1x16xf32>,
        %get3A_990 = arith.constant 3 : i32
        %get3A_991 = arith.index_cast %get3A_990 : i32 to index
        %get3A_992 = arith.index_cast %add3A_943 : i32 to index
        %get3A_993 = arith.constant 0 : index
        %get3A_994 = tpu.vector_load %arg8[%get3A_991, %get3A_992, %get3A_993] {strides = array<i32>} : memref<8x80x64xf32, #tpu.memory_space<vmem>>, vector<1x1x16xf32>,
        %get3A_995 = vector.shape_cast %get3A_994 : vector<1x1x16xf32> to vector<16xf32>
        %add3A_996 = arith.addf %get3A_995, %get3A_947 : vector<16xf32>
        %swap3A_997 = arith.constant 3 : i32
        %swap3A_998 = arith.index_cast %swap3A_997 : i32 to index
        %swap3A_999 = arith.index_cast %scan3A_685 : i32 to index
        %swap3A_1000 = arith.constant 64 : index
        %swap3A_1001 = tpu.vector_load %arg9[%swap3A_998, %swap3A_999, %swap3A_1000] {strides = array<i32>} : memref<4x40x128xf32, #tpu.memory_space<vmem>>, vector<1x1x16xf32>,
        %swap3A_1002 = vector.shape_cast %swap3A_1001 : vector<1x1x16xf32> to vector<16xf32>
        %swap3A_1003 = vector.shape_cast %add3A_996 : vector<16xf32> to vector<1x1x16xf32>
        tpu.vector_store %arg9[%swap3A_998, %swap3A_999, %swap3A_1000], %swap3A_1003 {strides = array<i32>} : memref<4x40x128xf32, #tpu.memory_space<vmem>>, vector<1x1x16xf32>,
        %mul3A_1004 = arith.constant 2 : i32
        %mul3A_1005 = arith.muli %scan3A_685, %mul3A_1004 : i32
        %add3A_1006 = arith.constant 1 : i32
        %add3A_1007 = arith.addi %mul3A_1005, %add3A_1006 : i32
        %get3A_1008 = arith.index_cast %add3A_1007 : i32 to index
        %get3A_1009 = arith.constant 16 : index
        %get3A_1010 = tpu.vector_load %arg7[%get3A_1008, %get3A_1009] {strides = array<i32>} : memref<80x64xf32, #tpu.memory_space<vmem>>, vector<1x16xf32>,
        %get3A_1011 = vector.shape_cast %get3A_1010 : vector<1x16xf32> to vector<16xf32>
        %get3A_1012 = arith.constant 0 : i32
        %get3A_1013 = arith.index_cast %get3A_1012 : i32 to index
        %get3A_1014 = arith.index_cast %add3A_1007 : i32 to index
        %get3A_1015 = arith.constant 16 : index
        %get3A_1016 = tpu.vector_load %arg8[%get3A_1013, %get3A_1014, %get3A_1015] {strides = array<i32>} : memref<8x80x64xf32, #tpu.memory_space<vmem>>, vector<1x1x16xf32>,
        %get3A_1017 = vector.shape_cast %get3A_1016 : vector<1x1x16xf32> to vector<16xf32>
        %add3A_1018 = arith.addf %get3A_1017, %get3A_1011 : vector<16xf32>
        %swap3A_1019 = arith.constant 0 : i32
        %swap3A_1020 = arith.index_cast %swap3A_1019 : i32 to index
        %swap3A_1021 = arith.index_cast %scan3A_685 : i32 to index
        %swap3A_1022 = arith.constant 80 : index
        %swap3A_1023 = tpu.vector_load %arg9[%swap3A_1020, %swap3A_1021, %swap3A_1022] {strides = array<i32>} : memref<4x40x128xf32, #tpu.memory_space<vmem>>, vector<1x1x16xf32>,
        %swap3A_1024 = vector.shape_cast %swap3A_1023 : vector<1x1x16xf32> to vector<16xf32>
        %swap3A_1025 = vector.shape_cast %add3A_1018 : vector<16xf32> to vector<1x1x16xf32>
        tpu.vector_store %arg9[%swap3A_1020, %swap3A_1021, %swap3A_1022], %swap3A_1025 {strides = array<i32>} : memref<4x40x128xf32, #tpu.memory_space<vmem>>, vector<1x1x16xf32>,
        %get3A_1026 = arith.constant 1 : i32
        %get3A_1027 = arith.index_cast %get3A_1026 : i32 to index
        %get3A_1028 = arith.index_cast %add3A_1007 : i32 to index
        %get3A_1029 = arith.constant 16 : index
        %get3A_1030 = tpu.vector_load %arg8[%get3A_1027, %get3A_1028, %get3A_1029] {strides = array<i32>} : memref<8x80x64xf32, #tpu.memory_space<vmem>>, vector<1x1x16xf32>,
        %get3A_1031 = vector.shape_cast %get3A_1030 : vector<1x1x16xf32> to vector<16xf32>
        %add3A_1032 = arith.addf %get3A_1031, %get3A_1011 : vector<16xf32>
        %swap3A_1033 = arith.constant 1 : i32
        %swap3A_1034 = arith.index_cast %swap3A_1033 : i32 to index
        %swap3A_1035 = arith.index_cast %scan3A_685 : i32 to index
        %swap3A_1036 = arith.constant 80 : index
        %swap3A_1037 = tpu.vector_load %arg9[%swap3A_1034, %swap3A_1035, %swap3A_1036] {strides = array<i32>} : memref<4x40x128xf32, #tpu.memory_space<vmem>>, vector<1x1x16xf32>,
        %swap3A_1038 = vector.shape_cast %swap3A_1037 : vector<1x1x16xf32> to vector<16xf32>
        %swap3A_1039 = vector.shape_cast %add3A_1032 : vector<16xf32> to vector<1x1x16xf32>
        tpu.vector_store %arg9[%swap3A_1034, %swap3A_1035, %swap3A_1036], %swap3A_1039 {strides = array<i32>} : memref<4x40x128xf32, #tpu.memory_space<vmem>>, vector<1x1x16xf32>,
        %get3A_1040 = arith.constant 2 : i32
        %get3A_1041 = arith.index_cast %get3A_1040 : i32 to index
        %get3A_1042 = arith.index_cast %add3A_1007 : i32 to index
        %get3A_1043 = arith.constant 16 : index
        %get3A_1044 = tpu.vector_load %arg8[%get3A_1041, %get3A_1042, %get3A_1043] {strides = array<i32>} : memref<8x80x64xf32, #tpu.memory_space<vmem>>, vector<1x1x16xf32>,
        %get3A_1045 = vector.shape_cast %get3A_1044 : vector<1x1x16xf32> to vector<16xf32>
        %add3A_1046 = arith.addf %get3A_1045, %get3A_1011 : vector<16xf32>
        %swap3A_1047 = arith.constant 2 : i32
        %swap3A_1048 = arith.index_cast %swap3A_1047 : i32 to index
        %swap3A_1049 = arith.index_cast %scan3A_685 : i32 to index
        %swap3A_1050 = arith.constant 80 : index
        %swap3A_1051 = tpu.vector_load %arg9[%swap3A_1048, %swap3A_1049, %swap3A_1050] {strides = array<i32>} : memref<4x40x128xf32, #tpu.memory_space<vmem>>, vector<1x1x16xf32>,
        %swap3A_1052 = vector.shape_cast %swap3A_1051 : vector<1x1x16xf32> to vector<16xf32>
        %swap3A_1053 = vector.shape_cast %add3A_1046 : vector<16xf32> to vector<1x1x16xf32>
        tpu.vector_store %arg9[%swap3A_1048, %swap3A_1049, %swap3A_1050], %swap3A_1053 {strides = array<i32>} : memref<4x40x128xf32, #tpu.memory_space<vmem>>, vector<1x1x16xf32>,
        %get3A_1054 = arith.constant 3 : i32
        %get3A_1055 = arith.index_cast %get3A_1054 : i32 to index
        %get3A_1056 = arith.index_cast %add3A_1007 : i32 to index
        %get3A_1057 = arith.constant 16 : index
        %get3A_1058 = tpu.vector_load %arg8[%get3A_1055, %get3A_1056, %get3A_1057] {strides = array<i32>} : memref<8x80x64xf32, #tpu.memory_space<vmem>>, vector<1x1x16xf32>,
        %get3A_1059 = vector.shape_cast %get3A_1058 : vector<1x1x16xf32> to vector<16xf32>
        %add3A_1060 = arith.addf %get3A_1059, %get3A_1011 : vector<16xf32>
        %swap3A_1061 = arith.constant 3 : i32
        %swap3A_1062 = arith.index_cast %swap3A_1061 : i32 to index
        %swap3A_1063 = arith.index_cast %scan3A_685 : i32 to index
        %swap3A_1064 = arith.constant 80 : index
        %swap3A_1065 = tpu.vector_load %arg9[%swap3A_1062, %swap3A_1063, %swap3A_1064] {strides = array<i32>} : memref<4x40x128xf32, #tpu.memory_space<vmem>>, vector<1x1x16xf32>,
        %swap3A_1066 = vector.shape_cast %swap3A_1065 : vector<1x1x16xf32> to vector<16xf32>
        %swap3A_1067 = vector.shape_cast %add3A_1060 : vector<16xf32> to vector<1x1x16xf32>
        tpu.vector_store %arg9[%swap3A_1062, %swap3A_1063, %swap3A_1064], %swap3A_1067 {strides = array<i32>} : memref<4x40x128xf32, #tpu.memory_space<vmem>>, vector<1x1x16xf32>,
        %mul3A_1068 = arith.constant 2 : i32
        %mul3A_1069 = arith.muli %scan3A_685, %mul3A_1068 : i32
        %add3A_1070 = arith.constant 1 : i32
        %add3A_1071 = arith.addi %mul3A_1069, %add3A_1070 : i32
        %get3A_1072 = arith.index_cast %add3A_1071 : i32 to index
        %get3A_1073 = arith.constant 32 : index
        %get3A_1074 = tpu.vector_load %arg7[%get3A_1072, %get3A_1073] {strides = array<i32>} : memref<80x64xf32, #tpu.memory_space<vmem>>, vector<1x16xf32>,
        %get3A_1075 = vector.shape_cast %get3A_1074 : vector<1x16xf32> to vector<16xf32>
        %get3A_1076 = arith.constant 0 : i32
        %get3A_1077 = arith.index_cast %get3A_1076 : i32 to index
        %get3A_1078 = arith.index_cast %add3A_1071 : i32 to index
        %get3A_1079 = arith.constant 32 : index
        %get3A_1080 = tpu.vector_load %arg8[%get3A_1077, %get3A_1078, %get3A_1079] {strides = array<i32>} : memref<8x80x64xf32, #tpu.memory_space<vmem>>, vector<1x1x16xf32>,
        %get3A_1081 = vector.shape_cast %get3A_1080 : vector<1x1x16xf32> to vector<16xf32>
        %add3A_1082 = arith.addf %get3A_1081, %get3A_1075 : vector<16xf32>
        %swap3A_1083 = arith.constant 0 : i32
        %swap3A_1084 = arith.index_cast %swap3A_1083 : i32 to index
        %swap3A_1085 = arith.index_cast %scan3A_685 : i32 to index
        %swap3A_1086 = arith.constant 96 : index
        %swap3A_1087 = tpu.vector_load %arg9[%swap3A_1084, %swap3A_1085, %swap3A_1086] {strides = array<i32>} : memref<4x40x128xf32, #tpu.memory_space<vmem>>, vector<1x1x16xf32>,
        %swap3A_1088 = vector.shape_cast %swap3A_1087 : vector<1x1x16xf32> to vector<16xf32>
        %swap3A_1089 = vector.shape_cast %add3A_1082 : vector<16xf32> to vector<1x1x16xf32>
        tpu.vector_store %arg9[%swap3A_1084, %swap3A_1085, %swap3A_1086], %swap3A_1089 {strides = array<i32>} : memref<4x40x128xf32, #tpu.memory_space<vmem>>, vector<1x1x16xf32>,
        %get3A_1090 = arith.constant 1 : i32
        %get3A_1091 = arith.index_cast %get3A_1090 : i32 to index
        %get3A_1092 = arith.index_cast %add3A_1071 : i32 to index
        %get3A_1093 = arith.constant 32 : index
        %get3A_1094 = tpu.vector_load %arg8[%get3A_1091, %get3A_1092, %get3A_1093] {strides = array<i32>} : memref<8x80x64xf32, #tpu.memory_space<vmem>>, vector<1x1x16xf32>,
        %get3A_1095 = vector.shape_cast %get3A_1094 : vector<1x1x16xf32> to vector<16xf32>
        %add3A_1096 = arith.addf %get3A_1095, %get3A_1075 : vector<16xf32>
        %swap3A_1097 = arith.constant 1 : i32
        %swap3A_1098 = arith.index_cast %swap3A_1097 : i32 to index
        %swap3A_1099 = arith.index_cast %scan3A_685 : i32 to index
        %swap3A_1100 = arith.constant 96 : index
        %swap3A_1101 = tpu.vector_load %arg9[%swap3A_1098, %swap3A_1099, %swap3A_1100] {strides = array<i32>} : memref<4x40x128xf32, #tpu.memory_space<vmem>>, vector<1x1x16xf32>,
        %swap3A_1102 = vector.shape_cast %swap3A_1101 : vector<1x1x16xf32> to vector<16xf32>
        %swap3A_1103 = vector.shape_cast %add3A_1096 : vector<16xf32> to vector<1x1x16xf32>
        tpu.vector_store %arg9[%swap3A_1098, %swap3A_1099, %swap3A_1100], %swap3A_1103 {strides = array<i32>} : memref<4x40x128xf32, #tpu.memory_space<vmem>>, vector<1x1x16xf32>,
        %get3A_1104 = arith.constant 2 : i32
        %get3A_1105 = arith.index_cast %get3A_1104 : i32 to index
        %get3A_1106 = arith.index_cast %add3A_1071 : i32 to index
        %get3A_1107 = arith.constant 32 : index
        %get3A_1108 = tpu.vector_load %arg8[%get3A_1105, %get3A_1106, %get3A_1107] {strides = array<i32>} : memref<8x80x64xf32, #tpu.memory_space<vmem>>, vector<1x1x16xf32>,
        %get3A_1109 = vector.shape_cast %get3A_1108 : vector<1x1x16xf32> to vector<16xf32>
        %add3A_1110 = arith.addf %get3A_1109, %get3A_1075 : vector<16xf32>
        %swap3A_1111 = arith.constant 2 : i32
        %swap3A_1112 = arith.index_cast %swap3A_1111 : i32 to index
        %swap3A_1113 = arith.index_cast %scan3A_685 : i32 to index
        %swap3A_1114 = arith.constant 96 : index
        %swap3A_1115 = tpu.vector_load %arg9[%swap3A_1112, %swap3A_1113, %swap3A_1114] {strides = array<i32>} : memref<4x40x128xf32, #tpu.memory_space<vmem>>, vector<1x1x16xf32>,
        %swap3A_1116 = vector.shape_cast %swap3A_1115 : vector<1x1x16xf32> to vector<16xf32>
        %swap3A_1117 = vector.shape_cast %add3A_1110 : vector<16xf32> to vector<1x1x16xf32>
        tpu.vector_store %arg9[%swap3A_1112, %swap3A_1113, %swap3A_1114], %swap3A_1117 {strides = array<i32>} : memref<4x40x128xf32, #tpu.memory_space<vmem>>, vector<1x1x16xf32>,
        %get3A_1118 = arith.constant 3 : i32
        %get3A_1119 = arith.index_cast %get3A_1118 : i32 to index
        %get3A_1120 = arith.index_cast %add3A_1071 : i32 to index
        %get3A_1121 = arith.constant 32 : index
        %get3A_1122 = tpu.vector_load %arg8[%get3A_1119, %get3A_1120, %get3A_1121] {strides = array<i32>} : memref<8x80x64xf32, #tpu.memory_space<vmem>>, vector<1x1x16xf32>,
        %get3A_1123 = vector.shape_cast %get3A_1122 : vector<1x1x16xf32> to vector<16xf32>
        %add3A_1124 = arith.addf %get3A_1123, %get3A_1075 : vector<16xf32>
        %swap3A_1125 = arith.constant 3 : i32
        %swap3A_1126 = arith.index_cast %swap3A_1125 : i32 to index
        %swap3A_1127 = arith.index_cast %scan3A_685 : i32 to index
        %swap3A_1128 = arith.constant 96 : index
        %swap3A_1129 = tpu.vector_load %arg9[%swap3A_1126, %swap3A_1127, %swap3A_1128] {strides = array<i32>} : memref<4x40x128xf32, #tpu.memory_space<vmem>>, vector<1x1x16xf32>,
        %swap3A_1130 = vector.shape_cast %swap3A_1129 : vector<1x1x16xf32> to vector<16xf32>
        %swap3A_1131 = vector.shape_cast %add3A_1124 : vector<16xf32> to vector<1x1x16xf32>
        tpu.vector_store %arg9[%swap3A_1126, %swap3A_1127, %swap3A_1128], %swap3A_1131 {strides = array<i32>} : memref<4x40x128xf32, #tpu.memory_space<vmem>>, vector<1x1x16xf32>,
        %mul3A_1132 = arith.constant 2 : i32
        %mul3A_1133 = arith.muli %scan3A_685, %mul3A_1132 : i32
        %add3A_1134 = arith.constant 1 : i32
        %add3A_1135 = arith.addi %mul3A_1133, %add3A_1134 : i32
        %get3A_1136 = arith.index_cast %add3A_1135 : i32 to index
        %get3A_1137 = arith.constant 48 : index
        %get3A_1138 = tpu.vector_load %arg7[%get3A_1136, %get3A_1137] {strides = array<i32>} : memref<80x64xf32, #tpu.memory_space<vmem>>, vector<1x16xf32>,
        %get3A_1139 = vector.shape_cast %get3A_1138 : vector<1x16xf32> to vector<16xf32>
        %get3A_1140 = arith.constant 0 : i32
        %get3A_1141 = arith.index_cast %get3A_1140 : i32 to index
        %get3A_1142 = arith.index_cast %add3A_1135 : i32 to index
        %get3A_1143 = arith.constant 48 : index
        %get3A_1144 = tpu.vector_load %arg8[%get3A_1141, %get3A_1142, %get3A_1143] {strides = array<i32>} : memref<8x80x64xf32, #tpu.memory_space<vmem>>, vector<1x1x16xf32>,
        %get3A_1145 = vector.shape_cast %get3A_1144 : vector<1x1x16xf32> to vector<16xf32>
        %add3A_1146 = arith.addf %get3A_1145, %get3A_1139 : vector<16xf32>
        %swap3A_1147 = arith.constant 0 : i32
        %swap3A_1148 = arith.index_cast %swap3A_1147 : i32 to index
        %swap3A_1149 = arith.index_cast %scan3A_685 : i32 to index
        %swap3A_1150 = arith.constant 112 : index
        %swap3A_1151 = tpu.vector_load %arg9[%swap3A_1148, %swap3A_1149, %swap3A_1150] {strides = array<i32>} : memref<4x40x128xf32, #tpu.memory_space<vmem>>, vector<1x1x16xf32>,
        %swap3A_1152 = vector.shape_cast %swap3A_1151 : vector<1x1x16xf32> to vector<16xf32>
        %swap3A_1153 = vector.shape_cast %add3A_1146 : vector<16xf32> to vector<1x1x16xf32>
        tpu.vector_store %arg9[%swap3A_1148, %swap3A_1149, %swap3A_1150], %swap3A_1153 {strides = array<i32>} : memref<4x40x128xf32, #tpu.memory_space<vmem>>, vector<1x1x16xf32>,
        %get3A_1154 = arith.constant 1 : i32
        %get3A_1155 = arith.index_cast %get3A_1154 : i32 to index
        %get3A_1156 = arith.index_cast %add3A_1135 : i32 to index
        %get3A_1157 = arith.constant 48 : index
        %get3A_1158 = tpu.vector_load %arg8[%get3A_1155, %get3A_1156, %get3A_1157] {strides = array<i32>} : memref<8x80x64xf32, #tpu.memory_space<vmem>>, vector<1x1x16xf32>,
        %get3A_1159 = vector.shape_cast %get3A_1158 : vector<1x1x16xf32> to vector<16xf32>
        %add3A_1160 = arith.addf %get3A_1159, %get3A_1139 : vector<16xf32>
        %swap3A_1161 = arith.constant 1 : i32
        %swap3A_1162 = arith.index_cast %swap3A_1161 : i32 to index
        %swap3A_1163 = arith.index_cast %scan3A_685 : i32 to index
        %swap3A_1164 = arith.constant 112 : index
        %swap3A_1165 = tpu.vector_load %arg9[%swap3A_1162, %swap3A_1163, %swap3A_1164] {strides = array<i32>} : memref<4x40x128xf32, #tpu.memory_space<vmem>>, vector<1x1x16xf32>,
        %swap3A_1166 = vector.shape_cast %swap3A_1165 : vector<1x1x16xf32> to vector<16xf32>
        %swap3A_1167 = vector.shape_cast %add3A_1160 : vector<16xf32> to vector<1x1x16xf32>
        tpu.vector_store %arg9[%swap3A_1162, %swap3A_1163, %swap3A_1164], %swap3A_1167 {strides = array<i32>} : memref<4x40x128xf32, #tpu.memory_space<vmem>>, vector<1x1x16xf32>,
        %get3A_1168 = arith.constant 2 : i32
        %get3A_1169 = arith.index_cast %get3A_1168 : i32 to index
        %get3A_1170 = arith.index_cast %add3A_1135 : i32 to index
        %get3A_1171 = arith.constant 48 : index
        %get3A_1172 = tpu.vector_load %arg8[%get3A_1169, %get3A_1170, %get3A_1171] {strides = array<i32>} : memref<8x80x64xf32, #tpu.memory_space<vmem>>, vector<1x1x16xf32>,
        %get3A_1173 = vector.shape_cast %get3A_1172 : vector<1x1x16xf32> to vector<16xf32>
        %add3A_1174 = arith.addf %get3A_1173, %get3A_1139 : vector<16xf32>
        %swap3A_1175 = arith.constant 2 : i32
        %swap3A_1176 = arith.index_cast %swap3A_1175 : i32 to index
        %swap3A_1177 = arith.index_cast %scan3A_685 : i32 to index
        %swap3A_1178 = arith.constant 112 : index
        %swap3A_1179 = tpu.vector_load %arg9[%swap3A_1176, %swap3A_1177, %swap3A_1178] {strides = array<i32>} : memref<4x40x128xf32, #tpu.memory_space<vmem>>, vector<1x1x16xf32>,
        %swap3A_1180 = vector.shape_cast %swap3A_1179 : vector<1x1x16xf32> to vector<16xf32>
        %swap3A_1181 = vector.shape_cast %add3A_1174 : vector<16xf32> to vector<1x1x16xf32>
        tpu.vector_store %arg9[%swap3A_1176, %swap3A_1177, %swap3A_1178], %swap3A_1181 {strides = array<i32>} : memref<4x40x128xf32, #tpu.memory_space<vmem>>, vector<1x1x16xf32>,
        %get3A_1182 = arith.constant 3 : i32
        %get3A_1183 = arith.index_cast %get3A_1182 : i32 to index
        %get3A_1184 = arith.index_cast %add3A_1135 : i32 to index
        %get3A_1185 = arith.constant 48 : index
        %get3A_1186 = tpu.vector_load %arg8[%get3A_1183, %get3A_1184, %get3A_1185] {strides = array<i32>} : memref<8x80x64xf32, #tpu.memory_space<vmem>>, vector<1x1x16xf32>,
        %get3A_1187 = vector.shape_cast %get3A_1186 : vector<1x1x16xf32> to vector<16xf32>
        %add3A_1188 = arith.addf %get3A_1187, %get3A_1139 : vector<16xf32>
        %swap3A_1189 = arith.constant 3 : i32
        %swap3A_1190 = arith.index_cast %swap3A_1189 : i32 to index
        %swap3A_1191 = arith.index_cast %scan3A_685 : i32 to index
        %swap3A_1192 = arith.constant 112 : index
        %swap3A_1193 = tpu.vector_load %arg9[%swap3A_1190, %swap3A_1191, %swap3A_1192] {strides = array<i32>} : memref<4x40x128xf32, #tpu.memory_space<vmem>>, vector<1x1x16xf32>,
        %swap3A_1194 = vector.shape_cast %swap3A_1193 : vector<1x1x16xf32> to vector<16xf32>
        %swap3A_1195 = vector.shape_cast %add3A_1188 : vector<16xf32> to vector<1x1x16xf32>
        tpu.vector_store %arg9[%swap3A_1190, %swap3A_1191, %swap3A_1192], %swap3A_1195 {strides = array<i32>} : memref<4x40x128xf32, #tpu.memory_space<vmem>>, vector<1x1x16xf32>,
      }
      %scan3A_295 = arith.constant 40 : i32
      %add3A_296 = arith.constant 0 : i32
      %add3A_297 = arith.addi %mul3A_212, %add3A_296 : i32
      %add3A_298 = arith.constant 0 : i32
      %add3A_299 = arith.addi %add3A_297, %add3A_298 : i32
      %add3A_300 = arith.addi %mul3A_2, %add3A_299 : i32
      %dma_start3A_301 = arith.constant 0 : i32
      %dma_start3A_302 = arith.constant 0 : i32
      %dma_start3A_303 = arith.constant 0 : i32
      %dma_start3A_304 = arith.constant 0 : i32
      %dma_start3A_305 = tpu.memref_slice %arg9[%dma_start3A_301, %dma_start3A_303, %dma_start3A_304] : memref<4x40x128xf32, #tpu.memory_space<vmem>> -> memref<1x40x128xf32, #tpu.memory_space<vmem>>
      %dma_start3A_306 = tpu.memref_squeeze %dma_start3A_305 : memref<1x40x128xf32, #tpu.memory_space<vmem>> -> memref<40x128xf32, #tpu.memory_space<vmem>>
      %dma_start3A_307 = arith.constant 0 : i32
      %dma_start3A_308 = arith.constant 0 : i32
      %dma_start3A_309 = tpu.memref_slice %arg5[%add3A_300, %dma_start3A_307, %dma_start3A_308] : memref<4096x40x128xf32, #tpu.memory_space<hbm>> -> memref<1x40x128xf32, #tpu.memory_space<hbm>>
      %dma_start3A_310 = tpu.memref_squeeze %dma_start3A_309 : memref<1x40x128xf32, #tpu.memory_space<hbm>> -> memref<40x128xf32, #tpu.memory_space<hbm>>
      %dma_start3A_311 = tpu.memref_slice %arg11[%dma_start3A_302] : memref<4x!tpu.dma_semaphore, #tpu.memory_space<semaphore_mem>> -> memref<1x!tpu.dma_semaphore, #tpu.memory_space<semaphore_mem>>
      %dma_start3A_312 = tpu.memref_squeeze %dma_start3A_311 : memref<1x!tpu.dma_semaphore, #tpu.memory_space<semaphore_mem>> -> memref<!tpu.dma_semaphore, #tpu.memory_space<semaphore_mem>>
      %dma_start3A_313 = arith.constant 0 : i32
      %dma_start3A_314 = arith.constant 0 : i32
      %dma_start3A_315 = tpu.memref_slice %arg5[%add3A_300, %dma_start3A_313, %dma_start3A_314] : memref<4096x40x128xf32, #tpu.memory_space<hbm>> -> memref<1x40x128xf32, #tpu.memory_space<hbm>>
      %dma_start3A_316 = tpu.memref_squeeze %dma_start3A_315 : memref<1x40x128xf32, #tpu.memory_space<hbm>> -> memref<40x128xf32, #tpu.memory_space<hbm>>
      %dma_start3A_317 = arith.constant 0 : i32
      %dma_start3A_318 = arith.constant 0 : i32
      %dma_start3A_319 = tpu.memref_slice %arg9[%dma_start3A_301, %dma_start3A_317, %dma_start3A_318] : memref<4x40x128xf32, #tpu.memory_space<vmem>> -> memref<1x40x128xf32, #tpu.memory_space<vmem>>
      %dma_start3A_320 = tpu.memref_squeeze %dma_start3A_319 : memref<1x40x128xf32, #tpu.memory_space<vmem>> -> memref<40x128xf32, #tpu.memory_space<vmem>>
      tpu.enqueue_dma source(%dma_start3A_320 : memref<40x128xf32, #tpu.memory_space<vmem>>) target(%dma_start3A_316 : memref<40x128xf32, #tpu.memory_space<hbm>>) target_semaphore(%dma_start3A_312 : memref<!tpu.dma_semaphore, #tpu.memory_space<semaphore_mem>>)
      %lt3A = arith.constant 15 : i32
      %lt3A_321 = arith.cmpi slt, %scan3A_210, %lt3A : i32
      %convert_element_type3A_322 = arith.extui %lt3A_321 : i1 to i32
      %cond3A_323 = arith.constant 0 : i32
      %cond3A_324 = arith.cmpi ne, %convert_element_type3A_322, %cond3A_323 : i32
      scf.if %cond3A_324 {
        %add3A_685 = arith.constant 8 : i32
        %add3A_686 = arith.addi %add3A_299, %add3A_685 : i32
        %dma_start3A_687 = arith.constant 0 : i32
        %dma_start3A_688 = arith.constant 0 : i32
        %dma_start3A_689 = arith.constant 0 : i32
        %dma_start3A_690 = arith.constant 0 : i32
        %dma_start3A_691 = tpu.memref_slice %arg8[%dma_start3A_687, %dma_start3A_689, %dma_start3A_690] : memref<8x80x64xf32, #tpu.memory_space<vmem>> -> memref<1x80x64xf32, #tpu.memory_space<vmem>>
        %dma_start3A_692 = tpu.memref_squeeze %dma_start3A_691 : memref<1x80x64xf32, #tpu.memory_space<vmem>> -> memref<80x64xf32, #tpu.memory_space<vmem>>
        %dma_start3A_693 = arith.constant 0 : i32
        %dma_start3A_694 = tpu.memref_slice %arg6[%add3A_686, %dma_start3A_693] : memref<128x80xi32, #tpu.memory_space<vmem>> -> memref<1x80xi32, #tpu.memory_space<vmem>>
        %dma_start3A_695 = tpu.memref_squeeze %dma_start3A_694 : memref<1x80xi32, #tpu.memory_space<vmem>> -> memref<80xi32, #tpu.memory_space<vmem>>
        %dma_start3A_696 = arith.constant 0 : i32
        %dma_start3A_697 = arith.constant 0 : i32
        %dma_start3A_698 = tpu.memref_slice %arg3[%dma_start3A_696, %dma_start3A_697] : memref<1000000x64xf32, #tpu.memory_space<hbm>> -> memref<1000000x64xf32, #tpu.memory_space<hbm>>
        %dma_start3A_699 = tpu.memref_slice %arg10[%dma_start3A_688] : memref<8x!tpu.dma_semaphore, #tpu.memory_space<semaphore_mem>> -> memref<1x!tpu.dma_semaphore, #tpu.memory_space<semaphore_mem>>
        %dma_start3A_700 = tpu.memref_squeeze %dma_start3A_699 : memref<1x!tpu.dma_semaphore, #tpu.memory_space<semaphore_mem>> -> memref<!tpu.dma_semaphore, #tpu.memory_space<semaphore_mem>>
        tpu.enqueue_indirect_dma source(%dma_start3A_698 : memref<1000000x64xf32, #tpu.memory_space<hbm>>) target(%dma_start3A_692 : memref<80x64xf32, #tpu.memory_space<vmem>>) offsets(%dma_start3A_695 : memref<80xi32, #tpu.memory_space<vmem>>) semaphore(%dma_start3A_700 : memref<!tpu.dma_semaphore, #tpu.memory_space<semaphore_mem>>)
      } else {
      }
      %add3A_325 = arith.constant 0 : i32
      %add3A_326 = arith.addi %mul3A_212, %add3A_325 : i32
      %add3A_327 = arith.constant 1 : i32
      %add3A_328 = arith.addi %add3A_326, %add3A_327 : i32
      %add3A_329 = arith.addi %mul3A_2, %add3A_328 : i32
      %dma_start3A_330 = arith.constant 1 : i32
      %dma_start3A_331 = arith.constant 1 : i32
      %dma_start3A_332 = arith.constant 0 : i32
      %dma_start3A_333 = arith.constant 0 : i32
      %dma_start3A_334 = tpu.memref_slice %arg9[%dma_start3A_330, %dma_start3A_332, %dma_start3A_333] : memref<4x40x128xf32, #tpu.memory_space<vmem>> -> memref<1x40x128xf32, #tpu.memory_space<vmem>>
      %dma_start3A_335 = tpu.memref_squeeze %dma_start3A_334 : memref<1x40x128xf32, #tpu.memory_space<vmem>> -> memref<40x128xf32, #tpu.memory_space<vmem>>
      %dma_start3A_336 = arith.constant 0 : i32
      %dma_start3A_337 = arith.constant 0 : i32
      %dma_start3A_338 = tpu.memref_slice %arg5[%add3A_329, %dma_start3A_336, %dma_start3A_337] : memref<4096x40x128xf32, #tpu.memory_space<hbm>> -> memref<1x40x128xf32, #tpu.memory_space<hbm>>
      %dma_start3A_339 = tpu.memref_squeeze %dma_start3A_338 : memref<1x40x128xf32, #tpu.memory_space<hbm>> -> memref<40x128xf32, #tpu.memory_space<hbm>>
      %dma_start3A_340 = tpu.memref_slice %arg11[%dma_start3A_331] : memref<4x!tpu.dma_semaphore, #tpu.memory_space<semaphore_mem>> -> memref<1x!tpu.dma_semaphore, #tpu.memory_space<semaphore_mem>>
      %dma_start3A_341 = tpu.memref_squeeze %dma_start3A_340 : memref<1x!tpu.dma_semaphore, #tpu.memory_space<semaphore_mem>> -> memref<!tpu.dma_semaphore, #tpu.memory_space<semaphore_mem>>
      %dma_start3A_342 = arith.constant 0 : i32
      %dma_start3A_343 = arith.constant 0 : i32
      %dma_start3A_344 = tpu.memref_slice %arg5[%add3A_329, %dma_start3A_342, %dma_start3A_343] : memref<4096x40x128xf32, #tpu.memory_space<hbm>> -> memref<1x40x128xf32, #tpu.memory_space<hbm>>
      %dma_start3A_345 = tpu.memref_squeeze %dma_start3A_344 : memref<1x40x128xf32, #tpu.memory_space<hbm>> -> memref<40x128xf32, #tpu.memory_space<hbm>>
      %dma_start3A_346 = arith.constant 0 : i32
      %dma_start3A_347 = arith.constant 0 : i32
      %dma_start3A_348 = tpu.memref_slice %arg9[%dma_start3A_330, %dma_start3A_346, %dma_start3A_347] : memref<4x40x128xf32, #tpu.memory_space<vmem>> -> memref<1x40x128xf32, #tpu.memory_space<vmem>>
      %dma_start3A_349 = tpu.memref_squeeze %dma_start3A_348 : memref<1x40x128xf32, #tpu.memory_space<vmem>> -> memref<40x128xf32, #tpu.memory_space<vmem>>
      tpu.enqueue_dma source(%dma_start3A_349 : memref<40x128xf32, #tpu.memory_space<vmem>>) target(%dma_start3A_345 : memref<40x128xf32, #tpu.memory_space<hbm>>) target_semaphore(%dma_start3A_341 : memref<!tpu.dma_semaphore, #tpu.memory_space<semaphore_mem>>)
      %lt3A_350 = arith.constant 15 : i32
      %lt3A_351 = arith.cmpi slt, %scan3A_210, %lt3A_350 : i32
      %convert_element_type3A_352 = arith.extui %lt3A_351 : i1 to i32
      %cond3A_353 = arith.constant 0 : i32
      %cond3A_354 = arith.cmpi ne, %convert_element_type3A_352, %cond3A_353 : i32
      scf.if %cond3A_354 {
        %add3A_685 = arith.constant 8 : i32
        %add3A_686 = arith.addi %add3A_328, %add3A_685 : i32
        %dma_start3A_687 = arith.constant 1 : i32
        %dma_start3A_688 = arith.constant 1 : i32
        %dma_start3A_689 = arith.constant 0 : i32
        %dma_start3A_690 = arith.constant 0 : i32
        %dma_start3A_691 = tpu.memref_slice %arg8[%dma_start3A_687, %dma_start3A_689, %dma_start3A_690] : memref<8x80x64xf32, #tpu.memory_space<vmem>> -> memref<1x80x64xf32, #tpu.memory_space<vmem>>
        %dma_start3A_692 = tpu.memref_squeeze %dma_start3A_691 : memref<1x80x64xf32, #tpu.memory_space<vmem>> -> memref<80x64xf32, #tpu.memory_space<vmem>>
        %dma_start3A_693 = arith.constant 0 : i32
        %dma_start3A_694 = tpu.memref_slice %arg6[%add3A_686, %dma_start3A_693] : memref<128x80xi32, #tpu.memory_space<vmem>> -> memref<1x80xi32, #tpu.memory_space<vmem>>
        %dma_start3A_695 = tpu.memref_squeeze %dma_start3A_694 : memref<1x80xi32, #tpu.memory_space<vmem>> -> memref<80xi32, #tpu.memory_space<vmem>>
        %dma_start3A_696 = arith.constant 0 : i32
        %dma_start3A_697 = arith.constant 0 : i32
        %dma_start3A_698 = tpu.memref_slice %arg3[%dma_start3A_696, %dma_start3A_697] : memref<1000000x64xf32, #tpu.memory_space<hbm>> -> memref<1000000x64xf32, #tpu.memory_space<hbm>>
        %dma_start3A_699 = tpu.memref_slice %arg10[%dma_start3A_688] : memref<8x!tpu.dma_semaphore, #tpu.memory_space<semaphore_mem>> -> memref<1x!tpu.dma_semaphore, #tpu.memory_space<semaphore_mem>>
        %dma_start3A_700 = tpu.memref_squeeze %dma_start3A_699 : memref<1x!tpu.dma_semaphore, #tpu.memory_space<semaphore_mem>> -> memref<!tpu.dma_semaphore, #tpu.memory_space<semaphore_mem>>
        tpu.enqueue_indirect_dma source(%dma_start3A_698 : memref<1000000x64xf32, #tpu.memory_space<hbm>>) target(%dma_start3A_692 : memref<80x64xf32, #tpu.memory_space<vmem>>) offsets(%dma_start3A_695 : memref<80xi32, #tpu.memory_space<vmem>>) semaphore(%dma_start3A_700 : memref<!tpu.dma_semaphore, #tpu.memory_space<semaphore_mem>>)
      } else {
      }
      %add3A_355 = arith.constant 0 : i32
      %add3A_356 = arith.addi %mul3A_212, %add3A_355 : i32
      %add3A_357 = arith.constant 2 : i32
      %add3A_358 = arith.addi %add3A_356, %add3A_357 : i32
      %add3A_359 = arith.addi %mul3A_2, %add3A_358 : i32
      %dma_start3A_360 = arith.constant 2 : i32
      %dma_start3A_361 = arith.constant 2 : i32
      %dma_start3A_362 = arith.constant 0 : i32
      %dma_start3A_363 = arith.constant 0 : i32
      %dma_start3A_364 = tpu.memref_slice %arg9[%dma_start3A_360, %dma_start3A_362, %dma_start3A_363] : memref<4x40x128xf32, #tpu.memory_space<vmem>> -> memref<1x40x128xf32, #tpu.memory_space<vmem>>
      %dma_start3A_365 = tpu.memref_squeeze %dma_start3A_364 : memref<1x40x128xf32, #tpu.memory_space<vmem>> -> memref<40x128xf32, #tpu.memory_space<vmem>>
      %dma_start3A_366 = arith.constant 0 : i32
      %dma_start3A_367 = arith.constant 0 : i32
      %dma_start3A_368 = tpu.memref_slice %arg5[%add3A_359, %dma_start3A_366, %dma_start3A_367] : memref<4096x40x128xf32, #tpu.memory_space<hbm>> -> memref<1x40x128xf32, #tpu.memory_space<hbm>>
      %dma_start3A_369 = tpu.memref_squeeze %dma_start3A_368 : memref<1x40x128xf32, #tpu.memory_space<hbm>> -> memref<40x128xf32, #tpu.memory_space<hbm>>
      %dma_start3A_370 = tpu.memref_slice %arg11[%dma_start3A_361] : memref<4x!tpu.dma_semaphore, #tpu.memory_space<semaphore_mem>> -> memref<1x!tpu.dma_semaphore, #tpu.memory_space<semaphore_mem>>
      %dma_start3A_371 = tpu.memref_squeeze %dma_start3A_370 : memref<1x!tpu.dma_semaphore, #tpu.memory_space<semaphore_mem>> -> memref<!tpu.dma_semaphore, #tpu.memory_space<semaphore_mem>>
      %dma_start3A_372 = arith.constant 0 : i32
      %dma_start3A_373 = arith.constant 0 : i32
      %dma_start3A_374 = tpu.memref_slice %arg5[%add3A_359, %dma_start3A_372, %dma_start3A_373] : memref<4096x40x128xf32, #tpu.memory_space<hbm>> -> memref<1x40x128xf32, #tpu.memory_space<hbm>>
      %dma_start3A_375 = tpu.memref_squeeze %dma_start3A_374 : memref<1x40x128xf32, #tpu.memory_space<hbm>> -> memref<40x128xf32, #tpu.memory_space<hbm>>
      %dma_start3A_376 = arith.constant 0 : i32
      %dma_start3A_377 = arith.constant 0 : i32
      %dma_start3A_378 = tpu.memref_slice %arg9[%dma_start3A_360, %dma_start3A_376, %dma_start3A_377] : memref<4x40x128xf32, #tpu.memory_space<vmem>> -> memref<1x40x128xf32, #tpu.memory_space<vmem>>
      %dma_start3A_379 = tpu.memref_squeeze %dma_start3A_378 : memref<1x40x128xf32, #tpu.memory_space<vmem>> -> memref<40x128xf32, #tpu.memory_space<vmem>>
      tpu.enqueue_dma source(%dma_start3A_379 : memref<40x128xf32, #tpu.memory_space<vmem>>) target(%dma_start3A_375 : memref<40x128xf32, #tpu.memory_space<hbm>>) target_semaphore(%dma_start3A_371 : memref<!tpu.dma_semaphore, #tpu.memory_space<semaphore_mem>>)
      %lt3A_380 = arith.constant 15 : i32
      %lt3A_381 = arith.cmpi slt, %scan3A_210, %lt3A_380 : i32
      %convert_element_type3A_382 = arith.extui %lt3A_381 : i1 to i32
      %cond3A_383 = arith.constant 0 : i32
      %cond3A_384 = arith.cmpi ne, %convert_element_type3A_382, %cond3A_383 : i32
      scf.if %cond3A_384 {
        %add3A_685 = arith.constant 8 : i32
        %add3A_686 = arith.addi %add3A_358, %add3A_685 : i32
        %dma_start3A_687 = arith.constant 2 : i32
        %dma_start3A_688 = arith.constant 2 : i32
        %dma_start3A_689 = arith.constant 0 : i32
        %dma_start3A_690 = arith.constant 0 : i32
        %dma_start3A_691 = tpu.memref_slice %arg8[%dma_start3A_687, %dma_start3A_689, %dma_start3A_690] : memref<8x80x64xf32, #tpu.memory_space<vmem>> -> memref<1x80x64xf32, #tpu.memory_space<vmem>>
        %dma_start3A_692 = tpu.memref_squeeze %dma_start3A_691 : memref<1x80x64xf32, #tpu.memory_space<vmem>> -> memref<80x64xf32, #tpu.memory_space<vmem>>
        %dma_start3A_693 = arith.constant 0 : i32
        %dma_start3A_694 = tpu.memref_slice %arg6[%add3A_686, %dma_start3A_693] : memref<128x80xi32, #tpu.memory_space<vmem>> -> memref<1x80xi32, #tpu.memory_space<vmem>>
        %dma_start3A_695 = tpu.memref_squeeze %dma_start3A_694 : memref<1x80xi32, #tpu.memory_space<vmem>> -> memref<80xi32, #tpu.memory_space<vmem>>
        %dma_start3A_696 = arith.constant 0 : i32
        %dma_start3A_697 = arith.constant 0 : i32
        %dma_start3A_698 = tpu.memref_slice %arg3[%dma_start3A_696, %dma_start3A_697] : memref<1000000x64xf32, #tpu.memory_space<hbm>> -> memref<1000000x64xf32, #tpu.memory_space<hbm>>
        %dma_start3A_699 = tpu.memref_slice %arg10[%dma_start3A_688] : memref<8x!tpu.dma_semaphore, #tpu.memory_space<semaphore_mem>> -> memref<1x!tpu.dma_semaphore, #tpu.memory_space<semaphore_mem>>
        %dma_start3A_700 = tpu.memref_squeeze %dma_start3A_699 : memref<1x!tpu.dma_semaphore, #tpu.memory_space<semaphore_mem>> -> memref<!tpu.dma_semaphore, #tpu.memory_space<semaphore_mem>>
        tpu.enqueue_indirect_dma source(%dma_start3A_698 : memref<1000000x64xf32, #tpu.memory_space<hbm>>) target(%dma_start3A_692 : memref<80x64xf32, #tpu.memory_space<vmem>>) offsets(%dma_start3A_695 : memref<80xi32, #tpu.memory_space<vmem>>) semaphore(%dma_start3A_700 : memref<!tpu.dma_semaphore, #tpu.memory_space<semaphore_mem>>)
      } else {
      }
      %add3A_385 = arith.constant 0 : i32
      %add3A_386 = arith.addi %mul3A_212, %add3A_385 : i32
      %add3A_387 = arith.constant 3 : i32
      %add3A_388 = arith.addi %add3A_386, %add3A_387 : i32
      %add3A_389 = arith.addi %mul3A_2, %add3A_388 : i32
      %dma_start3A_390 = arith.constant 3 : i32
      %dma_start3A_391 = arith.constant 3 : i32
      %dma_start3A_392 = arith.constant 0 : i32
      %dma_start3A_393 = arith.constant 0 : i32
      %dma_start3A_394 = tpu.memref_slice %arg9[%dma_start3A_390, %dma_start3A_392, %dma_start3A_393] : memref<4x40x128xf32, #tpu.memory_space<vmem>> -> memref<1x40x128xf32, #tpu.memory_space<vmem>>
      %dma_start3A_395 = tpu.memref_squeeze %dma_start3A_394 : memref<1x40x128xf32, #tpu.memory_space<vmem>> -> memref<40x128xf32, #tpu.memory_space<vmem>>
      %dma_start3A_396 = arith.constant 0 : i32
      %dma_start3A_397 = arith.constant 0 : i32
      %dma_start3A_398 = tpu.memref_slice %arg5[%add3A_389, %dma_start3A_396, %dma_start3A_397] : memref<4096x40x128xf32, #tpu.memory_space<hbm>> -> memref<1x40x128xf32, #tpu.memory_space<hbm>>
      %dma_start3A_399 = tpu.memref_squeeze %dma_start3A_398 : memref<1x40x128xf32, #tpu.memory_space<hbm>> -> memref<40x128xf32, #tpu.memory_space<hbm>>
      %dma_start3A_400 = tpu.memref_slice %arg11[%dma_start3A_391] : memref<4x!tpu.dma_semaphore, #tpu.memory_space<semaphore_mem>> -> memref<1x!tpu.dma_semaphore, #tpu.memory_space<semaphore_mem>>
      %dma_start3A_401 = tpu.memref_squeeze %dma_start3A_400 : memref<1x!tpu.dma_semaphore, #tpu.memory_space<semaphore_mem>> -> memref<!tpu.dma_semaphore, #tpu.memory_space<semaphore_mem>>
      %dma_start3A_402 = arith.constant 0 : i32
      %dma_start3A_403 = arith.constant 0 : i32
      %dma_start3A_404 = tpu.memref_slice %arg5[%add3A_389, %dma_start3A_402, %dma_start3A_403] : memref<4096x40x128xf32, #tpu.memory_space<hbm>> -> memref<1x40x128xf32, #tpu.memory_space<hbm>>
      %dma_start3A_405 = tpu.memref_squeeze %dma_start3A_404 : memref<1x40x128xf32, #tpu.memory_space<hbm>> -> memref<40x128xf32, #tpu.memory_space<hbm>>
      %dma_start3A_406 = arith.constant 0 : i32
      %dma_start3A_407 = arith.constant 0 : i32
      %dma_start3A_408 = tpu.memref_slice %arg9[%dma_start3A_390, %dma_start3A_406, %dma_start3A_407] : memref<4x40x128xf32, #tpu.memory_space<vmem>> -> memref<1x40x128xf32, #tpu.memory_space<vmem>>
      %dma_start3A_409 = tpu.memref_squeeze %dma_start3A_408 : memref<1x40x128xf32, #tpu.memory_space<vmem>> -> memref<40x128xf32, #tpu.memory_space<vmem>>
      tpu.enqueue_dma source(%dma_start3A_409 : memref<40x128xf32, #tpu.memory_space<vmem>>) target(%dma_start3A_405 : memref<40x128xf32, #tpu.memory_space<hbm>>) target_semaphore(%dma_start3A_401 : memref<!tpu.dma_semaphore, #tpu.memory_space<semaphore_mem>>)
      %lt3A_410 = arith.constant 15 : i32
      %lt3A_411 = arith.cmpi slt, %scan3A_210, %lt3A_410 : i32
      %convert_element_type3A_412 = arith.extui %lt3A_411 : i1 to i32
      %cond3A_413 = arith.constant 0 : i32
      %cond3A_414 = arith.cmpi ne, %convert_element_type3A_412, %cond3A_413 : i32
      scf.if %cond3A_414 {
        %add3A_685 = arith.constant 8 : i32
        %add3A_686 = arith.addi %add3A_388, %add3A_685 : i32
        %dma_start3A_687 = arith.constant 3 : i32
        %dma_start3A_688 = arith.constant 3 : i32
        %dma_start3A_689 = arith.constant 0 : i32
        %dma_start3A_690 = arith.constant 0 : i32
        %dma_start3A_691 = tpu.memref_slice %arg8[%dma_start3A_687, %dma_start3A_689, %dma_start3A_690] : memref<8x80x64xf32, #tpu.memory_space<vmem>> -> memref<1x80x64xf32, #tpu.memory_space<vmem>>
        %dma_start3A_692 = tpu.memref_squeeze %dma_start3A_691 : memref<1x80x64xf32, #tpu.memory_space<vmem>> -> memref<80x64xf32, #tpu.memory_space<vmem>>
        %dma_start3A_693 = arith.constant 0 : i32
        %dma_start3A_694 = tpu.memref_slice %arg6[%add3A_686, %dma_start3A_693] : memref<128x80xi32, #tpu.memory_space<vmem>> -> memref<1x80xi32, #tpu.memory_space<vmem>>
        %dma_start3A_695 = tpu.memref_squeeze %dma_start3A_694 : memref<1x80xi32, #tpu.memory_space<vmem>> -> memref<80xi32, #tpu.memory_space<vmem>>
        %dma_start3A_696 = arith.constant 0 : i32
        %dma_start3A_697 = arith.constant 0 : i32
        %dma_start3A_698 = tpu.memref_slice %arg3[%dma_start3A_696, %dma_start3A_697] : memref<1000000x64xf32, #tpu.memory_space<hbm>> -> memref<1000000x64xf32, #tpu.memory_space<hbm>>
        %dma_start3A_699 = tpu.memref_slice %arg10[%dma_start3A_688] : memref<8x!tpu.dma_semaphore, #tpu.memory_space<semaphore_mem>> -> memref<1x!tpu.dma_semaphore, #tpu.memory_space<semaphore_mem>>
        %dma_start3A_700 = tpu.memref_squeeze %dma_start3A_699 : memref<1x!tpu.dma_semaphore, #tpu.memory_space<semaphore_mem>> -> memref<!tpu.dma_semaphore, #tpu.memory_space<semaphore_mem>>
        tpu.enqueue_indirect_dma source(%dma_start3A_698 : memref<1000000x64xf32, #tpu.memory_space<hbm>>) target(%dma_start3A_692 : memref<80x64xf32, #tpu.memory_space<vmem>>) offsets(%dma_start3A_695 : memref<80xi32, #tpu.memory_space<vmem>>) semaphore(%dma_start3A_700 : memref<!tpu.dma_semaphore, #tpu.memory_space<semaphore_mem>>)
      } else {
      }
      %dma_wait3A_415 = arith.constant 0 : i32
      %dma_wait3A_416 = arith.constant 4 : i32
      %dma_wait3A_417 = arith.constant 4 : i32
      %dma_wait3A_418 = arith.constant 0 : i32
      %dma_wait3A_419 = arith.constant 0 : i32
      %dma_wait3A_420 = tpu.memref_slice %arg8[%dma_wait3A_416, %dma_wait3A_418, %dma_wait3A_419] : memref<8x80x64xf32, #tpu.memory_space<vmem>> -> memref<1x80x64xf32, #tpu.memory_space<vmem>>
      %dma_wait3A_421 = tpu.memref_squeeze %dma_wait3A_420 : memref<1x80x64xf32, #tpu.memory_space<vmem>> -> memref<80x64xf32, #tpu.memory_space<vmem>>
      %dma_wait3A_422 = arith.constant 0 : i32
      %dma_wait3A_423 = tpu.memref_slice %arg6[%dma_wait3A_415, %dma_wait3A_422] : memref<128x80xi32, #tpu.memory_space<vmem>> -> memref<1x80xi32, #tpu.memory_space<vmem>>
      %dma_wait3A_424 = tpu.memref_squeeze %dma_wait3A_423 : memref<1x80xi32, #tpu.memory_space<vmem>> -> memref<80xi32, #tpu.memory_space<vmem>>
      %dma_wait3A_425 = arith.constant 0 : i32
      %dma_wait3A_426 = arith.constant 0 : i32
      %dma_wait3A_427 = tpu.memref_slice %arg3[%dma_wait3A_425, %dma_wait3A_426] : memref<1000000x64xf32, #tpu.memory_space<hbm>> -> memref<1000000x64xf32, #tpu.memory_space<hbm>>
      %dma_wait3A_428 = tpu.memref_slice %arg10[%dma_wait3A_417] : memref<8x!tpu.dma_semaphore, #tpu.memory_space<semaphore_mem>> -> memref<1x!tpu.dma_semaphore, #tpu.memory_space<semaphore_mem>>
      %dma_wait3A_429 = tpu.memref_squeeze %dma_wait3A_428 : memref<1x!tpu.dma_semaphore, #tpu.memory_space<semaphore_mem>> -> memref<!tpu.dma_semaphore, #tpu.memory_space<semaphore_mem>>
      tpu.wait_indirect_dma semaphore(%dma_wait3A_429 : memref<!tpu.dma_semaphore, #tpu.memory_space<semaphore_mem>>) src(%dma_wait3A_427 : memref<1000000x64xf32, #tpu.memory_space<hbm>>) dst(%dma_wait3A_421 : memref<80x64xf32, #tpu.memory_space<vmem>>)
      %dma_wait3A_430 = arith.constant 0 : i32
      %dma_wait3A_431 = arith.constant 0 : i32
      %dma_wait3A_432 = arith.constant 0 : i32
      %dma_wait3A_433 = arith.constant 0 : i32
      %dma_wait3A_434 = arith.constant 0 : i32
      %dma_wait3A_435 = tpu.memref_slice %arg9[%dma_wait3A_430, %dma_wait3A_433, %dma_wait3A_434] : memref<4x40x128xf32, #tpu.memory_space<vmem>> -> memref<1x40x128xf32, #tpu.memory_space<vmem>>
      %dma_wait3A_436 = tpu.memref_squeeze %dma_wait3A_435 : memref<1x40x128xf32, #tpu.memory_space<vmem>> -> memref<40x128xf32, #tpu.memory_space<vmem>>
      %dma_wait3A_437 = arith.constant 0 : i32
      %dma_wait3A_438 = arith.constant 0 : i32
      %dma_wait3A_439 = tpu.memref_slice %arg5[%dma_wait3A_431, %dma_wait3A_437, %dma_wait3A_438] : memref<4096x40x128xf32, #tpu.memory_space<hbm>> -> memref<1x40x128xf32, #tpu.memory_space<hbm>>
      %dma_wait3A_440 = tpu.memref_squeeze %dma_wait3A_439 : memref<1x40x128xf32, #tpu.memory_space<hbm>> -> memref<40x128xf32, #tpu.memory_space<hbm>>
      %dma_wait3A_441 = tpu.memref_slice %arg11[%dma_wait3A_432] : memref<4x!tpu.dma_semaphore, #tpu.memory_space<semaphore_mem>> -> memref<1x!tpu.dma_semaphore, #tpu.memory_space<semaphore_mem>>
      %dma_wait3A_442 = tpu.memref_squeeze %dma_wait3A_441 : memref<1x!tpu.dma_semaphore, #tpu.memory_space<semaphore_mem>> -> memref<!tpu.dma_semaphore, #tpu.memory_space<semaphore_mem>>
      %dma_wait3A_443 = arith.constant 0 : i32
      %dma_wait3A_444 = arith.constant 0 : i32
      %dma_wait3A_445 = tpu.memref_slice %arg5[%dma_wait3A_431, %dma_wait3A_443, %dma_wait3A_444] : memref<4096x40x128xf32, #tpu.memory_space<hbm>> -> memref<1x40x128xf32, #tpu.memory_space<hbm>>
      %dma_wait3A_446 = tpu.memref_squeeze %dma_wait3A_445 : memref<1x40x128xf32, #tpu.memory_space<hbm>> -> memref<40x128xf32, #tpu.memory_space<hbm>>
      %dma_wait3A_447 = arith.constant 0 : i32
      %dma_wait3A_448 = arith.constant 0 : i32
      %dma_wait3A_449 = tpu.memref_slice %arg9[%dma_wait3A_430, %dma_wait3A_447, %dma_wait3A_448] : memref<4x40x128xf32, #tpu.memory_space<vmem>> -> memref<1x40x128xf32, #tpu.memory_space<vmem>>
      %dma_wait3A_450 = tpu.memref_squeeze %dma_wait3A_449 : memref<1x40x128xf32, #tpu.memory_space<vmem>> -> memref<40x128xf32, #tpu.memory_space<vmem>>
      tpu.wait_dma2 semaphore(%dma_wait3A_442 : memref<!tpu.dma_semaphore, #tpu.memory_space<semaphore_mem>>) src(%dma_wait3A_450 : memref<40x128xf32, #tpu.memory_space<vmem>>) dst(%dma_wait3A_446 : memref<40x128xf32, #tpu.memory_space<hbm>>)
      %dma_wait3A_451 = arith.constant 0 : i32
      %dma_wait3A_452 = arith.constant 5 : i32
      %dma_wait3A_453 = arith.constant 5 : i32
      %dma_wait3A_454 = arith.constant 0 : i32
      %dma_wait3A_455 = arith.constant 0 : i32
      %dma_wait3A_456 = tpu.memref_slice %arg8[%dma_wait3A_452, %dma_wait3A_454, %dma_wait3A_455] : memref<8x80x64xf32, #tpu.memory_space<vmem>> -> memref<1x80x64xf32, #tpu.memory_space<vmem>>
      %dma_wait3A_457 = tpu.memref_squeeze %dma_wait3A_456 : memref<1x80x64xf32, #tpu.memory_space<vmem>> -> memref<80x64xf32, #tpu.memory_space<vmem>>
      %dma_wait3A_458 = arith.constant 0 : i32
      %dma_wait3A_459 = tpu.memref_slice %arg6[%dma_wait3A_451, %dma_wait3A_458] : memref<128x80xi32, #tpu.memory_space<vmem>> -> memref<1x80xi32, #tpu.memory_space<vmem>>
      %dma_wait3A_460 = tpu.memref_squeeze %dma_wait3A_459 : memref<1x80xi32, #tpu.memory_space<vmem>> -> memref<80xi32, #tpu.memory_space<vmem>>
      %dma_wait3A_461 = arith.constant 0 : i32
      %dma_wait3A_462 = arith.constant 0 : i32
      %dma_wait3A_463 = tpu.memref_slice %arg3[%dma_wait3A_461, %dma_wait3A_462] : memref<1000000x64xf32, #tpu.memory_space<hbm>> -> memref<1000000x64xf32, #tpu.memory_space<hbm>>
      %dma_wait3A_464 = tpu.memref_slice %arg10[%dma_wait3A_453] : memref<8x!tpu.dma_semaphore, #tpu.memory_space<semaphore_mem>> -> memref<1x!tpu.dma_semaphore, #tpu.memory_space<semaphore_mem>>
      %dma_wait3A_465 = tpu.memref_squeeze %dma_wait3A_464 : memref<1x!tpu.dma_semaphore, #tpu.memory_space<semaphore_mem>> -> memref<!tpu.dma_semaphore, #tpu.memory_space<semaphore_mem>>
      tpu.wait_indirect_dma semaphore(%dma_wait3A_465 : memref<!tpu.dma_semaphore, #tpu.memory_space<semaphore_mem>>) src(%dma_wait3A_463 : memref<1000000x64xf32, #tpu.memory_space<hbm>>) dst(%dma_wait3A_457 : memref<80x64xf32, #tpu.memory_space<vmem>>)
      %dma_wait3A_466 = arith.constant 1 : i32
      %dma_wait3A_467 = arith.constant 0 : i32
      %dma_wait3A_468 = arith.constant 1 : i32
      %dma_wait3A_469 = arith.constant 0 : i32
      %dma_wait3A_470 = arith.constant 0 : i32
      %dma_wait3A_471 = tpu.memref_slice %arg9[%dma_wait3A_466, %dma_wait3A_469, %dma_wait3A_470] : memref<4x40x128xf32, #tpu.memory_space<vmem>> -> memref<1x40x128xf32, #tpu.memory_space<vmem>>
      %dma_wait3A_472 = tpu.memref_squeeze %dma_wait3A_471 : memref<1x40x128xf32, #tpu.memory_space<vmem>> -> memref<40x128xf32, #tpu.memory_space<vmem>>
      %dma_wait3A_473 = arith.constant 0 : i32
      %dma_wait3A_474 = arith.constant 0 : i32
      %dma_wait3A_475 = tpu.memref_slice %arg5[%dma_wait3A_467, %dma_wait3A_473, %dma_wait3A_474] : memref<4096x40x128xf32, #tpu.memory_space<hbm>> -> memref<1x40x128xf32, #tpu.memory_space<hbm>>
      %dma_wait3A_476 = tpu.memref_squeeze %dma_wait3A_475 : memref<1x40x128xf32, #tpu.memory_space<hbm>> -> memref<40x128xf32, #tpu.memory_space<hbm>>
      %dma_wait3A_477 = tpu.memref_slice %arg11[%dma_wait3A_468] : memref<4x!tpu.dma_semaphore, #tpu.memory_space<semaphore_mem>> -> memref<1x!tpu.dma_semaphore, #tpu.memory_space<semaphore_mem>>
      %dma_wait3A_478 = tpu.memref_squeeze %dma_wait3A_477 : memref<1x!tpu.dma_semaphore, #tpu.memory_space<semaphore_mem>> -> memref<!tpu.dma_semaphore, #tpu.memory_space<semaphore_mem>>
      %dma_wait3A_479 = arith.constant 0 : i32
      %dma_wait3A_480 = arith.constant 0 : i32
      %dma_wait3A_481 = tpu.memref_slice %arg5[%dma_wait3A_467, %dma_wait3A_479, %dma_wait3A_480] : memref<4096x40x128xf32, #tpu.memory_space<hbm>> -> memref<1x40x128xf32, #tpu.memory_space<hbm>>
      %dma_wait3A_482 = tpu.memref_squeeze %dma_wait3A_481 : memref<1x40x128xf32, #tpu.memory_space<hbm>> -> memref<40x128xf32, #tpu.memory_space<hbm>>
      %dma_wait3A_483 = arith.constant 0 : i32
      %dma_wait3A_484 = arith.constant 0 : i32
      %dma_wait3A_485 = tpu.memref_slice %arg9[%dma_wait3A_466, %dma_wait3A_483, %dma_wait3A_484] : memref<4x40x128xf32, #tpu.memory_space<vmem>> -> memref<1x40x128xf32, #tpu.memory_space<vmem>>
      %dma_wait3A_486 = tpu.memref_squeeze %dma_wait3A_485 : memref<1x40x128xf32, #tpu.memory_space<vmem>> -> memref<40x128xf32, #tpu.memory_space<vmem>>
      tpu.wait_dma2 semaphore(%dma_wait3A_478 : memref<!tpu.dma_semaphore, #tpu.memory_space<semaphore_mem>>) src(%dma_wait3A_486 : memref<40x128xf32, #tpu.memory_space<vmem>>) dst(%dma_wait3A_482 : memref<40x128xf32, #tpu.memory_space<hbm>>)
      %dma_wait3A_487 = arith.constant 0 : i32
      %dma_wait3A_488 = arith.constant 6 : i32
      %dma_wait3A_489 = arith.constant 6 : i32
      %dma_wait3A_490 = arith.constant 0 : i32
      %dma_wait3A_491 = arith.constant 0 : i32
      %dma_wait3A_492 = tpu.memref_slice %arg8[%dma_wait3A_488, %dma_wait3A_490, %dma_wait3A_491] : memref<8x80x64xf32, #tpu.memory_space<vmem>> -> memref<1x80x64xf32, #tpu.memory_space<vmem>>
      %dma_wait3A_493 = tpu.memref_squeeze %dma_wait3A_492 : memref<1x80x64xf32, #tpu.memory_space<vmem>> -> memref<80x64xf32, #tpu.memory_space<vmem>>
      %dma_wait3A_494 = arith.constant 0 : i32
      %dma_wait3A_495 = tpu.memref_slice %arg6[%dma_wait3A_487, %dma_wait3A_494] : memref<128x80xi32, #tpu.memory_space<vmem>> -> memref<1x80xi32, #tpu.memory_space<vmem>>
      %dma_wait3A_496 = tpu.memref_squeeze %dma_wait3A_495 : memref<1x80xi32, #tpu.memory_space<vmem>> -> memref<80xi32, #tpu.memory_space<vmem>>
      %dma_wait3A_497 = arith.constant 0 : i32
      %dma_wait3A_498 = arith.constant 0 : i32
      %dma_wait3A_499 = tpu.memref_slice %arg3[%dma_wait3A_497, %dma_wait3A_498] : memref<1000000x64xf32, #tpu.memory_space<hbm>> -> memref<1000000x64xf32, #tpu.memory_space<hbm>>
      %dma_wait3A_500 = tpu.memref_slice %arg10[%dma_wait3A_489] : memref<8x!tpu.dma_semaphore, #tpu.memory_space<semaphore_mem>> -> memref<1x!tpu.dma_semaphore, #tpu.memory_space<semaphore_mem>>
      %dma_wait3A_501 = tpu.memref_squeeze %dma_wait3A_500 : memref<1x!tpu.dma_semaphore, #tpu.memory_space<semaphore_mem>> -> memref<!tpu.dma_semaphore, #tpu.memory_space<semaphore_mem>>
      tpu.wait_indirect_dma semaphore(%dma_wait3A_501 : memref<!tpu.dma_semaphore, #tpu.memory_space<semaphore_mem>>) src(%dma_wait3A_499 : memref<1000000x64xf32, #tpu.memory_space<hbm>>) dst(%dma_wait3A_493 : memref<80x64xf32, #tpu.memory_space<vmem>>)
      %dma_wait3A_502 = arith.constant 2 : i32
      %dma_wait3A_503 = arith.constant 0 : i32
      %dma_wait3A_504 = arith.constant 2 : i32
      %dma_wait3A_505 = arith.constant 0 : i32
      %dma_wait3A_506 = arith.constant 0 : i32
      %dma_wait3A_507 = tpu.memref_slice %arg9[%dma_wait3A_502, %dma_wait3A_505, %dma_wait3A_506] : memref<4x40x128xf32, #tpu.memory_space<vmem>> -> memref<1x40x128xf32, #tpu.memory_space<vmem>>
      %dma_wait3A_508 = tpu.memref_squeeze %dma_wait3A_507 : memref<1x40x128xf32, #tpu.memory_space<vmem>> -> memref<40x128xf32, #tpu.memory_space<vmem>>
      %dma_wait3A_509 = arith.constant 0 : i32
      %dma_wait3A_510 = arith.constant 0 : i32
      %dma_wait3A_511 = tpu.memref_slice %arg5[%dma_wait3A_503, %dma_wait3A_509, %dma_wait3A_510] : memref<4096x40x128xf32, #tpu.memory_space<hbm>> -> memref<1x40x128xf32, #tpu.memory_space<hbm>>
      %dma_wait3A_512 = tpu.memref_squeeze %dma_wait3A_511 : memref<1x40x128xf32, #tpu.memory_space<hbm>> -> memref<40x128xf32, #tpu.memory_space<hbm>>
      %dma_wait3A_513 = tpu.memref_slice %arg11[%dma_wait3A_504] : memref<4x!tpu.dma_semaphore, #tpu.memory_space<semaphore_mem>> -> memref<1x!tpu.dma_semaphore, #tpu.memory_space<semaphore_mem>>
      %dma_wait3A_514 = tpu.memref_squeeze %dma_wait3A_513 : memref<1x!tpu.dma_semaphore, #tpu.memory_space<semaphore_mem>> -> memref<!tpu.dma_semaphore, #tpu.memory_space<semaphore_mem>>
      %dma_wait3A_515 = arith.constant 0 : i32
      %dma_wait3A_516 = arith.constant 0 : i32
      %dma_wait3A_517 = tpu.memref_slice %arg5[%dma_wait3A_503, %dma_wait3A_515, %dma_wait3A_516] : memref<4096x40x128xf32, #tpu.memory_space<hbm>> -> memref<1x40x128xf32, #tpu.memory_space<hbm>>
      %dma_wait3A_518 = tpu.memref_squeeze %dma_wait3A_517 : memref<1x40x128xf32, #tpu.memory_space<hbm>> -> memref<40x128xf32, #tpu.memory_space<hbm>>
      %dma_wait3A_519 = arith.constant 0 : i32
      %dma_wait3A_520 = arith.constant 0 : i32
      %dma_wait3A_521 = tpu.memref_slice %arg9[%dma_wait3A_502, %dma_wait3A_519, %dma_wait3A_520] : memref<4x40x128xf32, #tpu.memory_space<vmem>> -> memref<1x40x128xf32, #tpu.memory_space<vmem>>
      %dma_wait3A_522 = tpu.memref_squeeze %dma_wait3A_521 : memref<1x40x128xf32, #tpu.memory_space<vmem>> -> memref<40x128xf32, #tpu.memory_space<vmem>>
      tpu.wait_dma2 semaphore(%dma_wait3A_514 : memref<!tpu.dma_semaphore, #tpu.memory_space<semaphore_mem>>) src(%dma_wait3A_522 : memref<40x128xf32, #tpu.memory_space<vmem>>) dst(%dma_wait3A_518 : memref<40x128xf32, #tpu.memory_space<hbm>>)
      %dma_wait3A_523 = arith.constant 0 : i32
      %dma_wait3A_524 = arith.constant 7 : i32
      %dma_wait3A_525 = arith.constant 7 : i32
      %dma_wait3A_526 = arith.constant 0 : i32
      %dma_wait3A_527 = arith.constant 0 : i32
      %dma_wait3A_528 = tpu.memref_slice %arg8[%dma_wait3A_524, %dma_wait3A_526, %dma_wait3A_527] : memref<8x80x64xf32, #tpu.memory_space<vmem>> -> memref<1x80x64xf32, #tpu.memory_space<vmem>>
      %dma_wait3A_529 = tpu.memref_squeeze %dma_wait3A_528 : memref<1x80x64xf32, #tpu.memory_space<vmem>> -> memref<80x64xf32, #tpu.memory_space<vmem>>
      %dma_wait3A_530 = arith.constant 0 : i32
      %dma_wait3A_531 = tpu.memref_slice %arg6[%dma_wait3A_523, %dma_wait3A_530] : memref<128x80xi32, #tpu.memory_space<vmem>> -> memref<1x80xi32, #tpu.memory_space<vmem>>
      %dma_wait3A_532 = tpu.memref_squeeze %dma_wait3A_531 : memref<1x80xi32, #tpu.memory_space<vmem>> -> memref<80xi32, #tpu.memory_space<vmem>>
      %dma_wait3A_533 = arith.constant 0 : i32
      %dma_wait3A_534 = arith.constant 0 : i32
      %dma_wait3A_535 = tpu.memref_slice %arg3[%dma_wait3A_533, %dma_wait3A_534] : memref<1000000x64xf32, #tpu.memory_space<hbm>> -> memref<1000000x64xf32, #tpu.memory_space<hbm>>
      %dma_wait3A_536 = tpu.memref_slice %arg10[%dma_wait3A_525] : memref<8x!tpu.dma_semaphore, #tpu.memory_space<semaphore_mem>> -> memref<1x!tpu.dma_semaphore, #tpu.memory_space<semaphore_mem>>
      %dma_wait3A_537 = tpu.memref_squeeze %dma_wait3A_536 : memref<1x!tpu.dma_semaphore, #tpu.memory_space<semaphore_mem>> -> memref<!tpu.dma_semaphore, #tpu.memory_space<semaphore_mem>>
      tpu.wait_indirect_dma semaphore(%dma_wait3A_537 : memref<!tpu.dma_semaphore, #tpu.memory_space<semaphore_mem>>) src(%dma_wait3A_535 : memref<1000000x64xf32, #tpu.memory_space<hbm>>) dst(%dma_wait3A_529 : memref<80x64xf32, #tpu.memory_space<vmem>>)
      %dma_wait3A_538 = arith.constant 3 : i32
      %dma_wait3A_539 = arith.constant 0 : i32
      %dma_wait3A_540 = arith.constant 3 : i32
      %dma_wait3A_541 = arith.constant 0 : i32
      %dma_wait3A_542 = arith.constant 0 : i32
      %dma_wait3A_543 = tpu.memref_slice %arg9[%dma_wait3A_538, %dma_wait3A_541, %dma_wait3A_542] : memref<4x40x128xf32, #tpu.memory_space<vmem>> -> memref<1x40x128xf32, #tpu.memory_space<vmem>>
      %dma_wait3A_544 = tpu.memref_squeeze %dma_wait3A_543 : memref<1x40x128xf32, #tpu.memory_space<vmem>> -> memref<40x128xf32, #tpu.memory_space<vmem>>
      %dma_wait3A_545 = arith.constant 0 : i32
      %dma_wait3A_546 = arith.constant 0 : i32
      %dma_wait3A_547 = tpu.memref_slice %arg5[%dma_wait3A_539, %dma_wait3A_545, %dma_wait3A_546] : memref<4096x40x128xf32, #tpu.memory_space<hbm>> -> memref<1x40x128xf32, #tpu.memory_space<hbm>>
      %dma_wait3A_548 = tpu.memref_squeeze %dma_wait3A_547 : memref<1x40x128xf32, #tpu.memory_space<hbm>> -> memref<40x128xf32, #tpu.memory_space<hbm>>
      %dma_wait3A_549 = tpu.memref_slice %arg11[%dma_wait3A_540] : memref<4x!tpu.dma_semaphore, #tpu.memory_space<semaphore_mem>> -> memref<1x!tpu.dma_semaphore, #tpu.memory_space<semaphore_mem>>
      %dma_wait3A_550 = tpu.memref_squeeze %dma_wait3A_549 : memref<1x!tpu.dma_semaphore, #tpu.memory_space<semaphore_mem>> -> memref<!tpu.dma_semaphore, #tpu.memory_space<semaphore_mem>>
      %dma_wait3A_551 = arith.constant 0 : i32
      %dma_wait3A_552 = arith.constant 0 : i32
      %dma_wait3A_553 = tpu.memref_slice %arg5[%dma_wait3A_539, %dma_wait3A_551, %dma_wait3A_552] : memref<4096x40x128xf32, #tpu.memory_space<hbm>> -> memref<1x40x128xf32, #tpu.memory_space<hbm>>
      %dma_wait3A_554 = tpu.memref_squeeze %dma_wait3A_553 : memref<1x40x128xf32, #tpu.memory_space<hbm>> -> memref<40x128xf32, #tpu.memory_space<hbm>>
      %dma_wait3A_555 = arith.constant 0 : i32
      %dma_wait3A_556 = arith.constant 0 : i32
      %dma_wait3A_557 = tpu.memref_slice %arg9[%dma_wait3A_538, %dma_wait3A_555, %dma_wait3A_556] : memref<4x40x128xf32, #tpu.memory_space<vmem>> -> memref<1x40x128xf32, #tpu.memory_space<vmem>>
      %dma_wait3A_558 = tpu.memref_squeeze %dma_wait3A_557 : memref<1x40x128xf32, #tpu.memory_space<vmem>> -> memref<40x128xf32, #tpu.memory_space<vmem>>
      tpu.wait_dma2 semaphore(%dma_wait3A_550 : memref<!tpu.dma_semaphore, #tpu.memory_space<semaphore_mem>>) src(%dma_wait3A_558 : memref<40x128xf32, #tpu.memory_space<vmem>>) dst(%dma_wait3A_554 : memref<40x128xf32, #tpu.memory_space<hbm>>)
      %scan3A_559 = arith.constant 0 : i32
      %scan3A_560 = arith.constant 0 : i32
      %scan3A_561 = arith.constant 40 : i32
      %scan3A_562 = arith.addi %scan3A_560, %scan3A_561 : i32
      %scan3A_563 = arith.constant 1 : i32
      scf.for %scan3A_685 = %scan3A_560 to %scan3A_562 step %scan3A_563  : i32 {
        %mul3A_686 = arith.constant 2 : i32
        %mul3A_687 = arith.muli %scan3A_685, %mul3A_686 : i32
        %add3A_688 = arith.constant 0 : i32
        %add3A_689 = arith.addi %mul3A_687, %add3A_688 : i32
        %get3A = arith.index_cast %add3A_689 : i32 to index
        %get3A_690 = arith.constant 0 : index
        %get3A_691 = tpu.vector_load %arg7[%get3A, %get3A_690] {strides = array<i32>} : memref<80x64xf32, #tpu.memory_space<vmem>>, vector<1x16xf32>,
        %get3A_692 = vector.shape_cast %get3A_691 : vector<1x16xf32> to vector<16xf32>
        %get3A_693 = arith.constant 4 : i32
        %get3A_694 = arith.index_cast %get3A_693 : i32 to index
        %get3A_695 = arith.index_cast %add3A_689 : i32 to index
        %get3A_696 = arith.constant 0 : index
        %get3A_697 = tpu.vector_load %arg8[%get3A_694, %get3A_695, %get3A_696] {strides = array<i32>} : memref<8x80x64xf32, #tpu.memory_space<vmem>>, vector<1x1x16xf32>,
        %get3A_698 = vector.shape_cast %get3A_697 : vector<1x1x16xf32> to vector<16xf32>
        %add3A_699 = arith.addf %get3A_698, %get3A_692 : vector<16xf32>
        %swap3A = arith.constant 0 : i32
        %swap3A_700 = arith.index_cast %swap3A : i32 to index
        %swap3A_701 = arith.index_cast %scan3A_685 : i32 to index
        %swap3A_702 = arith.constant 0 : index
        %swap3A_703 = tpu.vector_load %arg9[%swap3A_700, %swap3A_701, %swap3A_702] {strides = array<i32>} : memref<4x40x128xf32, #tpu.memory_space<vmem>>, vector<1x1x16xf32>,
        %swap3A_704 = vector.shape_cast %swap3A_703 : vector<1x1x16xf32> to vector<16xf32>
        %swap3A_705 = vector.shape_cast %add3A_699 : vector<16xf32> to vector<1x1x16xf32>
        tpu.vector_store %arg9[%swap3A_700, %swap3A_701, %swap3A_702], %swap3A_705 {strides = array<i32>} : memref<4x40x128xf32, #tpu.memory_space<vmem>>, vector<1x1x16xf32>,
        %get3A_706 = arith.constant 5 : i32
        %get3A_707 = arith.index_cast %get3A_706 : i32 to index
        %get3A_708 = arith.index_cast %add3A_689 : i32 to index
        %get3A_709 = arith.constant 0 : index
        %get3A_710 = tpu.vector_load %arg8[%get3A_707, %get3A_708, %get3A_709] {strides = array<i32>} : memref<8x80x64xf32, #tpu.memory_space<vmem>>, vector<1x1x16xf32>,
        %get3A_711 = vector.shape_cast %get3A_710 : vector<1x1x16xf32> to vector<16xf32>
        %add3A_712 = arith.addf %get3A_711, %get3A_692 : vector<16xf32>
        %swap3A_713 = arith.constant 1 : i32
        %swap3A_714 = arith.index_cast %swap3A_713 : i32 to index
        %swap3A_715 = arith.index_cast %scan3A_685 : i32 to index
        %swap3A_716 = arith.constant 0 : index
        %swap3A_717 = tpu.vector_load %arg9[%swap3A_714, %swap3A_715, %swap3A_716] {strides = array<i32>} : memref<4x40x128xf32, #tpu.memory_space<vmem>>, vector<1x1x16xf32>,
        %swap3A_718 = vector.shape_cast %swap3A_717 : vector<1x1x16xf32> to vector<16xf32>
        %swap3A_719 = vector.shape_cast %add3A_712 : vector<16xf32> to vector<1x1x16xf32>
        tpu.vector_store %arg9[%swap3A_714, %swap3A_715, %swap3A_716], %swap3A_719 {strides = array<i32>} : memref<4x40x128xf32, #tpu.memory_space<vmem>>, vector<1x1x16xf32>,
        %get3A_720 = arith.constant 6 : i32
        %get3A_721 = arith.index_cast %get3A_720 : i32 to index
        %get3A_722 = arith.index_cast %add3A_689 : i32 to index
        %get3A_723 = arith.constant 0 : index
        %get3A_724 = tpu.vector_load %arg8[%get3A_721, %get3A_722, %get3A_723] {strides = array<i32>} : memref<8x80x64xf32, #tpu.memory_space<vmem>>, vector<1x1x16xf32>,
        %get3A_725 = vector.shape_cast %get3A_724 : vector<1x1x16xf32> to vector<16xf32>
        %add3A_726 = arith.addf %get3A_725, %get3A_692 : vector<16xf32>
        %swap3A_727 = arith.constant 2 : i32
        %swap3A_728 = arith.index_cast %swap3A_727 : i32 to index
        %swap3A_729 = arith.index_cast %scan3A_685 : i32 to index
        %swap3A_730 = arith.constant 0 : index
        %swap3A_731 = tpu.vector_load %arg9[%swap3A_728, %swap3A_729, %swap3A_730] {strides = array<i32>} : memref<4x40x128xf32, #tpu.memory_space<vmem>>, vector<1x1x16xf32>,
        %swap3A_732 = vector.shape_cast %swap3A_731 : vector<1x1x16xf32> to vector<16xf32>
        %swap3A_733 = vector.shape_cast %add3A_726 : vector<16xf32> to vector<1x1x16xf32>
        tpu.vector_store %arg9[%swap3A_728, %swap3A_729, %swap3A_730], %swap3A_733 {strides = array<i32>} : memref<4x40x128xf32, #tpu.memory_space<vmem>>, vector<1x1x16xf32>,
        %get3A_734 = arith.constant 7 : i32
        %get3A_735 = arith.index_cast %get3A_734 : i32 to index
        %get3A_736 = arith.index_cast %add3A_689 : i32 to index
        %get3A_737 = arith.constant 0 : index
        %get3A_738 = tpu.vector_load %arg8[%get3A_735, %get3A_736, %get3A_737] {strides = array<i32>} : memref<8x80x64xf32, #tpu.memory_space<vmem>>, vector<1x1x16xf32>,
        %get3A_739 = vector.shape_cast %get3A_738 : vector<1x1x16xf32> to vector<16xf32>
        %add3A_740 = arith.addf %get3A_739, %get3A_692 : vector<16xf32>
        %swap3A_741 = arith.constant 3 : i32
        %swap3A_742 = arith.index_cast %swap3A_741 : i32 to index
        %swap3A_743 = arith.index_cast %scan3A_685 : i32 to index
        %swap3A_744 = arith.constant 0 : index
        %swap3A_745 = tpu.vector_load %arg9[%swap3A_742, %swap3A_743, %swap3A_744] {strides = array<i32>} : memref<4x40x128xf32, #tpu.memory_space<vmem>>, vector<1x1x16xf32>,
        %swap3A_746 = vector.shape_cast %swap3A_745 : vector<1x1x16xf32> to vector<16xf32>
        %swap3A_747 = vector.shape_cast %add3A_740 : vector<16xf32> to vector<1x1x16xf32>
        tpu.vector_store %arg9[%swap3A_742, %swap3A_743, %swap3A_744], %swap3A_747 {strides = array<i32>} : memref<4x40x128xf32, #tpu.memory_space<vmem>>, vector<1x1x16xf32>,
        %mul3A_748 = arith.constant 2 : i32
        %mul3A_749 = arith.muli %scan3A_685, %mul3A_748 : i32
        %add3A_750 = arith.constant 0 : i32
        %add3A_751 = arith.addi %mul3A_749, %add3A_750 : i32
        %get3A_752 = arith.index_cast %add3A_751 : i32 to index
        %get3A_753 = arith.constant 16 : index
        %get3A_754 = tpu.vector_load %arg7[%get3A_752, %get3A_753] {strides = array<i32>} : memref<80x64xf32, #tpu.memory_space<vmem>>, vector<1x16xf32>,
        %get3A_755 = vector.shape_cast %get3A_754 : vector<1x16xf32> to vector<16xf32>
        %get3A_756 = arith.constant 4 : i32
        %get3A_757 = arith.index_cast %get3A_756 : i32 to index
        %get3A_758 = arith.index_cast %add3A_751 : i32 to index
        %get3A_759 = arith.constant 16 : index
        %get3A_760 = tpu.vector_load %arg8[%get3A_757, %get3A_758, %get3A_759] {strides = array<i32>} : memref<8x80x64xf32, #tpu.memory_space<vmem>>, vector<1x1x16xf32>,
        %get3A_761 = vector.shape_cast %get3A_760 : vector<1x1x16xf32> to vector<16xf32>
        %add3A_762 = arith.addf %get3A_761, %get3A_755 : vector<16xf32>
        %swap3A_763 = arith.constant 0 : i32
        %swap3A_764 = arith.index_cast %swap3A_763 : i32 to index
        %swap3A_765 = arith.index_cast %scan3A_685 : i32 to index
        %swap3A_766 = arith.constant 16 : index
        %swap3A_767 = tpu.vector_load %arg9[%swap3A_764, %swap3A_765, %swap3A_766] {strides = array<i32>} : memref<4x40x128xf32, #tpu.memory_space<vmem>>, vector<1x1x16xf32>,
        %swap3A_768 = vector.shape_cast %swap3A_767 : vector<1x1x16xf32> to vector<16xf32>
        %swap3A_769 = vector.shape_cast %add3A_762 : vector<16xf32> to vector<1x1x16xf32>
        tpu.vector_store %arg9[%swap3A_764, %swap3A_765, %swap3A_766], %swap3A_769 {strides = array<i32>} : memref<4x40x128xf32, #tpu.memory_space<vmem>>, vector<1x1x16xf32>,
        %get3A_770 = arith.constant 5 : i32
        %get3A_771 = arith.index_cast %get3A_770 : i32 to index
        %get3A_772 = arith.index_cast %add3A_751 : i32 to index
        %get3A_773 = arith.constant 16 : index
        %get3A_774 = tpu.vector_load %arg8[%get3A_771, %get3A_772, %get3A_773] {strides = array<i32>} : memref<8x80x64xf32, #tpu.memory_space<vmem>>, vector<1x1x16xf32>,
        %get3A_775 = vector.shape_cast %get3A_774 : vector<1x1x16xf32> to vector<16xf32>
        %add3A_776 = arith.addf %get3A_775, %get3A_755 : vector<16xf32>
        %swap3A_777 = arith.constant 1 : i32
        %swap3A_778 = arith.index_cast %swap3A_777 : i32 to index
        %swap3A_779 = arith.index_cast %scan3A_685 : i32 to index
        %swap3A_780 = arith.constant 16 : index
        %swap3A_781 = tpu.vector_load %arg9[%swap3A_778, %swap3A_779, %swap3A_780] {strides = array<i32>} : memref<4x40x128xf32, #tpu.memory_space<vmem>>, vector<1x1x16xf32>,
        %swap3A_782 = vector.shape_cast %swap3A_781 : vector<1x1x16xf32> to vector<16xf32>
        %swap3A_783 = vector.shape_cast %add3A_776 : vector<16xf32> to vector<1x1x16xf32>
        tpu.vector_store %arg9[%swap3A_778, %swap3A_779, %swap3A_780], %swap3A_783 {strides = array<i32>} : memref<4x40x128xf32, #tpu.memory_space<vmem>>, vector<1x1x16xf32>,
        %get3A_784 = arith.constant 6 : i32
        %get3A_785 = arith.index_cast %get3A_784 : i32 to index
        %get3A_786 = arith.index_cast %add3A_751 : i32 to index
        %get3A_787 = arith.constant 16 : index
        %get3A_788 = tpu.vector_load %arg8[%get3A_785, %get3A_786, %get3A_787] {strides = array<i32>} : memref<8x80x64xf32, #tpu.memory_space<vmem>>, vector<1x1x16xf32>,
        %get3A_789 = vector.shape_cast %get3A_788 : vector<1x1x16xf32> to vector<16xf32>
        %add3A_790 = arith.addf %get3A_789, %get3A_755 : vector<16xf32>
        %swap3A_791 = arith.constant 2 : i32
        %swap3A_792 = arith.index_cast %swap3A_791 : i32 to index
        %swap3A_793 = arith.index_cast %scan3A_685 : i32 to index
        %swap3A_794 = arith.constant 16 : index
        %swap3A_795 = tpu.vector_load %arg9[%swap3A_792, %swap3A_793, %swap3A_794] {strides = array<i32>} : memref<4x40x128xf32, #tpu.memory_space<vmem>>, vector<1x1x16xf32>,
        %swap3A_796 = vector.shape_cast %swap3A_795 : vector<1x1x16xf32> to vector<16xf32>
        %swap3A_797 = vector.shape_cast %add3A_790 : vector<16xf32> to vector<1x1x16xf32>
        tpu.vector_store %arg9[%swap3A_792, %swap3A_793, %swap3A_794], %swap3A_797 {strides = array<i32>} : memref<4x40x128xf32, #tpu.memory_space<vmem>>, vector<1x1x16xf32>,
        %get3A_798 = arith.constant 7 : i32
        %get3A_799 = arith.index_cast %get3A_798 : i32 to index
        %get3A_800 = arith.index_cast %add3A_751 : i32 to index
        %get3A_801 = arith.constant 16 : index
        %get3A_802 = tpu.vector_load %arg8[%get3A_799, %get3A_800, %get3A_801] {strides = array<i32>} : memref<8x80x64xf32, #tpu.memory_space<vmem>>, vector<1x1x16xf32>,
        %get3A_803 = vector.shape_cast %get3A_802 : vector<1x1x16xf32> to vector<16xf32>
        %add3A_804 = arith.addf %get3A_803, %get3A_755 : vector<16xf32>
        %swap3A_805 = arith.constant 3 : i32
        %swap3A_806 = arith.index_cast %swap3A_805 : i32 to index
        %swap3A_807 = arith.index_cast %scan3A_685 : i32 to index
        %swap3A_808 = arith.constant 16 : index
        %swap3A_809 = tpu.vector_load %arg9[%swap3A_806, %swap3A_807, %swap3A_808] {strides = array<i32>} : memref<4x40x128xf32, #tpu.memory_space<vmem>>, vector<1x1x16xf32>,
        %swap3A_810 = vector.shape_cast %swap3A_809 : vector<1x1x16xf32> to vector<16xf32>
        %swap3A_811 = vector.shape_cast %add3A_804 : vector<16xf32> to vector<1x1x16xf32>
        tpu.vector_store %arg9[%swap3A_806, %swap3A_807, %swap3A_808], %swap3A_811 {strides = array<i32>} : memref<4x40x128xf32, #tpu.memory_space<vmem>>, vector<1x1x16xf32>,
        %mul3A_812 = arith.constant 2 : i32
        %mul3A_813 = arith.muli %scan3A_685, %mul3A_812 : i32
        %add3A_814 = arith.constant 0 : i32
        %add3A_815 = arith.addi %mul3A_813, %add3A_814 : i32
        %get3A_816 = arith.index_cast %add3A_815 : i32 to index
        %get3A_817 = arith.constant 32 : index
        %get3A_818 = tpu.vector_load %arg7[%get3A_816, %get3A_817] {strides = array<i32>} : memref<80x64xf32, #tpu.memory_space<vmem>>, vector<1x16xf32>,
        %get3A_819 = vector.shape_cast %get3A_818 : vector<1x16xf32> to vector<16xf32>
        %get3A_820 = arith.constant 4 : i32
        %get3A_821 = arith.index_cast %get3A_820 : i32 to index
        %get3A_822 = arith.index_cast %add3A_815 : i32 to index
        %get3A_823 = arith.constant 32 : index
        %get3A_824 = tpu.vector_load %arg8[%get3A_821, %get3A_822, %get3A_823] {strides = array<i32>} : memref<8x80x64xf32, #tpu.memory_space<vmem>>, vector<1x1x16xf32>,
        %get3A_825 = vector.shape_cast %get3A_824 : vector<1x1x16xf32> to vector<16xf32>
        %add3A_826 = arith.addf %get3A_825, %get3A_819 : vector<16xf32>
        %swap3A_827 = arith.constant 0 : i32
        %swap3A_828 = arith.index_cast %swap3A_827 : i32 to index
        %swap3A_829 = arith.index_cast %scan3A_685 : i32 to index
        %swap3A_830 = arith.constant 32 : index
        %swap3A_831 = tpu.vector_load %arg9[%swap3A_828, %swap3A_829, %swap3A_830] {strides = array<i32>} : memref<4x40x128xf32, #tpu.memory_space<vmem>>, vector<1x1x16xf32>,
        %swap3A_832 = vector.shape_cast %swap3A_831 : vector<1x1x16xf32> to vector<16xf32>
        %swap3A_833 = vector.shape_cast %add3A_826 : vector<16xf32> to vector<1x1x16xf32>
        tpu.vector_store %arg9[%swap3A_828, %swap3A_829, %swap3A_830], %swap3A_833 {strides = array<i32>} : memref<4x40x128xf32, #tpu.memory_space<vmem>>, vector<1x1x16xf32>,
        %get3A_834 = arith.constant 5 : i32
        %get3A_835 = arith.index_cast %get3A_834 : i32 to index
        %get3A_836 = arith.index_cast %add3A_815 : i32 to index
        %get3A_837 = arith.constant 32 : index
        %get3A_838 = tpu.vector_load %arg8[%get3A_835, %get3A_836, %get3A_837] {strides = array<i32>} : memref<8x80x64xf32, #tpu.memory_space<vmem>>, vector<1x1x16xf32>,
        %get3A_839 = vector.shape_cast %get3A_838 : vector<1x1x16xf32> to vector<16xf32>
        %add3A_840 = arith.addf %get3A_839, %get3A_819 : vector<16xf32>
        %swap3A_841 = arith.constant 1 : i32
        %swap3A_842 = arith.index_cast %swap3A_841 : i32 to index
        %swap3A_843 = arith.index_cast %scan3A_685 : i32 to index
        %swap3A_844 = arith.constant 32 : index
        %swap3A_845 = tpu.vector_load %arg9[%swap3A_842, %swap3A_843, %swap3A_844] {strides = array<i32>} : memref<4x40x128xf32, #tpu.memory_space<vmem>>, vector<1x1x16xf32>,
        %swap3A_846 = vector.shape_cast %swap3A_845 : vector<1x1x16xf32> to vector<16xf32>
        %swap3A_847 = vector.shape_cast %add3A_840 : vector<16xf32> to vector<1x1x16xf32>
        tpu.vector_store %arg9[%swap3A_842, %swap3A_843, %swap3A_844], %swap3A_847 {strides = array<i32>} : memref<4x40x128xf32, #tpu.memory_space<vmem>>, vector<1x1x16xf32>,
        %get3A_848 = arith.constant 6 : i32
        %get3A_849 = arith.index_cast %get3A_848 : i32 to index
        %get3A_850 = arith.index_cast %add3A_815 : i32 to index
        %get3A_851 = arith.constant 32 : index
        %get3A_852 = tpu.vector_load %arg8[%get3A_849, %get3A_850, %get3A_851] {strides = array<i32>} : memref<8x80x64xf32, #tpu.memory_space<vmem>>, vector<1x1x16xf32>,
        %get3A_853 = vector.shape_cast %get3A_852 : vector<1x1x16xf32> to vector<16xf32>
        %add3A_854 = arith.addf %get3A_853, %get3A_819 : vector<16xf32>
        %swap3A_855 = arith.constant 2 : i32
        %swap3A_856 = arith.index_cast %swap3A_855 : i32 to index
        %swap3A_857 = arith.index_cast %scan3A_685 : i32 to index
        %swap3A_858 = arith.constant 32 : index
        %swap3A_859 = tpu.vector_load %arg9[%swap3A_856, %swap3A_857, %swap3A_858] {strides = array<i32>} : memref<4x40x128xf32, #tpu.memory_space<vmem>>, vector<1x1x16xf32>,
        %swap3A_860 = vector.shape_cast %swap3A_859 : vector<1x1x16xf32> to vector<16xf32>
        %swap3A_861 = vector.shape_cast %add3A_854 : vector<16xf32> to vector<1x1x16xf32>
        tpu.vector_store %arg9[%swap3A_856, %swap3A_857, %swap3A_858], %swap3A_861 {strides = array<i32>} : memref<4x40x128xf32, #tpu.memory_space<vmem>>, vector<1x1x16xf32>,
        %get3A_862 = arith.constant 7 : i32
        %get3A_863 = arith.index_cast %get3A_862 : i32 to index
        %get3A_864 = arith.index_cast %add3A_815 : i32 to index
        %get3A_865 = arith.constant 32 : index
        %get3A_866 = tpu.vector_load %arg8[%get3A_863, %get3A_864, %get3A_865] {strides = array<i32>} : memref<8x80x64xf32, #tpu.memory_space<vmem>>, vector<1x1x16xf32>,
        %get3A_867 = vector.shape_cast %get3A_866 : vector<1x1x16xf32> to vector<16xf32>
        %add3A_868 = arith.addf %get3A_867, %get3A_819 : vector<16xf32>
        %swap3A_869 = arith.constant 3 : i32
        %swap3A_870 = arith.index_cast %swap3A_869 : i32 to index
        %swap3A_871 = arith.index_cast %scan3A_685 : i32 to index
        %swap3A_872 = arith.constant 32 : index
        %swap3A_873 = tpu.vector_load %arg9[%swap3A_870, %swap3A_871, %swap3A_872] {strides = array<i32>} : memref<4x40x128xf32, #tpu.memory_space<vmem>>, vector<1x1x16xf32>,
        %swap3A_874 = vector.shape_cast %swap3A_873 : vector<1x1x16xf32> to vector<16xf32>
        %swap3A_875 = vector.shape_cast %add3A_868 : vector<16xf32> to vector<1x1x16xf32>
        tpu.vector_store %arg9[%swap3A_870, %swap3A_871, %swap3A_872], %swap3A_875 {strides = array<i32>} : memref<4x40x128xf32, #tpu.memory_space<vmem>>, vector<1x1x16xf32>,
        %mul3A_876 = arith.constant 2 : i32
        %mul3A_877 = arith.muli %scan3A_685, %mul3A_876 : i32
        %add3A_878 = arith.constant 0 : i32
        %add3A_879 = arith.addi %mul3A_877, %add3A_878 : i32
        %get3A_880 = arith.index_cast %add3A_879 : i32 to index
        %get3A_881 = arith.constant 48 : index
        %get3A_882 = tpu.vector_load %arg7[%get3A_880, %get3A_881] {strides = array<i32>} : memref<80x64xf32, #tpu.memory_space<vmem>>, vector<1x16xf32>,
        %get3A_883 = vector.shape_cast %get3A_882 : vector<1x16xf32> to vector<16xf32>
        %get3A_884 = arith.constant 4 : i32
        %get3A_885 = arith.index_cast %get3A_884 : i32 to index
        %get3A_886 = arith.index_cast %add3A_879 : i32 to index
        %get3A_887 = arith.constant 48 : index
        %get3A_888 = tpu.vector_load %arg8[%get3A_885, %get3A_886, %get3A_887] {strides = array<i32>} : memref<8x80x64xf32, #tpu.memory_space<vmem>>, vector<1x1x16xf32>,
        %get3A_889 = vector.shape_cast %get3A_888 : vector<1x1x16xf32> to vector<16xf32>
        %add3A_890 = arith.addf %get3A_889, %get3A_883 : vector<16xf32>
        %swap3A_891 = arith.constant 0 : i32
        %swap3A_892 = arith.index_cast %swap3A_891 : i32 to index
        %swap3A_893 = arith.index_cast %scan3A_685 : i32 to index
        %swap3A_894 = arith.constant 48 : index
        %swap3A_895 = tpu.vector_load %arg9[%swap3A_892, %swap3A_893, %swap3A_894] {strides = array<i32>} : memref<4x40x128xf32, #tpu.memory_space<vmem>>, vector<1x1x16xf32>,
        %swap3A_896 = vector.shape_cast %swap3A_895 : vector<1x1x16xf32> to vector<16xf32>
        %swap3A_897 = vector.shape_cast %add3A_890 : vector<16xf32> to vector<1x1x16xf32>
        tpu.vector_store %arg9[%swap3A_892, %swap3A_893, %swap3A_894], %swap3A_897 {strides = array<i32>} : memref<4x40x128xf32, #tpu.memory_space<vmem>>, vector<1x1x16xf32>,
        %get3A_898 = arith.constant 5 : i32
        %get3A_899 = arith.index_cast %get3A_898 : i32 to index
        %get3A_900 = arith.index_cast %add3A_879 : i32 to index
        %get3A_901 = arith.constant 48 : index
        %get3A_902 = tpu.vector_load %arg8[%get3A_899, %get3A_900, %get3A_901] {strides = array<i32>} : memref<8x80x64xf32, #tpu.memory_space<vmem>>, vector<1x1x16xf32>,
        %get3A_903 = vector.shape_cast %get3A_902 : vector<1x1x16xf32> to vector<16xf32>
        %add3A_904 = arith.addf %get3A_903, %get3A_883 : vector<16xf32>
        %swap3A_905 = arith.constant 1 : i32
        %swap3A_906 = arith.index_cast %swap3A_905 : i32 to index
        %swap3A_907 = arith.index_cast %scan3A_685 : i32 to index
        %swap3A_908 = arith.constant 48 : index
        %swap3A_909 = tpu.vector_load %arg9[%swap3A_906, %swap3A_907, %swap3A_908] {strides = array<i32>} : memref<4x40x128xf32, #tpu.memory_space<vmem>>, vector<1x1x16xf32>,
        %swap3A_910 = vector.shape_cast %swap3A_909 : vector<1x1x16xf32> to vector<16xf32>
        %swap3A_911 = vector.shape_cast %add3A_904 : vector<16xf32> to vector<1x1x16xf32>
        tpu.vector_store %arg9[%swap3A_906, %swap3A_907, %swap3A_908], %swap3A_911 {strides = array<i32>} : memref<4x40x128xf32, #tpu.memory_space<vmem>>, vector<1x1x16xf32>,
        %get3A_912 = arith.constant 6 : i32
        %get3A_913 = arith.index_cast %get3A_912 : i32 to index
        %get3A_914 = arith.index_cast %add3A_879 : i32 to index
        %get3A_915 = arith.constant 48 : index
        %get3A_916 = tpu.vector_load %arg8[%get3A_913, %get3A_914, %get3A_915] {strides = array<i32>} : memref<8x80x64xf32, #tpu.memory_space<vmem>>, vector<1x1x16xf32>,
        %get3A_917 = vector.shape_cast %get3A_916 : vector<1x1x16xf32> to vector<16xf32>
        %add3A_918 = arith.addf %get3A_917, %get3A_883 : vector<16xf32>
        %swap3A_919 = arith.constant 2 : i32
        %swap3A_920 = arith.index_cast %swap3A_919 : i32 to index
        %swap3A_921 = arith.index_cast %scan3A_685 : i32 to index
        %swap3A_922 = arith.constant 48 : index
        %swap3A_923 = tpu.vector_load %arg9[%swap3A_920, %swap3A_921, %swap3A_922] {strides = array<i32>} : memref<4x40x128xf32, #tpu.memory_space<vmem>>, vector<1x1x16xf32>,
        %swap3A_924 = vector.shape_cast %swap3A_923 : vector<1x1x16xf32> to vector<16xf32>
        %swap3A_925 = vector.shape_cast %add3A_918 : vector<16xf32> to vector<1x1x16xf32>
        tpu.vector_store %arg9[%swap3A_920, %swap3A_921, %swap3A_922], %swap3A_925 {strides = array<i32>} : memref<4x40x128xf32, #tpu.memory_space<vmem>>, vector<1x1x16xf32>,
        %get3A_926 = arith.constant 7 : i32
        %get3A_927 = arith.index_cast %get3A_926 : i32 to index
        %get3A_928 = arith.index_cast %add3A_879 : i32 to index
        %get3A_929 = arith.constant 48 : index
        %get3A_930 = tpu.vector_load %arg8[%get3A_927, %get3A_928, %get3A_929] {strides = array<i32>} : memref<8x80x64xf32, #tpu.memory_space<vmem>>, vector<1x1x16xf32>,
        %get3A_931 = vector.shape_cast %get3A_930 : vector<1x1x16xf32> to vector<16xf32>
        %add3A_932 = arith.addf %get3A_931, %get3A_883 : vector<16xf32>
        %swap3A_933 = arith.constant 3 : i32
        %swap3A_934 = arith.index_cast %swap3A_933 : i32 to index
        %swap3A_935 = arith.index_cast %scan3A_685 : i32 to index
        %swap3A_936 = arith.constant 48 : index
        %swap3A_937 = tpu.vector_load %arg9[%swap3A_934, %swap3A_935, %swap3A_936] {strides = array<i32>} : memref<4x40x128xf32, #tpu.memory_space<vmem>>, vector<1x1x16xf32>,
        %swap3A_938 = vector.shape_cast %swap3A_937 : vector<1x1x16xf32> to vector<16xf32>
        %swap3A_939 = vector.shape_cast %add3A_932 : vector<16xf32> to vector<1x1x16xf32>
        tpu.vector_store %arg9[%swap3A_934, %swap3A_935, %swap3A_936], %swap3A_939 {strides = array<i32>} : memref<4x40x128xf32, #tpu.memory_space<vmem>>, vector<1x1x16xf32>,
        %mul3A_940 = arith.constant 2 : i32
        %mul3A_941 = arith.muli %scan3A_685, %mul3A_940 : i32
        %add3A_942 = arith.constant 1 : i32
        %add3A_943 = arith.addi %mul3A_941, %add3A_942 : i32
        %get3A_944 = arith.index_cast %add3A_943 : i32 to index
        %get3A_945 = arith.constant 0 : index
        %get3A_946 = tpu.vector_load %arg7[%get3A_944, %get3A_945] {strides = array<i32>} : memref<80x64xf32, #tpu.memory_space<vmem>>, vector<1x16xf32>,
        %get3A_947 = vector.shape_cast %get3A_946 : vector<1x16xf32> to vector<16xf32>
        %get3A_948 = arith.constant 4 : i32
        %get3A_949 = arith.index_cast %get3A_948 : i32 to index
        %get3A_950 = arith.index_cast %add3A_943 : i32 to index
        %get3A_951 = arith.constant 0 : index
        %get3A_952 = tpu.vector_load %arg8[%get3A_949, %get3A_950, %get3A_951] {strides = array<i32>} : memref<8x80x64xf32, #tpu.memory_space<vmem>>, vector<1x1x16xf32>,
        %get3A_953 = vector.shape_cast %get3A_952 : vector<1x1x16xf32> to vector<16xf32>
        %add3A_954 = arith.addf %get3A_953, %get3A_947 : vector<16xf32>
        %swap3A_955 = arith.constant 0 : i32
        %swap3A_956 = arith.index_cast %swap3A_955 : i32 to index
        %swap3A_957 = arith.index_cast %scan3A_685 : i32 to index
        %swap3A_958 = arith.constant 64 : index
        %swap3A_959 = tpu.vector_load %arg9[%swap3A_956, %swap3A_957, %swap3A_958] {strides = array<i32>} : memref<4x40x128xf32, #tpu.memory_space<vmem>>, vector<1x1x16xf32>,
        %swap3A_960 = vector.shape_cast %swap3A_959 : vector<1x1x16xf32> to vector<16xf32>
        %swap3A_961 = vector.shape_cast %add3A_954 : vector<16xf32> to vector<1x1x16xf32>
        tpu.vector_store %arg9[%swap3A_956, %swap3A_957, %swap3A_958], %swap3A_961 {strides = array<i32>} : memref<4x40x128xf32, #tpu.memory_space<vmem>>, vector<1x1x16xf32>,
        %get3A_962 = arith.constant 5 : i32
        %get3A_963 = arith.index_cast %get3A_962 : i32 to index
        %get3A_964 = arith.index_cast %add3A_943 : i32 to index
        %get3A_965 = arith.constant 0 : index
        %get3A_966 = tpu.vector_load %arg8[%get3A_963, %get3A_964, %get3A_965] {strides = array<i32>} : memref<8x80x64xf32, #tpu.memory_space<vmem>>, vector<1x1x16xf32>,
        %get3A_967 = vector.shape_cast %get3A_966 : vector<1x1x16xf32> to vector<16xf32>
        %add3A_968 = arith.addf %get3A_967, %get3A_947 : vector<16xf32>
        %swap3A_969 = arith.constant 1 : i32
        %swap3A_970 = arith.index_cast %swap3A_969 : i32 to index
        %swap3A_971 = arith.index_cast %scan3A_685 : i32 to index
        %swap3A_972 = arith.constant 64 : index
        %swap3A_973 = tpu.vector_load %arg9[%swap3A_970, %swap3A_971, %swap3A_972] {strides = array<i32>} : memref<4x40x128xf32, #tpu.memory_space<vmem>>, vector<1x1x16xf32>,
        %swap3A_974 = vector.shape_cast %swap3A_973 : vector<1x1x16xf32> to vector<16xf32>
        %swap3A_975 = vector.shape_cast %add3A_968 : vector<16xf32> to vector<1x1x16xf32>
        tpu.vector_store %arg9[%swap3A_970, %swap3A_971, %swap3A_972], %swap3A_975 {strides = array<i32>} : memref<4x40x128xf32, #tpu.memory_space<vmem>>, vector<1x1x16xf32>,
        %get3A_976 = arith.constant 6 : i32
        %get3A_977 = arith.index_cast %get3A_976 : i32 to index
        %get3A_978 = arith.index_cast %add3A_943 : i32 to index
        %get3A_979 = arith.constant 0 : index
        %get3A_980 = tpu.vector_load %arg8[%get3A_977, %get3A_978, %get3A_979] {strides = array<i32>} : memref<8x80x64xf32, #tpu.memory_space<vmem>>, vector<1x1x16xf32>,
        %get3A_981 = vector.shape_cast %get3A_980 : vector<1x1x16xf32> to vector<16xf32>
        %add3A_982 = arith.addf %get3A_981, %get3A_947 : vector<16xf32>
        %swap3A_983 = arith.constant 2 : i32
        %swap3A_984 = arith.index_cast %swap3A_983 : i32 to index
        %swap3A_985 = arith.index_cast %scan3A_685 : i32 to index
        %swap3A_986 = arith.constant 64 : index
        %swap3A_987 = tpu.vector_load %arg9[%swap3A_984, %swap3A_985, %swap3A_986] {strides = array<i32>} : memref<4x40x128xf32, #tpu.memory_space<vmem>>, vector<1x1x16xf32>,
        %swap3A_988 = vector.shape_cast %swap3A_987 : vector<1x1x16xf32> to vector<16xf32>
        %swap3A_989 = vector.shape_cast %add3A_982 : vector<16xf32> to vector<1x1x16xf32>
        tpu.vector_store %arg9[%swap3A_984, %swap3A_985, %swap3A_986], %swap3A_989 {strides = array<i32>} : memref<4x40x128xf32, #tpu.memory_space<vmem>>, vector<1x1x16xf32>,
        %get3A_990 = arith.constant 7 : i32
        %get3A_991 = arith.index_cast %get3A_990 : i32 to index
        %get3A_992 = arith.index_cast %add3A_943 : i32 to index
        %get3A_993 = arith.constant 0 : index
        %get3A_994 = tpu.vector_load %arg8[%get3A_991, %get3A_992, %get3A_993] {strides = array<i32>} : memref<8x80x64xf32, #tpu.memory_space<vmem>>, vector<1x1x16xf32>,
        %get3A_995 = vector.shape_cast %get3A_994 : vector<1x1x16xf32> to vector<16xf32>
        %add3A_996 = arith.addf %get3A_995, %get3A_947 : vector<16xf32>
        %swap3A_997 = arith.constant 3 : i32
        %swap3A_998 = arith.index_cast %swap3A_997 : i32 to index
        %swap3A_999 = arith.index_cast %scan3A_685 : i32 to index
        %swap3A_1000 = arith.constant 64 : index
        %swap3A_1001 = tpu.vector_load %arg9[%swap3A_998, %swap3A_999, %swap3A_1000] {strides = array<i32>} : memref<4x40x128xf32, #tpu.memory_space<vmem>>, vector<1x1x16xf32>,
        %swap3A_1002 = vector.shape_cast %swap3A_1001 : vector<1x1x16xf32> to vector<16xf32>
        %swap3A_1003 = vector.shape_cast %add3A_996 : vector<16xf32> to vector<1x1x16xf32>
        tpu.vector_store %arg9[%swap3A_998, %swap3A_999, %swap3A_1000], %swap3A_1003 {strides = array<i32>} : memref<4x40x128xf32, #tpu.memory_space<vmem>>, vector<1x1x16xf32>,
        %mul3A_1004 = arith.constant 2 : i32
        %mul3A_1005 = arith.muli %scan3A_685, %mul3A_1004 : i32
        %add3A_1006 = arith.constant 1 : i32
        %add3A_1007 = arith.addi %mul3A_1005, %add3A_1006 : i32
        %get3A_1008 = arith.index_cast %add3A_1007 : i32 to index
        %get3A_1009 = arith.constant 16 : index
        %get3A_1010 = tpu.vector_load %arg7[%get3A_1008, %get3A_1009] {strides = array<i32>} : memref<80x64xf32, #tpu.memory_space<vmem>>, vector<1x16xf32>,
        %get3A_1011 = vector.shape_cast %get3A_1010 : vector<1x16xf32> to vector<16xf32>
        %get3A_1012 = arith.constant 4 : i32
        %get3A_1013 = arith.index_cast %get3A_1012 : i32 to index
        %get3A_1014 = arith.index_cast %add3A_1007 : i32 to index
        %get3A_1015 = arith.constant 16 : index
        %get3A_1016 = tpu.vector_load %arg8[%get3A_1013, %get3A_1014, %get3A_1015] {strides = array<i32>} : memref<8x80x64xf32, #tpu.memory_space<vmem>>, vector<1x1x16xf32>,
        %get3A_1017 = vector.shape_cast %get3A_1016 : vector<1x1x16xf32> to vector<16xf32>
        %add3A_1018 = arith.addf %get3A_1017, %get3A_1011 : vector<16xf32>
        %swap3A_1019 = arith.constant 0 : i32
        %swap3A_1020 = arith.index_cast %swap3A_1019 : i32 to index
        %swap3A_1021 = arith.index_cast %scan3A_685 : i32 to index
        %swap3A_1022 = arith.constant 80 : index
        %swap3A_1023 = tpu.vector_load %arg9[%swap3A_1020, %swap3A_1021, %swap3A_1022] {strides = array<i32>} : memref<4x40x128xf32, #tpu.memory_space<vmem>>, vector<1x1x16xf32>,
        %swap3A_1024 = vector.shape_cast %swap3A_1023 : vector<1x1x16xf32> to vector<16xf32>
        %swap3A_1025 = vector.shape_cast %add3A_1018 : vector<16xf32> to vector<1x1x16xf32>
        tpu.vector_store %arg9[%swap3A_1020, %swap3A_1021, %swap3A_1022], %swap3A_1025 {strides = array<i32>} : memref<4x40x128xf32, #tpu.memory_space<vmem>>, vector<1x1x16xf32>,
        %get3A_1026 = arith.constant 5 : i32
        %get3A_1027 = arith.index_cast %get3A_1026 : i32 to index
        %get3A_1028 = arith.index_cast %add3A_1007 : i32 to index
        %get3A_1029 = arith.constant 16 : index
        %get3A_1030 = tpu.vector_load %arg8[%get3A_1027, %get3A_1028, %get3A_1029] {strides = array<i32>} : memref<8x80x64xf32, #tpu.memory_space<vmem>>, vector<1x1x16xf32>,
        %get3A_1031 = vector.shape_cast %get3A_1030 : vector<1x1x16xf32> to vector<16xf32>
        %add3A_1032 = arith.addf %get3A_1031, %get3A_1011 : vector<16xf32>
        %swap3A_1033 = arith.constant 1 : i32
        %swap3A_1034 = arith.index_cast %swap3A_1033 : i32 to index
        %swap3A_1035 = arith.index_cast %scan3A_685 : i32 to index
        %swap3A_1036 = arith.constant 80 : index
        %swap3A_1037 = tpu.vector_load %arg9[%swap3A_1034, %swap3A_1035, %swap3A_1036] {strides = array<i32>} : memref<4x40x128xf32, #tpu.memory_space<vmem>>, vector<1x1x16xf32>,
        %swap3A_1038 = vector.shape_cast %swap3A_1037 : vector<1x1x16xf32> to vector<16xf32>
        %swap3A_1039 = vector.shape_cast %add3A_1032 : vector<16xf32> to vector<1x1x16xf32>
        tpu.vector_store %arg9[%swap3A_1034, %swap3A_1035, %swap3A_1036], %swap3A_1039 {strides = array<i32>} : memref<4x40x128xf32, #tpu.memory_space<vmem>>, vector<1x1x16xf32>,
        %get3A_1040 = arith.constant 6 : i32
        %get3A_1041 = arith.index_cast %get3A_1040 : i32 to index
        %get3A_1042 = arith.index_cast %add3A_1007 : i32 to index
        %get3A_1043 = arith.constant 16 : index
        %get3A_1044 = tpu.vector_load %arg8[%get3A_1041, %get3A_1042, %get3A_1043] {strides = array<i32>} : memref<8x80x64xf32, #tpu.memory_space<vmem>>, vector<1x1x16xf32>,
        %get3A_1045 = vector.shape_cast %get3A_1044 : vector<1x1x16xf32> to vector<16xf32>
        %add3A_1046 = arith.addf %get3A_1045, %get3A_1011 : vector<16xf32>
        %swap3A_1047 = arith.constant 2 : i32
        %swap3A_1048 = arith.index_cast %swap3A_1047 : i32 to index
        %swap3A_1049 = arith.index_cast %scan3A_685 : i32 to index
        %swap3A_1050 = arith.constant 80 : index
        %swap3A_1051 = tpu.vector_load %arg9[%swap3A_1048, %swap3A_1049, %swap3A_1050] {strides = array<i32>} : memref<4x40x128xf32, #tpu.memory_space<vmem>>, vector<1x1x16xf32>,
        %swap3A_1052 = vector.shape_cast %swap3A_1051 : vector<1x1x16xf32> to vector<16xf32>
        %swap3A_1053 = vector.shape_cast %add3A_1046 : vector<16xf32> to vector<1x1x16xf32>
        tpu.vector_store %arg9[%swap3A_1048, %swap3A_1049, %swap3A_1050], %swap3A_1053 {strides = array<i32>} : memref<4x40x128xf32, #tpu.memory_space<vmem>>, vector<1x1x16xf32>,
        %get3A_1054 = arith.constant 7 : i32
        %get3A_1055 = arith.index_cast %get3A_1054 : i32 to index
        %get3A_1056 = arith.index_cast %add3A_1007 : i32 to index
        %get3A_1057 = arith.constant 16 : index
        %get3A_1058 = tpu.vector_load %arg8[%get3A_1055, %get3A_1056, %get3A_1057] {strides = array<i32>} : memref<8x80x64xf32, #tpu.memory_space<vmem>>, vector<1x1x16xf32>,
        %get3A_1059 = vector.shape_cast %get3A_1058 : vector<1x1x16xf32> to vector<16xf32>
        %add3A_1060 = arith.addf %get3A_1059, %get3A_1011 : vector<16xf32>
        %swap3A_1061 = arith.constant 3 : i32
        %swap3A_1062 = arith.index_cast %swap3A_1061 : i32 to index
        %swap3A_1063 = arith.index_cast %scan3A_685 : i32 to index
        %swap3A_1064 = arith.constant 80 : index
        %swap3A_1065 = tpu.vector_load %arg9[%swap3A_1062, %swap3A_1063, %swap3A_1064] {strides = array<i32>} : memref<4x40x128xf32, #tpu.memory_space<vmem>>, vector<1x1x16xf32>,
        %swap3A_1066 = vector.shape_cast %swap3A_1065 : vector<1x1x16xf32> to vector<16xf32>
        %swap3A_1067 = vector.shape_cast %add3A_1060 : vector<16xf32> to vector<1x1x16xf32>
        tpu.vector_store %arg9[%swap3A_1062, %swap3A_1063, %swap3A_1064], %swap3A_1067 {strides = array<i32>} : memref<4x40x128xf32, #tpu.memory_space<vmem>>, vector<1x1x16xf32>,
        %mul3A_1068 = arith.constant 2 : i32
        %mul3A_1069 = arith.muli %scan3A_685, %mul3A_1068 : i32
        %add3A_1070 = arith.constant 1 : i32
        %add3A_1071 = arith.addi %mul3A_1069, %add3A_1070 : i32
        %get3A_1072 = arith.index_cast %add3A_1071 : i32 to index
        %get3A_1073 = arith.constant 32 : index
        %get3A_1074 = tpu.vector_load %arg7[%get3A_1072, %get3A_1073] {strides = array<i32>} : memref<80x64xf32, #tpu.memory_space<vmem>>, vector<1x16xf32>,
        %get3A_1075 = vector.shape_cast %get3A_1074 : vector<1x16xf32> to vector<16xf32>
        %get3A_1076 = arith.constant 4 : i32
        %get3A_1077 = arith.index_cast %get3A_1076 : i32 to index
        %get3A_1078 = arith.index_cast %add3A_1071 : i32 to index
        %get3A_1079 = arith.constant 32 : index
        %get3A_1080 = tpu.vector_load %arg8[%get3A_1077, %get3A_1078, %get3A_1079] {strides = array<i32>} : memref<8x80x64xf32, #tpu.memory_space<vmem>>, vector<1x1x16xf32>,
        %get3A_1081 = vector.shape_cast %get3A_1080 : vector<1x1x16xf32> to vector<16xf32>
        %add3A_1082 = arith.addf %get3A_1081, %get3A_1075 : vector<16xf32>
        %swap3A_1083 = arith.constant 0 : i32
        %swap3A_1084 = arith.index_cast %swap3A_1083 : i32 to index
        %swap3A_1085 = arith.index_cast %scan3A_685 : i32 to index
        %swap3A_1086 = arith.constant 96 : index
        %swap3A_1087 = tpu.vector_load %arg9[%swap3A_1084, %swap3A_1085, %swap3A_1086] {strides = array<i32>} : memref<4x40x128xf32, #tpu.memory_space<vmem>>, vector<1x1x16xf32>,
        %swap3A_1088 = vector.shape_cast %swap3A_1087 : vector<1x1x16xf32> to vector<16xf32>
        %swap3A_1089 = vector.shape_cast %add3A_1082 : vector<16xf32> to vector<1x1x16xf32>
        tpu.vector_store %arg9[%swap3A_1084, %swap3A_1085, %swap3A_1086], %swap3A_1089 {strides = array<i32>} : memref<4x40x128xf32, #tpu.memory_space<vmem>>, vector<1x1x16xf32>,
        %get3A_1090 = arith.constant 5 : i32
        %get3A_1091 = arith.index_cast %get3A_1090 : i32 to index
        %get3A_1092 = arith.index_cast %add3A_1071 : i32 to index
        %get3A_1093 = arith.constant 32 : index
        %get3A_1094 = tpu.vector_load %arg8[%get3A_1091, %get3A_1092, %get3A_1093] {strides = array<i32>} : memref<8x80x64xf32, #tpu.memory_space<vmem>>, vector<1x1x16xf32>,
        %get3A_1095 = vector.shape_cast %get3A_1094 : vector<1x1x16xf32> to vector<16xf32>
        %add3A_1096 = arith.addf %get3A_1095, %get3A_1075 : vector<16xf32>
        %swap3A_1097 = arith.constant 1 : i32
        %swap3A_1098 = arith.index_cast %swap3A_1097 : i32 to index
        %swap3A_1099 = arith.index_cast %scan3A_685 : i32 to index
        %swap3A_1100 = arith.constant 96 : index
        %swap3A_1101 = tpu.vector_load %arg9[%swap3A_1098, %swap3A_1099, %swap3A_1100] {strides = array<i32>} : memref<4x40x128xf32, #tpu.memory_space<vmem>>, vector<1x1x16xf32>,
        %swap3A_1102 = vector.shape_cast %swap3A_1101 : vector<1x1x16xf32> to vector<16xf32>
        %swap3A_1103 = vector.shape_cast %add3A_1096 : vector<16xf32> to vector<1x1x16xf32>
        tpu.vector_store %arg9[%swap3A_1098, %swap3A_1099, %swap3A_1100], %swap3A_1103 {strides = array<i32>} : memref<4x40x128xf32, #tpu.memory_space<vmem>>, vector<1x1x16xf32>,
        %get3A_1104 = arith.constant 6 : i32
        %get3A_1105 = arith.index_cast %get3A_1104 : i32 to index
        %get3A_1106 = arith.index_cast %add3A_1071 : i32 to index
        %get3A_1107 = arith.constant 32 : index
        %get3A_1108 = tpu.vector_load %arg8[%get3A_1105, %get3A_1106, %get3A_1107] {strides = array<i32>} : memref<8x80x64xf32, #tpu.memory_space<vmem>>, vector<1x1x16xf32>,
        %get3A_1109 = vector.shape_cast %get3A_1108 : vector<1x1x16xf32> to vector<16xf32>
        %add3A_1110 = arith.addf %get3A_1109, %get3A_1075 : vector<16xf32>
        %swap3A_1111 = arith.constant 2 : i32
        %swap3A_1112 = arith.index_cast %swap3A_1111 : i32 to index
        %swap3A_1113 = arith.index_cast %scan3A_685 : i32 to index
        %swap3A_1114 = arith.constant 96 : index
        %swap3A_1115 = tpu.vector_load %arg9[%swap3A_1112, %swap3A_1113, %swap3A_1114] {strides = array<i32>} : memref<4x40x128xf32, #tpu.memory_space<vmem>>, vector<1x1x16xf32>,
        %swap3A_1116 = vector.shape_cast %swap3A_1115 : vector<1x1x16xf32> to vector<16xf32>
        %swap3A_1117 = vector.shape_cast %add3A_1110 : vector<16xf32> to vector<1x1x16xf32>
        tpu.vector_store %arg9[%swap3A_1112, %swap3A_1113, %swap3A_1114], %swap3A_1117 {strides = array<i32>} : memref<4x40x128xf32, #tpu.memory_space<vmem>>, vector<1x1x16xf32>,
        %get3A_1118 = arith.constant 7 : i32
        %get3A_1119 = arith.index_cast %get3A_1118 : i32 to index
        %get3A_1120 = arith.index_cast %add3A_1071 : i32 to index
        %get3A_1121 = arith.constant 32 : index
        %get3A_1122 = tpu.vector_load %arg8[%get3A_1119, %get3A_1120, %get3A_1121] {strides = array<i32>} : memref<8x80x64xf32, #tpu.memory_space<vmem>>, vector<1x1x16xf32>,
        %get3A_1123 = vector.shape_cast %get3A_1122 : vector<1x1x16xf32> to vector<16xf32>
        %add3A_1124 = arith.addf %get3A_1123, %get3A_1075 : vector<16xf32>
        %swap3A_1125 = arith.constant 3 : i32
        %swap3A_1126 = arith.index_cast %swap3A_1125 : i32 to index
        %swap3A_1127 = arith.index_cast %scan3A_685 : i32 to index
        %swap3A_1128 = arith.constant 96 : index
        %swap3A_1129 = tpu.vector_load %arg9[%swap3A_1126, %swap3A_1127, %swap3A_1128] {strides = array<i32>} : memref<4x40x128xf32, #tpu.memory_space<vmem>>, vector<1x1x16xf32>,
        %swap3A_1130 = vector.shape_cast %swap3A_1129 : vector<1x1x16xf32> to vector<16xf32>
        %swap3A_1131 = vector.shape_cast %add3A_1124 : vector<16xf32> to vector<1x1x16xf32>
        tpu.vector_store %arg9[%swap3A_1126, %swap3A_1127, %swap3A_1128], %swap3A_1131 {strides = array<i32>} : memref<4x40x128xf32, #tpu.memory_space<vmem>>, vector<1x1x16xf32>,
        %mul3A_1132 = arith.constant 2 : i32
        %mul3A_1133 = arith.muli %scan3A_685, %mul3A_1132 : i32
        %add3A_1134 = arith.constant 1 : i32
        %add3A_1135 = arith.addi %mul3A_1133, %add3A_1134 : i32
        %get3A_1136 = arith.index_cast %add3A_1135 : i32 to index
        %get3A_1137 = arith.constant 48 : index
        %get3A_1138 = tpu.vector_load %arg7[%get3A_1136, %get3A_1137] {strides = array<i32>} : memref<80x64xf32, #tpu.memory_space<vmem>>, vector<1x16xf32>,
        %get3A_1139 = vector.shape_cast %get3A_1138 : vector<1x16xf32> to vector<16xf32>
        %get3A_1140 = arith.constant 4 : i32
        %get3A_1141 = arith.index_cast %get3A_1140 : i32 to index
        %get3A_1142 = arith.index_cast %add3A_1135 : i32 to index
        %get3A_1143 = arith.constant 48 : index
        %get3A_1144 = tpu.vector_load %arg8[%get3A_1141, %get3A_1142, %get3A_1143] {strides = array<i32>} : memref<8x80x64xf32, #tpu.memory_space<vmem>>, vector<1x1x16xf32>,
        %get3A_1145 = vector.shape_cast %get3A_1144 : vector<1x1x16xf32> to vector<16xf32>
        %add3A_1146 = arith.addf %get3A_1145, %get3A_1139 : vector<16xf32>
        %swap3A_1147 = arith.constant 0 : i32
        %swap3A_1148 = arith.index_cast %swap3A_1147 : i32 to index
        %swap3A_1149 = arith.index_cast %scan3A_685 : i32 to index
        %swap3A_1150 = arith.constant 112 : index
        %swap3A_1151 = tpu.vector_load %arg9[%swap3A_1148, %swap3A_1149, %swap3A_1150] {strides = array<i32>} : memref<4x40x128xf32, #tpu.memory_space<vmem>>, vector<1x1x16xf32>,
        %swap3A_1152 = vector.shape_cast %swap3A_1151 : vector<1x1x16xf32> to vector<16xf32>
        %swap3A_1153 = vector.shape_cast %add3A_1146 : vector<16xf32> to vector<1x1x16xf32>
        tpu.vector_store %arg9[%swap3A_1148, %swap3A_1149, %swap3A_1150], %swap3A_1153 {strides = array<i32>} : memref<4x40x128xf32, #tpu.memory_space<vmem>>, vector<1x1x16xf32>,
        %get3A_1154 = arith.constant 5 : i32
        %get3A_1155 = arith.index_cast %get3A_1154 : i32 to index
        %get3A_1156 = arith.index_cast %add3A_1135 : i32 to index
        %get3A_1157 = arith.constant 48 : index
        %get3A_1158 = tpu.vector_load %arg8[%get3A_1155, %get3A_1156, %get3A_1157] {strides = array<i32>} : memref<8x80x64xf32, #tpu.memory_space<vmem>>, vector<1x1x16xf32>,
        %get3A_1159 = vector.shape_cast %get3A_1158 : vector<1x1x16xf32> to vector<16xf32>
        %add3A_1160 = arith.addf %get3A_1159, %get3A_1139 : vector<16xf32>
        %swap3A_1161 = arith.constant 1 : i32
        %swap3A_1162 = arith.index_cast %swap3A_1161 : i32 to index
        %swap3A_1163 = arith.index_cast %scan3A_685 : i32 to index
        %swap3A_1164 = arith.constant 112 : index
        %swap3A_1165 = tpu.vector_load %arg9[%swap3A_1162, %swap3A_1163, %swap3A_1164] {strides = array<i32>} : memref<4x40x128xf32, #tpu.memory_space<vmem>>, vector<1x1x16xf32>,
        %swap3A_1166 = vector.shape_cast %swap3A_1165 : vector<1x1x16xf32> to vector<16xf32>
        %swap3A_1167 = vector.shape_cast %add3A_1160 : vector<16xf32> to vector<1x1x16xf32>
        tpu.vector_store %arg9[%swap3A_1162, %swap3A_1163, %swap3A_1164], %swap3A_1167 {strides = array<i32>} : memref<4x40x128xf32, #tpu.memory_space<vmem>>, vector<1x1x16xf32>,
        %get3A_1168 = arith.constant 6 : i32
        %get3A_1169 = arith.index_cast %get3A_1168 : i32 to index
        %get3A_1170 = arith.index_cast %add3A_1135 : i32 to index
        %get3A_1171 = arith.constant 48 : index
        %get3A_1172 = tpu.vector_load %arg8[%get3A_1169, %get3A_1170, %get3A_1171] {strides = array<i32>} : memref<8x80x64xf32, #tpu.memory_space<vmem>>, vector<1x1x16xf32>,
        %get3A_1173 = vector.shape_cast %get3A_1172 : vector<1x1x16xf32> to vector<16xf32>
        %add3A_1174 = arith.addf %get3A_1173, %get3A_1139 : vector<16xf32>
        %swap3A_1175 = arith.constant 2 : i32
        %swap3A_1176 = arith.index_cast %swap3A_1175 : i32 to index
        %swap3A_1177 = arith.index_cast %scan3A_685 : i32 to index
        %swap3A_1178 = arith.constant 112 : index
        %swap3A_1179 = tpu.vector_load %arg9[%swap3A_1176, %swap3A_1177, %swap3A_1178] {strides = array<i32>} : memref<4x40x128xf32, #tpu.memory_space<vmem>>, vector<1x1x16xf32>,
        %swap3A_1180 = vector.shape_cast %swap3A_1179 : vector<1x1x16xf32> to vector<16xf32>
        %swap3A_1181 = vector.shape_cast %add3A_1174 : vector<16xf32> to vector<1x1x16xf32>
        tpu.vector_store %arg9[%swap3A_1176, %swap3A_1177, %swap3A_1178], %swap3A_1181 {strides = array<i32>} : memref<4x40x128xf32, #tpu.memory_space<vmem>>, vector<1x1x16xf32>,
        %get3A_1182 = arith.constant 7 : i32
        %get3A_1183 = arith.index_cast %get3A_1182 : i32 to index
        %get3A_1184 = arith.index_cast %add3A_1135 : i32 to index
        %get3A_1185 = arith.constant 48 : index
        %get3A_1186 = tpu.vector_load %arg8[%get3A_1183, %get3A_1184, %get3A_1185] {strides = array<i32>} : memref<8x80x64xf32, #tpu.memory_space<vmem>>, vector<1x1x16xf32>,
        %get3A_1187 = vector.shape_cast %get3A_1186 : vector<1x1x16xf32> to vector<16xf32>
        %add3A_1188 = arith.addf %get3A_1187, %get3A_1139 : vector<16xf32>
        %swap3A_1189 = arith.constant 3 : i32
        %swap3A_1190 = arith.index_cast %swap3A_1189 : i32 to index
        %swap3A_1191 = arith.index_cast %scan3A_685 : i32 to index
        %swap3A_1192 = arith.constant 112 : index
        %swap3A_1193 = tpu.vector_load %arg9[%swap3A_1190, %swap3A_1191, %swap3A_1192] {strides = array<i32>} : memref<4x40x128xf32, #tpu.memory_space<vmem>>, vector<1x1x16xf32>,
        %swap3A_1194 = vector.shape_cast %swap3A_1193 : vector<1x1x16xf32> to vector<16xf32>
        %swap3A_1195 = vector.shape_cast %add3A_1188 : vector<16xf32> to vector<1x1x16xf32>
        tpu.vector_store %arg9[%swap3A_1190, %swap3A_1191, %swap3A_1192], %swap3A_1195 {strides = array<i32>} : memref<4x40x128xf32, #tpu.memory_space<vmem>>, vector<1x1x16xf32>,
      }
      %scan3A_564 = arith.constant 40 : i32
      %add3A_565 = arith.constant 4 : i32
      %add3A_566 = arith.addi %mul3A_212, %add3A_565 : i32
      %add3A_567 = arith.constant 0 : i32
      %add3A_568 = arith.addi %add3A_566, %add3A_567 : i32
      %add3A_569 = arith.addi %mul3A_2, %add3A_568 : i32
      %dma_start3A_570 = arith.constant 0 : i32
      %dma_start3A_571 = arith.constant 0 : i32
      %dma_start3A_572 = arith.constant 0 : i32
      %dma_start3A_573 = arith.constant 0 : i32
      %dma_start3A_574 = tpu.memref_slice %arg9[%dma_start3A_570, %dma_start3A_572, %dma_start3A_573] : memref<4x40x128xf32, #tpu.memory_space<vmem>> -> memref<1x40x128xf32, #tpu.memory_space<vmem>>
      %dma_start3A_575 = tpu.memref_squeeze %dma_start3A_574 : memref<1x40x128xf32, #tpu.memory_space<vmem>> -> memref<40x128xf32, #tpu.memory_space<vmem>>
      %dma_start3A_576 = arith.constant 0 : i32
      %dma_start3A_577 = arith.constant 0 : i32
      %dma_start3A_578 = tpu.memref_slice %arg5[%add3A_569, %dma_start3A_576, %dma_start3A_577] : memref<4096x40x128xf32, #tpu.memory_space<hbm>> -> memref<1x40x128xf32, #tpu.memory_space<hbm>>
      %dma_start3A_579 = tpu.memref_squeeze %dma_start3A_578 : memref<1x40x128xf32, #tpu.memory_space<hbm>> -> memref<40x128xf32, #tpu.memory_space<hbm>>
      %dma_start3A_580 = tpu.memref_slice %arg11[%dma_start3A_571] : memref<4x!tpu.dma_semaphore, #tpu.memory_space<semaphore_mem>> -> memref<1x!tpu.dma_semaphore, #tpu.memory_space<semaphore_mem>>
      %dma_start3A_581 = tpu.memref_squeeze %dma_start3A_580 : memref<1x!tpu.dma_semaphore, #tpu.memory_space<semaphore_mem>> -> memref<!tpu.dma_semaphore, #tpu.memory_space<semaphore_mem>>
      %dma_start3A_582 = arith.constant 0 : i32
      %dma_start3A_583 = arith.constant 0 : i32
      %dma_start3A_584 = tpu.memref_slice %arg5[%add3A_569, %dma_start3A_582, %dma_start3A_583] : memref<4096x40x128xf32, #tpu.memory_space<hbm>> -> memref<1x40x128xf32, #tpu.memory_space<hbm>>
      %dma_start3A_585 = tpu.memref_squeeze %dma_start3A_584 : memref<1x40x128xf32, #tpu.memory_space<hbm>> -> memref<40x128xf32, #tpu.memory_space<hbm>>
      %dma_start3A_586 = arith.constant 0 : i32
      %dma_start3A_587 = arith.constant 0 : i32
      %dma_start3A_588 = tpu.memref_slice %arg9[%dma_start3A_570, %dma_start3A_586, %dma_start3A_587] : memref<4x40x128xf32, #tpu.memory_space<vmem>> -> memref<1x40x128xf32, #tpu.memory_space<vmem>>
      %dma_start3A_589 = tpu.memref_squeeze %dma_start3A_588 : memref<1x40x128xf32, #tpu.memory_space<vmem>> -> memref<40x128xf32, #tpu.memory_space<vmem>>
      tpu.enqueue_dma source(%dma_start3A_589 : memref<40x128xf32, #tpu.memory_space<vmem>>) target(%dma_start3A_585 : memref<40x128xf32, #tpu.memory_space<hbm>>) target_semaphore(%dma_start3A_581 : memref<!tpu.dma_semaphore, #tpu.memory_space<semaphore_mem>>)
      %lt3A_590 = arith.constant 15 : i32
      %lt3A_591 = arith.cmpi slt, %scan3A_210, %lt3A_590 : i32
      %convert_element_type3A_592 = arith.extui %lt3A_591 : i1 to i32
      %cond3A_593 = arith.constant 0 : i32
      %cond3A_594 = arith.cmpi ne, %convert_element_type3A_592, %cond3A_593 : i32
      scf.if %cond3A_594 {
        %add3A_685 = arith.constant 8 : i32
        %add3A_686 = arith.addi %add3A_568, %add3A_685 : i32
        %dma_start3A_687 = arith.constant 4 : i32
        %dma_start3A_688 = arith.constant 4 : i32
        %dma_start3A_689 = arith.constant 0 : i32
        %dma_start3A_690 = arith.constant 0 : i32
        %dma_start3A_691 = tpu.memref_slice %arg8[%dma_start3A_687, %dma_start3A_689, %dma_start3A_690] : memref<8x80x64xf32, #tpu.memory_space<vmem>> -> memref<1x80x64xf32, #tpu.memory_space<vmem>>
        %dma_start3A_692 = tpu.memref_squeeze %dma_start3A_691 : memref<1x80x64xf32, #tpu.memory_space<vmem>> -> memref<80x64xf32, #tpu.memory_space<vmem>>
        %dma_start3A_693 = arith.constant 0 : i32
        %dma_start3A_694 = tpu.memref_slice %arg6[%add3A_686, %dma_start3A_693] : memref<128x80xi32, #tpu.memory_space<vmem>> -> memref<1x80xi32, #tpu.memory_space<vmem>>
        %dma_start3A_695 = tpu.memref_squeeze %dma_start3A_694 : memref<1x80xi32, #tpu.memory_space<vmem>> -> memref<80xi32, #tpu.memory_space<vmem>>
        %dma_start3A_696 = arith.constant 0 : i32
        %dma_start3A_697 = arith.constant 0 : i32
        %dma_start3A_698 = tpu.memref_slice %arg3[%dma_start3A_696, %dma_start3A_697] : memref<1000000x64xf32, #tpu.memory_space<hbm>> -> memref<1000000x64xf32, #tpu.memory_space<hbm>>
        %dma_start3A_699 = tpu.memref_slice %arg10[%dma_start3A_688] : memref<8x!tpu.dma_semaphore, #tpu.memory_space<semaphore_mem>> -> memref<1x!tpu.dma_semaphore, #tpu.memory_space<semaphore_mem>>
        %dma_start3A_700 = tpu.memref_squeeze %dma_start3A_699 : memref<1x!tpu.dma_semaphore, #tpu.memory_space<semaphore_mem>> -> memref<!tpu.dma_semaphore, #tpu.memory_space<semaphore_mem>>
        tpu.enqueue_indirect_dma source(%dma_start3A_698 : memref<1000000x64xf32, #tpu.memory_space<hbm>>) target(%dma_start3A_692 : memref<80x64xf32, #tpu.memory_space<vmem>>) offsets(%dma_start3A_695 : memref<80xi32, #tpu.memory_space<vmem>>) semaphore(%dma_start3A_700 : memref<!tpu.dma_semaphore, #tpu.memory_space<semaphore_mem>>)
      } else {
      }
      %add3A_595 = arith.constant 4 : i32
      %add3A_596 = arith.addi %mul3A_212, %add3A_595 : i32
      %add3A_597 = arith.constant 1 : i32
      %add3A_598 = arith.addi %add3A_596, %add3A_597 : i32
      %add3A_599 = arith.addi %mul3A_2, %add3A_598 : i32
      %dma_start3A_600 = arith.constant 1 : i32
      %dma_start3A_601 = arith.constant 1 : i32
      %dma_start3A_602 = arith.constant 0 : i32
      %dma_start3A_603 = arith.constant 0 : i32
      %dma_start3A_604 = tpu.memref_slice %arg9[%dma_start3A_600, %dma_start3A_602, %dma_start3A_603] : memref<4x40x128xf32, #tpu.memory_space<vmem>> -> memref<1x40x128xf32, #tpu.memory_space<vmem>>
      %dma_start3A_605 = tpu.memref_squeeze %dma_start3A_604 : memref<1x40x128xf32, #tpu.memory_space<vmem>> -> memref<40x128xf32, #tpu.memory_space<vmem>>
      %dma_start3A_606 = arith.constant 0 : i32
      %dma_start3A_607 = arith.constant 0 : i32
      %dma_start3A_608 = tpu.memref_slice %arg5[%add3A_599, %dma_start3A_606, %dma_start3A_607] : memref<4096x40x128xf32, #tpu.memory_space<hbm>> -> memref<1x40x128xf32, #tpu.memory_space<hbm>>
      %dma_start3A_609 = tpu.memref_squeeze %dma_start3A_608 : memref<1x40x128xf32, #tpu.memory_space<hbm>> -> memref<40x128xf32, #tpu.memory_space<hbm>>
      %dma_start3A_610 = tpu.memref_slice %arg11[%dma_start3A_601] : memref<4x!tpu.dma_semaphore, #tpu.memory_space<semaphore_mem>> -> memref<1x!tpu.dma_semaphore, #tpu.memory_space<semaphore_mem>>
      %dma_start3A_611 = tpu.memref_squeeze %dma_start3A_610 : memref<1x!tpu.dma_semaphore, #tpu.memory_space<semaphore_mem>> -> memref<!tpu.dma_semaphore, #tpu.memory_space<semaphore_mem>>
      %dma_start3A_612 = arith.constant 0 : i32
      %dma_start3A_613 = arith.constant 0 : i32
      %dma_start3A_614 = tpu.memref_slice %arg5[%add3A_599, %dma_start3A_612, %dma_start3A_613] : memref<4096x40x128xf32, #tpu.memory_space<hbm>> -> memref<1x40x128xf32, #tpu.memory_space<hbm>>
      %dma_start3A_615 = tpu.memref_squeeze %dma_start3A_614 : memref<1x40x128xf32, #tpu.memory_space<hbm>> -> memref<40x128xf32, #tpu.memory_space<hbm>>
      %dma_start3A_616 = arith.constant 0 : i32
      %dma_start3A_617 = arith.constant 0 : i32
      %dma_start3A_618 = tpu.memref_slice %arg9[%dma_start3A_600, %dma_start3A_616, %dma_start3A_617] : memref<4x40x128xf32, #tpu.memory_space<vmem>> -> memref<1x40x128xf32, #tpu.memory_space<vmem>>
      %dma_start3A_619 = tpu.memref_squeeze %dma_start3A_618 : memref<1x40x128xf32, #tpu.memory_space<vmem>> -> memref<40x128xf32, #tpu.memory_space<vmem>>
      tpu.enqueue_dma source(%dma_start3A_619 : memref<40x128xf32, #tpu.memory_space<vmem>>) target(%dma_start3A_615 : memref<40x128xf32, #tpu.memory_space<hbm>>) target_semaphore(%dma_start3A_611 : memref<!tpu.dma_semaphore, #tpu.memory_space<semaphore_mem>>)
      %lt3A_620 = arith.constant 15 : i32
      %lt3A_621 = arith.cmpi slt, %scan3A_210, %lt3A_620 : i32
      %convert_element_type3A_622 = arith.extui %lt3A_621 : i1 to i32
      %cond3A_623 = arith.constant 0 : i32
      %cond3A_624 = arith.cmpi ne, %convert_element_type3A_622, %cond3A_623 : i32
      scf.if %cond3A_624 {
        %add3A_685 = arith.constant 8 : i32
        %add3A_686 = arith.addi %add3A_598, %add3A_685 : i32
        %dma_start3A_687 = arith.constant 5 : i32
        %dma_start3A_688 = arith.constant 5 : i32
        %dma_start3A_689 = arith.constant 0 : i32
        %dma_start3A_690 = arith.constant 0 : i32
        %dma_start3A_691 = tpu.memref_slice %arg8[%dma_start3A_687, %dma_start3A_689, %dma_start3A_690] : memref<8x80x64xf32, #tpu.memory_space<vmem>> -> memref<1x80x64xf32, #tpu.memory_space<vmem>>
        %dma_start3A_692 = tpu.memref_squeeze %dma_start3A_691 : memref<1x80x64xf32, #tpu.memory_space<vmem>> -> memref<80x64xf32, #tpu.memory_space<vmem>>
        %dma_start3A_693 = arith.constant 0 : i32
        %dma_start3A_694 = tpu.memref_slice %arg6[%add3A_686, %dma_start3A_693] : memref<128x80xi32, #tpu.memory_space<vmem>> -> memref<1x80xi32, #tpu.memory_space<vmem>>
        %dma_start3A_695 = tpu.memref_squeeze %dma_start3A_694 : memref<1x80xi32, #tpu.memory_space<vmem>> -> memref<80xi32, #tpu.memory_space<vmem>>
        %dma_start3A_696 = arith.constant 0 : i32
        %dma_start3A_697 = arith.constant 0 : i32
        %dma_start3A_698 = tpu.memref_slice %arg3[%dma_start3A_696, %dma_start3A_697] : memref<1000000x64xf32, #tpu.memory_space<hbm>> -> memref<1000000x64xf32, #tpu.memory_space<hbm>>
        %dma_start3A_699 = tpu.memref_slice %arg10[%dma_start3A_688] : memref<8x!tpu.dma_semaphore, #tpu.memory_space<semaphore_mem>> -> memref<1x!tpu.dma_semaphore, #tpu.memory_space<semaphore_mem>>
        %dma_start3A_700 = tpu.memref_squeeze %dma_start3A_699 : memref<1x!tpu.dma_semaphore, #tpu.memory_space<semaphore_mem>> -> memref<!tpu.dma_semaphore, #tpu.memory_space<semaphore_mem>>
        tpu.enqueue_indirect_dma source(%dma_start3A_698 : memref<1000000x64xf32, #tpu.memory_space<hbm>>) target(%dma_start3A_692 : memref<80x64xf32, #tpu.memory_space<vmem>>) offsets(%dma_start3A_695 : memref<80xi32, #tpu.memory_space<vmem>>) semaphore(%dma_start3A_700 : memref<!tpu.dma_semaphore, #tpu.memory_space<semaphore_mem>>)
      } else {
      }
      %add3A_625 = arith.constant 4 : i32
      %add3A_626 = arith.addi %mul3A_212, %add3A_625 : i32
      %add3A_627 = arith.constant 2 : i32
      %add3A_628 = arith.addi %add3A_626, %add3A_627 : i32
      %add3A_629 = arith.addi %mul3A_2, %add3A_628 : i32
      %dma_start3A_630 = arith.constant 2 : i32
      %dma_start3A_631 = arith.constant 2 : i32
      %dma_start3A_632 = arith.constant 0 : i32
      %dma_start3A_633 = arith.constant 0 : i32
      %dma_start3A_634 = tpu.memref_slice %arg9[%dma_start3A_630, %dma_start3A_632, %dma_start3A_633] : memref<4x40x128xf32, #tpu.memory_space<vmem>> -> memref<1x40x128xf32, #tpu.memory_space<vmem>>
      %dma_start3A_635 = tpu.memref_squeeze %dma_start3A_634 : memref<1x40x128xf32, #tpu.memory_space<vmem>> -> memref<40x128xf32, #tpu.memory_space<vmem>>
      %dma_start3A_636 = arith.constant 0 : i32
      %dma_start3A_637 = arith.constant 0 : i32
      %dma_start3A_638 = tpu.memref_slice %arg5[%add3A_629, %dma_start3A_636, %dma_start3A_637] : memref<4096x40x128xf32, #tpu.memory_space<hbm>> -> memref<1x40x128xf32, #tpu.memory_space<hbm>>
      %dma_start3A_639 = tpu.memref_squeeze %dma_start3A_638 : memref<1x40x128xf32, #tpu.memory_space<hbm>> -> memref<40x128xf32, #tpu.memory_space<hbm>>
      %dma_start3A_640 = tpu.memref_slice %arg11[%dma_start3A_631] : memref<4x!tpu.dma_semaphore, #tpu.memory_space<semaphore_mem>> -> memref<1x!tpu.dma_semaphore, #tpu.memory_space<semaphore_mem>>
      %dma_start3A_641 = tpu.memref_squeeze %dma_start3A_640 : memref<1x!tpu.dma_semaphore, #tpu.memory_space<semaphore_mem>> -> memref<!tpu.dma_semaphore, #tpu.memory_space<semaphore_mem>>
      %dma_start3A_642 = arith.constant 0 : i32
      %dma_start3A_643 = arith.constant 0 : i32
      %dma_start3A_644 = tpu.memref_slice %arg5[%add3A_629, %dma_start3A_642, %dma_start3A_643] : memref<4096x40x128xf32, #tpu.memory_space<hbm>> -> memref<1x40x128xf32, #tpu.memory_space<hbm>>
      %dma_start3A_645 = tpu.memref_squeeze %dma_start3A_644 : memref<1x40x128xf32, #tpu.memory_space<hbm>> -> memref<40x128xf32, #tpu.memory_space<hbm>>
      %dma_start3A_646 = arith.constant 0 : i32
      %dma_start3A_647 = arith.constant 0 : i32
      %dma_start3A_648 = tpu.memref_slice %arg9[%dma_start3A_630, %dma_start3A_646, %dma_start3A_647] : memref<4x40x128xf32, #tpu.memory_space<vmem>> -> memref<1x40x128xf32, #tpu.memory_space<vmem>>
      %dma_start3A_649 = tpu.memref_squeeze %dma_start3A_648 : memref<1x40x128xf32, #tpu.memory_space<vmem>> -> memref<40x128xf32, #tpu.memory_space<vmem>>
      tpu.enqueue_dma source(%dma_start3A_649 : memref<40x128xf32, #tpu.memory_space<vmem>>) target(%dma_start3A_645 : memref<40x128xf32, #tpu.memory_space<hbm>>) target_semaphore(%dma_start3A_641 : memref<!tpu.dma_semaphore, #tpu.memory_space<semaphore_mem>>)
      %lt3A_650 = arith.constant 15 : i32
      %lt3A_651 = arith.cmpi slt, %scan3A_210, %lt3A_650 : i32
      %convert_element_type3A_652 = arith.extui %lt3A_651 : i1 to i32
      %cond3A_653 = arith.constant 0 : i32
      %cond3A_654 = arith.cmpi ne, %convert_element_type3A_652, %cond3A_653 : i32
      scf.if %cond3A_654 {
        %add3A_685 = arith.constant 8 : i32
        %add3A_686 = arith.addi %add3A_628, %add3A_685 : i32
        %dma_start3A_687 = arith.constant 6 : i32
        %dma_start3A_688 = arith.constant 6 : i32
        %dma_start3A_689 = arith.constant 0 : i32
        %dma_start3A_690 = arith.constant 0 : i32
        %dma_start3A_691 = tpu.memref_slice %arg8[%dma_start3A_687, %dma_start3A_689, %dma_start3A_690] : memref<8x80x64xf32, #tpu.memory_space<vmem>> -> memref<1x80x64xf32, #tpu.memory_space<vmem>>
        %dma_start3A_692 = tpu.memref_squeeze %dma_start3A_691 : memref<1x80x64xf32, #tpu.memory_space<vmem>> -> memref<80x64xf32, #tpu.memory_space<vmem>>
        %dma_start3A_693 = arith.constant 0 : i32
        %dma_start3A_694 = tpu.memref_slice %arg6[%add3A_686, %dma_start3A_693] : memref<128x80xi32, #tpu.memory_space<vmem>> -> memref<1x80xi32, #tpu.memory_space<vmem>>
        %dma_start3A_695 = tpu.memref_squeeze %dma_start3A_694 : memref<1x80xi32, #tpu.memory_space<vmem>> -> memref<80xi32, #tpu.memory_space<vmem>>
        %dma_start3A_696 = arith.constant 0 : i32
        %dma_start3A_697 = arith.constant 0 : i32
        %dma_start3A_698 = tpu.memref_slice %arg3[%dma_start3A_696, %dma_start3A_697] : memref<1000000x64xf32, #tpu.memory_space<hbm>> -> memref<1000000x64xf32, #tpu.memory_space<hbm>>
        %dma_start3A_699 = tpu.memref_slice %arg10[%dma_start3A_688] : memref<8x!tpu.dma_semaphore, #tpu.memory_space<semaphore_mem>> -> memref<1x!tpu.dma_semaphore, #tpu.memory_space<semaphore_mem>>
        %dma_start3A_700 = tpu.memref_squeeze %dma_start3A_699 : memref<1x!tpu.dma_semaphore, #tpu.memory_space<semaphore_mem>> -> memref<!tpu.dma_semaphore, #tpu.memory_space<semaphore_mem>>
        tpu.enqueue_indirect_dma source(%dma_start3A_698 : memref<1000000x64xf32, #tpu.memory_space<hbm>>) target(%dma_start3A_692 : memref<80x64xf32, #tpu.memory_space<vmem>>) offsets(%dma_start3A_695 : memref<80xi32, #tpu.memory_space<vmem>>) semaphore(%dma_start3A_700 : memref<!tpu.dma_semaphore, #tpu.memory_space<semaphore_mem>>)
      } else {
      }
      %add3A_655 = arith.constant 4 : i32
      %add3A_656 = arith.addi %mul3A_212, %add3A_655 : i32
      %add3A_657 = arith.constant 3 : i32
      %add3A_658 = arith.addi %add3A_656, %add3A_657 : i32
      %add3A_659 = arith.addi %mul3A_2, %add3A_658 : i32
      %dma_start3A_660 = arith.constant 3 : i32
      %dma_start3A_661 = arith.constant 3 : i32
      %dma_start3A_662 = arith.constant 0 : i32
      %dma_start3A_663 = arith.constant 0 : i32
      %dma_start3A_664 = tpu.memref_slice %arg9[%dma_start3A_660, %dma_start3A_662, %dma_start3A_663] : memref<4x40x128xf32, #tpu.memory_space<vmem>> -> memref<1x40x128xf32, #tpu.memory_space<vmem>>
      %dma_start3A_665 = tpu.memref_squeeze %dma_start3A_664 : memref<1x40x128xf32, #tpu.memory_space<vmem>> -> memref<40x128xf32, #tpu.memory_space<vmem>>
      %dma_start3A_666 = arith.constant 0 : i32
      %dma_start3A_667 = arith.constant 0 : i32
      %dma_start3A_668 = tpu.memref_slice %arg5[%add3A_659, %dma_start3A_666, %dma_start3A_667] : memref<4096x40x128xf32, #tpu.memory_space<hbm>> -> memref<1x40x128xf32, #tpu.memory_space<hbm>>
      %dma_start3A_669 = tpu.memref_squeeze %dma_start3A_668 : memref<1x40x128xf32, #tpu.memory_space<hbm>> -> memref<40x128xf32, #tpu.memory_space<hbm>>
      %dma_start3A_670 = tpu.memref_slice %arg11[%dma_start3A_661] : memref<4x!tpu.dma_semaphore, #tpu.memory_space<semaphore_mem>> -> memref<1x!tpu.dma_semaphore, #tpu.memory_space<semaphore_mem>>
      %dma_start3A_671 = tpu.memref_squeeze %dma_start3A_670 : memref<1x!tpu.dma_semaphore, #tpu.memory_space<semaphore_mem>> -> memref<!tpu.dma_semaphore, #tpu.memory_space<semaphore_mem>>
      %dma_start3A_672 = arith.constant 0 : i32
      %dma_start3A_673 = arith.constant 0 : i32
      %dma_start3A_674 = tpu.memref_slice %arg5[%add3A_659, %dma_start3A_672, %dma_start3A_673] : memref<4096x40x128xf32, #tpu.memory_space<hbm>> -> memref<1x40x128xf32, #tpu.memory_space<hbm>>
      %dma_start3A_675 = tpu.memref_squeeze %dma_start3A_674 : memref<1x40x128xf32, #tpu.memory_space<hbm>> -> memref<40x128xf32, #tpu.memory_space<hbm>>
      %dma_start3A_676 = arith.constant 0 : i32
      %dma_start3A_677 = arith.constant 0 : i32
      %dma_start3A_678 = tpu.memref_slice %arg9[%dma_start3A_660, %dma_start3A_676, %dma_start3A_677] : memref<4x40x128xf32, #tpu.memory_space<vmem>> -> memref<1x40x128xf32, #tpu.memory_space<vmem>>
      %dma_start3A_679 = tpu.memref_squeeze %dma_start3A_678 : memref<1x40x128xf32, #tpu.memory_space<vmem>> -> memref<40x128xf32, #tpu.memory_space<vmem>>
      tpu.enqueue_dma source(%dma_start3A_679 : memref<40x128xf32, #tpu.memory_space<vmem>>) target(%dma_start3A_675 : memref<40x128xf32, #tpu.memory_space<hbm>>) target_semaphore(%dma_start3A_671 : memref<!tpu.dma_semaphore, #tpu.memory_space<semaphore_mem>>)
      %lt3A_680 = arith.constant 15 : i32
      %lt3A_681 = arith.cmpi slt, %scan3A_210, %lt3A_680 : i32
      %convert_element_type3A_682 = arith.extui %lt3A_681 : i1 to i32
      %cond3A_683 = arith.constant 0 : i32
      %cond3A_684 = arith.cmpi ne, %convert_element_type3A_682, %cond3A_683 : i32
      scf.if %cond3A_684 {
        %add3A_685 = arith.constant 8 : i32
        %add3A_686 = arith.addi %add3A_658, %add3A_685 : i32
        %dma_start3A_687 = arith.constant 7 : i32
        %dma_start3A_688 = arith.constant 7 : i32
        %dma_start3A_689 = arith.constant 0 : i32
        %dma_start3A_690 = arith.constant 0 : i32
        %dma_start3A_691 = tpu.memref_slice %arg8[%dma_start3A_687, %dma_start3A_689, %dma_start3A_690] : memref<8x80x64xf32, #tpu.memory_space<vmem>> -> memref<1x80x64xf32, #tpu.memory_space<vmem>>
        %dma_start3A_692 = tpu.memref_squeeze %dma_start3A_691 : memref<1x80x64xf32, #tpu.memory_space<vmem>> -> memref<80x64xf32, #tpu.memory_space<vmem>>
        %dma_start3A_693 = arith.constant 0 : i32
        %dma_start3A_694 = tpu.memref_slice %arg6[%add3A_686, %dma_start3A_693] : memref<128x80xi32, #tpu.memory_space<vmem>> -> memref<1x80xi32, #tpu.memory_space<vmem>>
        %dma_start3A_695 = tpu.memref_squeeze %dma_start3A_694 : memref<1x80xi32, #tpu.memory_space<vmem>> -> memref<80xi32, #tpu.memory_space<vmem>>
        %dma_start3A_696 = arith.constant 0 : i32
        %dma_start3A_697 = arith.constant 0 : i32
        %dma_start3A_698 = tpu.memref_slice %arg3[%dma_start3A_696, %dma_start3A_697] : memref<1000000x64xf32, #tpu.memory_space<hbm>> -> memref<1000000x64xf32, #tpu.memory_space<hbm>>
        %dma_start3A_699 = tpu.memref_slice %arg10[%dma_start3A_688] : memref<8x!tpu.dma_semaphore, #tpu.memory_space<semaphore_mem>> -> memref<1x!tpu.dma_semaphore, #tpu.memory_space<semaphore_mem>>
        %dma_start3A_700 = tpu.memref_squeeze %dma_start3A_699 : memref<1x!tpu.dma_semaphore, #tpu.memory_space<semaphore_mem>> -> memref<!tpu.dma_semaphore, #tpu.memory_space<semaphore_mem>>
        tpu.enqueue_indirect_dma source(%dma_start3A_698 : memref<1000000x64xf32, #tpu.memory_space<hbm>>) target(%dma_start3A_692 : memref<80x64xf32, #tpu.memory_space<vmem>>) offsets(%dma_start3A_695 : memref<80xi32, #tpu.memory_space<vmem>>) semaphore(%dma_start3A_700 : memref<!tpu.dma_semaphore, #tpu.memory_space<semaphore_mem>>)
      } else {
      }
    }
    %scan3A_126 = arith.constant 16 : i32
    %dma_wait3A = arith.constant 0 : i32
    %dma_wait3A_127 = arith.constant 0 : i32
    %dma_wait3A_128 = arith.constant 0 : i32
    %dma_wait3A_129 = arith.constant 0 : i32
    %dma_wait3A_130 = arith.constant 0 : i32
    %dma_wait3A_131 = tpu.memref_slice %arg9[%dma_wait3A, %dma_wait3A_129, %dma_wait3A_130] : memref<4x40x128xf32, #tpu.memory_space<vmem>> -> memref<1x40x128xf32, #tpu.memory_space<vmem>>
    %dma_wait3A_132 = tpu.memref_squeeze %dma_wait3A_131 : memref<1x40x128xf32, #tpu.memory_space<vmem>> -> memref<40x128xf32, #tpu.memory_space<vmem>>
    %dma_wait3A_133 = arith.constant 0 : i32
    %dma_wait3A_134 = arith.constant 0 : i32
    %dma_wait3A_135 = tpu.memref_slice %arg5[%dma_wait3A_127, %dma_wait3A_133, %dma_wait3A_134] : memref<4096x40x128xf32, #tpu.memory_space<hbm>> -> memref<1x40x128xf32, #tpu.memory_space<hbm>>
    %dma_wait3A_136 = tpu.memref_squeeze %dma_wait3A_135 : memref<1x40x128xf32, #tpu.memory_space<hbm>> -> memref<40x128xf32, #tpu.memory_space<hbm>>
    %dma_wait3A_137 = tpu.memref_slice %arg11[%dma_wait3A_128] : memref<4x!tpu.dma_semaphore, #tpu.memory_space<semaphore_mem>> -> memref<1x!tpu.dma_semaphore, #tpu.memory_space<semaphore_mem>>
    %dma_wait3A_138 = tpu.memref_squeeze %dma_wait3A_137 : memref<1x!tpu.dma_semaphore, #tpu.memory_space<semaphore_mem>> -> memref<!tpu.dma_semaphore, #tpu.memory_space<semaphore_mem>>
    %dma_wait3A_139 = arith.constant 0 : i32
    %dma_wait3A_140 = arith.constant 0 : i32
    %dma_wait3A_141 = tpu.memref_slice %arg5[%dma_wait3A_127, %dma_wait3A_139, %dma_wait3A_140] : memref<4096x40x128xf32, #tpu.memory_space<hbm>> -> memref<1x40x128xf32, #tpu.memory_space<hbm>>
    %dma_wait3A_142 = tpu.memref_squeeze %dma_wait3A_141 : memref<1x40x128xf32, #tpu.memory_space<hbm>> -> memref<40x128xf32, #tpu.memory_space<hbm>>
    %dma_wait3A_143 = arith.constant 0 : i32
    %dma_wait3A_144 = arith.constant 0 : i32
    %dma_wait3A_145 = tpu.memref_slice %arg9[%dma_wait3A, %dma_wait3A_143, %dma_wait3A_144] : memref<4x40x128xf32, #tpu.memory_space<vmem>> -> memref<1x40x128xf32, #tpu.memory_space<vmem>>
    %dma_wait3A_146 = tpu.memref_squeeze %dma_wait3A_145 : memref<1x40x128xf32, #tpu.memory_space<vmem>> -> memref<40x128xf32, #tpu.memory_space<vmem>>
    tpu.wait_dma2 semaphore(%dma_wait3A_138 : memref<!tpu.dma_semaphore, #tpu.memory_space<semaphore_mem>>) src(%dma_wait3A_146 : memref<40x128xf32, #tpu.memory_space<vmem>>) dst(%dma_wait3A_142 : memref<40x128xf32, #tpu.memory_space<hbm>>)
    %dma_wait3A_147 = arith.constant 1 : i32
    %dma_wait3A_148 = arith.constant 0 : i32
    %dma_wait3A_149 = arith.constant 1 : i32
    %dma_wait3A_150 = arith.constant 0 : i32
    %dma_wait3A_151 = arith.constant 0 : i32
    %dma_wait3A_152 = tpu.memref_slice %arg9[%dma_wait3A_147, %dma_wait3A_150, %dma_wait3A_151] : memref<4x40x128xf32, #tpu.memory_space<vmem>> -> memref<1x40x128xf32, #tpu.memory_space<vmem>>
    %dma_wait3A_153 = tpu.memref_squeeze %dma_wait3A_152 : memref<1x40x128xf32, #tpu.memory_space<vmem>> -> memref<40x128xf32, #tpu.memory_space<vmem>>
    %dma_wait3A_154 = arith.constant 0 : i32
    %dma_wait3A_155 = arith.constant 0 : i32
    %dma_wait3A_156 = tpu.memref_slice %arg5[%dma_wait3A_148, %dma_wait3A_154, %dma_wait3A_155] : memref<4096x40x128xf32, #tpu.memory_space<hbm>> -> memref<1x40x128xf32, #tpu.memory_space<hbm>>
    %dma_wait3A_157 = tpu.memref_squeeze %dma_wait3A_156 : memref<1x40x128xf32, #tpu.memory_space<hbm>> -> memref<40x128xf32, #tpu.memory_space<hbm>>
    %dma_wait3A_158 = tpu.memref_slice %arg11[%dma_wait3A_149] : memref<4x!tpu.dma_semaphore, #tpu.memory_space<semaphore_mem>> -> memref<1x!tpu.dma_semaphore, #tpu.memory_space<semaphore_mem>>
    %dma_wait3A_159 = tpu.memref_squeeze %dma_wait3A_158 : memref<1x!tpu.dma_semaphore, #tpu.memory_space<semaphore_mem>> -> memref<!tpu.dma_semaphore, #tpu.memory_space<semaphore_mem>>
    %dma_wait3A_160 = arith.constant 0 : i32
    %dma_wait3A_161 = arith.constant 0 : i32
    %dma_wait3A_162 = tpu.memref_slice %arg5[%dma_wait3A_148, %dma_wait3A_160, %dma_wait3A_161] : memref<4096x40x128xf32, #tpu.memory_space<hbm>> -> memref<1x40x128xf32, #tpu.memory_space<hbm>>
    %dma_wait3A_163 = tpu.memref_squeeze %dma_wait3A_162 : memref<1x40x128xf32, #tpu.memory_space<hbm>> -> memref<40x128xf32, #tpu.memory_space<hbm>>
    %dma_wait3A_164 = arith.constant 0 : i32
    %dma_wait3A_165 = arith.constant 0 : i32
    %dma_wait3A_166 = tpu.memref_slice %arg9[%dma_wait3A_147, %dma_wait3A_164, %dma_wait3A_165] : memref<4x40x128xf32, #tpu.memory_space<vmem>> -> memref<1x40x128xf32, #tpu.memory_space<vmem>>
    %dma_wait3A_167 = tpu.memref_squeeze %dma_wait3A_166 : memref<1x40x128xf32, #tpu.memory_space<vmem>> -> memref<40x128xf32, #tpu.memory_space<vmem>>
    tpu.wait_dma2 semaphore(%dma_wait3A_159 : memref<!tpu.dma_semaphore, #tpu.memory_space<semaphore_mem>>) src(%dma_wait3A_167 : memref<40x128xf32, #tpu.memory_space<vmem>>) dst(%dma_wait3A_163 : memref<40x128xf32, #tpu.memory_space<hbm>>)
    %dma_wait3A_168 = arith.constant 2 : i32
    %dma_wait3A_169 = arith.constant 0 : i32
    %dma_wait3A_170 = arith.constant 2 : i32
    %dma_wait3A_171 = arith.constant 0 : i32
    %dma_wait3A_172 = arith.constant 0 : i32
    %dma_wait3A_173 = tpu.memref_slice %arg9[%dma_wait3A_168, %dma_wait3A_171, %dma_wait3A_172] : memref<4x40x128xf32, #tpu.memory_space<vmem>> -> memref<1x40x128xf32, #tpu.memory_space<vmem>>
    %dma_wait3A_174 = tpu.memref_squeeze %dma_wait3A_173 : memref<1x40x128xf32, #tpu.memory_space<vmem>> -> memref<40x128xf32, #tpu.memory_space<vmem>>
    %dma_wait3A_175 = arith.constant 0 : i32
    %dma_wait3A_176 = arith.constant 0 : i32
    %dma_wait3A_177 = tpu.memref_slice %arg5[%dma_wait3A_169, %dma_wait3A_175, %dma_wait3A_176] : memref<4096x40x128xf32, #tpu.memory_space<hbm>> -> memref<1x40x128xf32, #tpu.memory_space<hbm>>
    %dma_wait3A_178 = tpu.memref_squeeze %dma_wait3A_177 : memref<1x40x128xf32, #tpu.memory_space<hbm>> -> memref<40x128xf32, #tpu.memory_space<hbm>>
    %dma_wait3A_179 = tpu.memref_slice %arg11[%dma_wait3A_170] : memref<4x!tpu.dma_semaphore, #tpu.memory_space<semaphore_mem>> -> memref<1x!tpu.dma_semaphore, #tpu.memory_space<semaphore_mem>>
    %dma_wait3A_180 = tpu.memref_squeeze %dma_wait3A_179 : memref<1x!tpu.dma_semaphore, #tpu.memory_space<semaphore_mem>> -> memref<!tpu.dma_semaphore, #tpu.memory_space<semaphore_mem>>
    %dma_wait3A_181 = arith.constant 0 : i32
    %dma_wait3A_182 = arith.constant 0 : i32
    %dma_wait3A_183 = tpu.memref_slice %arg5[%dma_wait3A_169, %dma_wait3A_181, %dma_wait3A_182] : memref<4096x40x128xf32, #tpu.memory_space<hbm>> -> memref<1x40x128xf32, #tpu.memory_space<hbm>>
    %dma_wait3A_184 = tpu.memref_squeeze %dma_wait3A_183 : memref<1x40x128xf32, #tpu.memory_space<hbm>> -> memref<40x128xf32, #tpu.memory_space<hbm>>
    %dma_wait3A_185 = arith.constant 0 : i32
    %dma_wait3A_186 = arith.constant 0 : i32
    %dma_wait3A_187 = tpu.memref_slice %arg9[%dma_wait3A_168, %dma_wait3A_185, %dma_wait3A_186] : memref<4x40x128xf32, #tpu.memory_space<vmem>> -> memref<1x40x128xf32, #tpu.memory_space<vmem>>
    %dma_wait3A_188 = tpu.memref_squeeze %dma_wait3A_187 : memref<1x40x128xf32, #tpu.memory_space<vmem>> -> memref<40x128xf32, #tpu.memory_space<vmem>>
    tpu.wait_dma2 semaphore(%dma_wait3A_180 : memref<!tpu.dma_semaphore, #tpu.memory_space<semaphore_mem>>) src(%dma_wait3A_188 : memref<40x128xf32, #tpu.memory_space<vmem>>) dst(%dma_wait3A_184 : memref<40x128xf32, #tpu.memory_space<hbm>>)
    %dma_wait3A_189 = arith.constant 3 : i32
    %dma_wait3A_190 = arith.constant 0 : i32
    %dma_wait3A_191 = arith.constant 3 : i32
    %dma_wait3A_192 = arith.constant 0 : i32
    %dma_wait3A_193 = arith.constant 0 : i32
    %dma_wait3A_194 = tpu.memref_slice %arg9[%dma_wait3A_189, %dma_wait3A_192, %dma_wait3A_193] : memref<4x40x128xf32, #tpu.memory_space<vmem>> -> memref<1x40x128xf32, #tpu.memory_space<vmem>>
    %dma_wait3A_195 = tpu.memref_squeeze %dma_wait3A_194 : memref<1x40x128xf32, #tpu.memory_space<vmem>> -> memref<40x128xf32, #tpu.memory_space<vmem>>
    %dma_wait3A_196 = arith.constant 0 : i32
    %dma_wait3A_197 = arith.constant 0 : i32
    %dma_wait3A_198 = tpu.memref_slice %arg5[%dma_wait3A_190, %dma_wait3A_196, %dma_wait3A_197] : memref<4096x40x128xf32, #tpu.memory_space<hbm>> -> memref<1x40x128xf32, #tpu.memory_space<hbm>>
    %dma_wait3A_199 = tpu.memref_squeeze %dma_wait3A_198 : memref<1x40x128xf32, #tpu.memory_space<hbm>> -> memref<40x128xf32, #tpu.memory_space<hbm>>
    %dma_wait3A_200 = tpu.memref_slice %arg11[%dma_wait3A_191] : memref<4x!tpu.dma_semaphore, #tpu.memory_space<semaphore_mem>> -> memref<1x!tpu.dma_semaphore, #tpu.memory_space<semaphore_mem>>
    %dma_wait3A_201 = tpu.memref_squeeze %dma_wait3A_200 : memref<1x!tpu.dma_semaphore, #tpu.memory_space<semaphore_mem>> -> memref<!tpu.dma_semaphore, #tpu.memory_space<semaphore_mem>>
    %dma_wait3A_202 = arith.constant 0 : i32
    %dma_wait3A_203 = arith.constant 0 : i32
    %dma_wait3A_204 = tpu.memref_slice %arg5[%dma_wait3A_190, %dma_wait3A_202, %dma_wait3A_203] : memref<4096x40x128xf32, #tpu.memory_space<hbm>> -> memref<1x40x128xf32, #tpu.memory_space<hbm>>
    %dma_wait3A_205 = tpu.memref_squeeze %dma_wait3A_204 : memref<1x40x128xf32, #tpu.memory_space<hbm>> -> memref<40x128xf32, #tpu.memory_space<hbm>>
    %dma_wait3A_206 = arith.constant 0 : i32
    %dma_wait3A_207 = arith.constant 0 : i32
    %dma_wait3A_208 = tpu.memref_slice %arg9[%dma_wait3A_189, %dma_wait3A_206, %dma_wait3A_207] : memref<4x40x128xf32, #tpu.memory_space<vmem>> -> memref<1x40x128xf32, #tpu.memory_space<vmem>>
    %dma_wait3A_209 = tpu.memref_squeeze %dma_wait3A_208 : memref<1x40x128xf32, #tpu.memory_space<vmem>> -> memref<40x128xf32, #tpu.memory_space<vmem>>
    tpu.wait_dma2 semaphore(%dma_wait3A_201 : memref<!tpu.dma_semaphore, #tpu.memory_space<semaphore_mem>>) src(%dma_wait3A_209 : memref<40x128xf32, #tpu.memory_space<vmem>>) dst(%dma_wait3A_205 : memref<40x128xf32, #tpu.memory_space<hbm>>)
    return
  }
}

module attributes {stable_mosaic.version = 14 : i64} {
  func.func @body(%arg0: memref<16x77x64xf32, #tpu.memory_space<vmem>>, %arg1: memref<4096x77xi32, #tpu.memory_space<vmem>>, %arg2: memref<80x64xf32, #tpu.memory_space<vmem>>, %arg3: memref<4096x80xi32, #tpu.memory_space<vmem>>) attributes {dimension_semantics = [], scalar_prefetch = 0 : i64, scratch_operands = 0 : i64, tpu.core_type = #tpu.core_type<tc>} {
    %get3A = arith.constant 0 : index
    %get3A_0 = arith.constant 0 : index
    %get3A_1 = arith.constant 0 : index
    %get3A_2 = vector.load %arg0[%get3A, %get3A_0, %get3A_1] : memref<16x77x64xf32, #tpu.memory_space<vmem>>, vector<16x77x64xf32>
    %reduce_sum3A = arith.constant dense<0.000000e+00> : vector<77x64xf32>
    %reduce_sum3A_3 = vector.multi_reduction <add>, %get3A_2, %reduce_sum3A [0] : vector<16x77x64xf32> to vector<77x64xf32>
    %div3A = arith.constant 1.600000e+01 : f32
    %div3A_4 = vector.broadcast %div3A : f32 to vector<77x64xf32>
    %div3A_5 = arith.divf %reduce_sum3A_3, %div3A_4 : vector<77x64xf32>
    %broadcast_in_dim3A = arith.constant 0.000000e+00 : f32
    %broadcast_in_dim3A_6 = vector.broadcast %broadcast_in_dim3A : f32 to vector<3x64xf32>
    %concatenate3A = tpu.concatenate %div3A_5, %broadcast_in_dim3A_6 in 0 : vector<77x64xf32>, vector<3x64xf32> -> vector<80x64xf32>
    %swap3A = arith.constant 0 : index
    %swap3A_7 = arith.constant 0 : index
    %swap3A_8 = vector.load %arg2[%swap3A, %swap3A_7] : memref<80x64xf32, #tpu.memory_space<vmem>>, vector<80x64xf32>
    tpu.vector_store %arg2[%swap3A, %swap3A_7], %concatenate3A {strides = array<i32>} : memref<80x64xf32, #tpu.memory_space<vmem>>, vector<80x64xf32>,
    %iota3A = tpu.iota {dimensions = array<i32: 0>} : vector<4096x3xi32>
    %mul3A = arith.constant 3 : i32
    %mul3A_9 = vector.broadcast %mul3A : i32 to vector<4096x3xi32>
    %mul3A_10 = arith.muli %iota3A, %mul3A_9 : vector<4096x3xi32>
    %iota3A_11 = tpu.iota {dimensions = array<i32: 1>} : vector<4096x3xi32>
    %add3A = arith.addi %mul3A_10, %iota3A_11 : vector<4096x3xi32>
    %get3A_12 = arith.constant 0 : index
    %get3A_13 = arith.constant 0 : index
    %get3A_14 = vector.load %arg1[%get3A_12, %get3A_13] : memref<4096x77xi32, #tpu.memory_space<vmem>>, vector<4096x77xi32>
    %mul3A_15 = arith.constant 127 : i32
    %mul3A_16 = vector.broadcast %mul3A_15 : i32 to vector<4096x3xi32>
    %mul3A_17 = arith.muli %add3A, %mul3A_16 : vector<4096x3xi32>
    %jit3A = arith.constant 1000000 : i32
    %eq3A = arith.constant 0 : i32
    %eq3A_18 = arith.cmpi eq, %jit3A, %eq3A : i32
    %jit3A_19 = arith.constant 1 : i32
    %select_n3A = arith.select %eq3A_18, %jit3A_19, %jit3A : i32
    %rem3A = vector.broadcast %select_n3A : i32 to vector<4096x3xi32>
    %rem3A_20 = arith.remsi %mul3A_17, %rem3A : vector<4096x3xi32>
    %ne3A = arith.constant 0 : i32
    %ne3A_21 = vector.broadcast %ne3A : i32 to vector<4096x3xi32>
    %ne3A_22 = arith.cmpi ne, %rem3A_20, %ne3A_21 : vector<4096x3xi32>
    %lt3A = arith.constant 0 : i32
    %lt3A_23 = vector.broadcast %lt3A : i32 to vector<4096x3xi32>
    %lt3A_24 = arith.cmpi slt, %rem3A_20, %lt3A_23 : vector<4096x3xi32>
    %lt3A_25 = arith.constant 0 : i32
    %lt3A_26 = arith.cmpi slt, %select_n3A, %lt3A_25 : i32
    %ne3A_27 = vector.broadcast %lt3A_26 : i1 to vector<4096x3xi1>
    %ne3A_28 = vector.broadcast %ne3A_27 : vector<4096x3xi1> to vector<4096x3xi1>
    %ne3A_29 = arith.xori %lt3A_24, %ne3A_28 : vector<4096x3xi1>
    %and3A = arith.andi %ne3A_29, %ne3A_22 : vector<4096x3xi1>
    %add3A_30 = vector.broadcast %select_n3A : i32 to vector<4096x3xi32>
    %add3A_31 = arith.addi %rem3A_20, %add3A_30 : vector<4096x3xi32>
    %select_n3A_32 = arith.select %and3A, %add3A_31, %rem3A_20 : vector<4096x3xi1>, vector<4096x3xi32>
    %concatenate3A_33 = tpu.concatenate %get3A_14, %select_n3A_32 in 1 : vector<4096x77xi32>, vector<4096x3xi32> -> vector<4096x80xi32>
    %swap3A_34 = arith.constant 0 : index
    %swap3A_35 = arith.constant 0 : index
    %swap3A_36 = vector.load %arg3[%swap3A_34, %swap3A_35] : memref<4096x80xi32, #tpu.memory_space<vmem>>, vector<4096x80xi32>
    tpu.vector_store %arg3[%swap3A_34, %swap3A_35], %concatenate3A_33 {strides = array<i32>} : memref<4096x80xi32, #tpu.memory_space<vmem>>, vector<4096x80xi32>,
    return
  }
}

module attributes {stable_mosaic.version = 14 : i64} {
  func.func @body(%arg0: i32, %arg1: memref<128x40x128xf32, #tpu.memory_space<vmem>>, %arg2: memref<77x64x128xf32, #tpu.memory_space<vmem>>) attributes {dimension_semantics = [#tpu.dimension_semantics<arbitrary>], iteration_bounds = array<i64: 32>, scalar_prefetch = 0 : i64, scratch_operands = 0 : i64, tpu.core_type = #tpu.core_type<tc>, window_params = [{transform_indices = @transform_0, window_bounds = array<i64: 128, 40, 128>}, {transform_indices = @transform_1, window_bounds = array<i64: 77, 64, 128>}]} {
    %get3A = arith.constant 0 : index
    %get3A_0 = arith.constant 0 : index
    %get3A_1 = arith.constant 0 : index
    %get3A_2 = vector.load %arg1[%get3A, %get3A_0, %get3A_1] : memref<128x40x128xf32, #tpu.memory_space<vmem>>, vector<128x40x128xf32>
    %transpose3A = tpu.transpose %get3A_2, [1, 2, 0] : vector<128x40x128xf32> -> vector<40x128x128xf32>
    %reshape3A = vector.shape_cast %transpose3A : vector<40x128x128xf32> to vector<40x2x64x128xf32>
    %reshape3A_3 = vector.shape_cast %reshape3A : vector<40x2x64x128xf32> to vector<80x64x128xf32>
    %slice3A = vector.extract_strided_slice %reshape3A_3 {offsets = [0, 0, 0], sizes = [77, 64, 128], strides = [1, 1, 1]} : vector<80x64x128xf32> to vector<77x64x128xf32>
    %swap3A = arith.constant 0 : index
    %swap3A_4 = arith.constant 0 : index
    %swap3A_5 = arith.constant 0 : index
    %swap3A_6 = vector.load %arg2[%swap3A, %swap3A_4, %swap3A_5] : memref<77x64x128xf32, #tpu.memory_space<vmem>>, vector<77x64x128xf32>
    tpu.vector_store %arg2[%swap3A, %swap3A_4, %swap3A_5], %slice3A {strides = array<i32>} : memref<77x64x128xf32, #tpu.memory_space<vmem>>, vector<77x64x128xf32>,
    return
  }
  func.func @transform_0(%arg0: i32) -> (i32, i32, i32) {
    %c0_i32 = arith.constant 0 : i32
    %c0_i32_0 = arith.constant 0 : i32
    %c0_i32_1 = arith.constant 0 : i32
    return %arg0, %c0_i32, %c0_i32_0 : i32, i32, i32
  }
  func.func @transform_1(%arg0: i32) -> (i32, i32, i32) {
    %c0_i32 = arith.constant 0 : i32
    %c0_i32_0 = arith.constant 0 : i32
    %c0_i32_1 = arith.constant 0 : i32
    return %c0_i32, %c0_i32_0, %arg0 : i32, i32, i32
  }
}

</mosaic_0001>

<sc_bundles>
// kernel: kernel.5.cloned.1.call-start
scs
__scs_entry_jumppad:
0x0: {  	(pc) =	sbr.rel $0x88, $3  }
0x1: {  	(tag) =	ssettag $0x0;
	lr =	simm.s32 $0x1  }
0x2: {  	[smem:$0x3F9E] =	sst lr;
	_ =	strace $0xD0000000  }
0x3: {  	_ = 	snop  }
0x4: {  	_ = 	snop  }
0x5: {  	_ = 	snop  }
0x6: {  	_ = 	snop  }
0x7: {  	_ = 	snop  }
__scs_overlays_trampoline_lowered:
0x8: {  	[smem:$0x3FAD] =	sst s0  }
0x9: {  	[smem:$0x3FAE] =	sst s1  }
0xa: {  	[smem:$0x3FAF] =	sst s2  }
0xb: {  	[smem:$0x3FB0] =	sst s3  }
0xc: {  	[smem:$0x3FB1] =	sst s4  }
0xd: {  	[smem:$0x3FB2] =	sst s5  }
0xe: {  	[smem:$0x3FB3] =	sst s6  }
0xf: {  	[smem:$0x3FB4] =	sst s7  }
0x10: {  	[smem:$0x3FB5] =	sst s8  }
0x11: {  	[smem:$0x3FB6] =	sst s9;
	s0 =	simm.s32 @!p0 $0x0  }
0x12: {  	s1 =	sld [smem:$0x3F9C];
	s0 =	simm.s32 @p0 $0x1  }
0x13: {  	[smem:$0x3FB7] =	sst s0;
	s0 =	simm.s32 @!p1 $0x0  }
0x14: {  	s2 =	sld [smem:$0x3F9B];
	s0 =	simm.s32 @p1 $0x1  }
0x15: {  	[smem:$0x3FB8] =	sst s0;
	s0 =	simm.s32 @!p2 $0x0  }
0x16: {  	s3 =	sld [smem:$0x3FDB];
	s0 =	simm.s32 @p2 $0x1  }
0x17: {  	s4 =	simm.s32 $0x1BF5;
	[smem:$0x3FBA] =	sst s0  }
0x18: {  	s0 =	sld [smem:$0x3F9D];
	_ =	swait.ge [sflag:s4], $0x0  }
0x19: {  	s7 =	sld [smem:$0x3F9E]  }
0x1a: {  	s8 =	sadd.s32 $0xFFFFE003, lr  }
0x1b: {  	s9 =	sadd.s32 $0xFFFFFEF7, lr;
	s5 =	simm.s32 $0xFFFFFFFF;
	p2 =	slt.u32 s8, $0xFFFFF086  }
0x1c: {  	p1 =	slt.u32 s9, $0xF7A;
	s5 =	simm.s32 @!p2 $0x0  }
0x1d: {  	s5 =	simm.s32 @p1 $0x1;
	p0 =	seq.s32 s7, s2  }
0x1e: {  	s7 =	smul.u32 @!p0 $0xF7A, s2;
	p2 =	seq.s32 @!p0 s5, $0x0  }
0x1f: {  	s9 =	smul.u32 $0xF7A, s1;
	s8 =	simm.s32 @!p0 $0x1BF5;
	p2 =	por !p2, p0  }
0x20: {  	[sflag:s8] =	ssyncset.s32 @!p0 $0xFFFFF086;
	s6 =	sadd.s32 @!p0 s3, s7;
	s7 =	simm.s32 @!p0 $0x108  }
0x21: {  	s3 =	sadd.s32 s3, s9;
	s6 =	sadd.s32 @!p0 $0x88, s6;
	s7 =	simm.s32 @p2 $0x1082  }
0x22: {  	[simem:s7], [sflag:s8] =	dma.local @!p0 [hbm:s6], $0xF7A  }
0x23: {  	s9 =	sor.u32 $0xD0000000, s2;
	s6 =	simm.s32 $0x108;
	_ =	swait.ge @!p0 [sflag:s8], $0x0  }
0x24: {  	s3 =	sadd.s32 $0x88, s3;
	s6 =	simm.s32 @!p1 $0x1082;
	[sflag:s4] =	ssyncset.s32 $0xFFFFF086  }
0x25: {  	[simem:s6], [sflag:s4] =	dma.local [hbm:s3], $0xF7A  }
0x26: {  	[smem:$0x3F9E] =	sst s1;
	(tag) =	ssettag s2;
	_ =	strace s9  }
0x27: {  	s1 =	sld [smem:$0x3FAE]  }
0x28: {  	s2 =	sld [smem:$0x3FAF]  }
0x29: {  	s4 =	sld [smem:$0x3FB1]  }
0x2a: {  	p0 =	seq.s32 s5, $0x0;
	s5 =	sld [smem:$0x3FB2]  }
0x2b: {  	s6 =	sld [smem:$0x3FB3]  }
0x2c: {  	s7 =	sld [smem:$0x3FB4]  }
0x2d: {  	s3 =	simm.s32 $0x108;
	s8 =	sld [smem:$0x3FB5]  }
0x2e: {  	s3 =	simm.s32 @!p0 $0x1082;
	s9 =	sld [smem:$0x3FB6]  }
0x2f: {  	lr =	sadd.s32 s0, s3;
	s0 =	sld [smem:$0x3FAD]  }
0x30: {  	s3 =	sld [smem:$0x3FB0]  }
0x31: {  	[smem:$0x3FB9] =	sst s10  }
0x32: {  	s10 =	sld [smem:$0x3FB7];
	_ =	sdelay $0x3  }
0x33: {  	p0 =	seq.s32 s10, $0x1;
	s10 =	sld [smem:$0x3FB9];
	_ =	sdelay $0x3  }
0x34: {  	[smem:$0x3FB9] =	sst s10  }
0x35: {  	s10 =	sld [smem:$0x3FB8];
	_ =	sdelay $0x3  }
0x36: {  	p1 =	seq.s32 s10, $0x1;
	s10 =	sld [smem:$0x3FB9];
	_ =	sdelay $0x3  }
0x37: {  	[smem:$0x3FB9] =	sst s10  }
0x38: {  	s10 =	sld [smem:$0x3FBA]  }
0x39: {  	_ = 	snop;
	(pc) =	sbr.ind lr, $3  }
0x3a: {  	_ = 	snop  }
0x3b: {  	_ = 	snop  }
0x3c: {  	p2 =	seq.s32 s10, $0x1;
	s10 =	sld [smem:$0x3FB9]  }
0x3d: {  	_ =	shalt  }
0x3e: {  	_ =	shalt  }
0x3f: {  	_ =	shalt  }
0x40: {  	_ =	shalt  }
0x41: {  	_ =	shalt  }
0x42: {  	_ =	shalt  }
0x43: {  	_ =	shalt  }
0x44: {  	_ =	shalt  }
0x45: {  	_ =	shalt  }
0x46: {  	_ =	shalt  }
0x47: {  	_ =	shalt  }
0x48: {  	_ =	shalt  }
0x49: {  	_ =	shalt  }
0x4a: {  	_ =	shalt  }
0x4b: {  	_ =	shalt  }
0x4c: {  	_ =	shalt  }
0x4d: {  	_ =	shalt  }
0x4e: {  	_ =	shalt  }
0x4f: {  	_ =	shalt  }
0x50: {  	_ =	shalt  }
0x51: {  	_ =	shalt  }
0x52: {  	_ =	shalt  }
0x53: {  	_ =	shalt  }
0x54: {  	_ =	shalt  }
0x55: {  	_ =	shalt  }
0x56: {  	_ =	shalt  }
0x57: {  	_ =	shalt  }
0x58: {  	_ =	shalt  }
0x59: {  	_ =	shalt  }
0x5a: {  	_ =	shalt  }
0x5b: {  	_ =	shalt  }
0x5c: {  	_ =	shalt  }
0x5d: {  	_ =	shalt  }
0x5e: {  	_ =	shalt  }
0x5f: {  	_ =	shalt  }
0x60: {  	_ =	shalt  }
0x61: {  	_ =	shalt  }
0x62: {  	_ =	shalt  }
0x63: {  	_ =	shalt  }
0x64: {  	_ =	shalt  }
0x65: {  	_ =	shalt  }
0x66: {  	_ =	shalt  }
0x67: {  	_ =	shalt  }
0x68: {  	_ =	shalt  }
0x69: {  	_ =	shalt  }
0x6a: {  	_ =	shalt  }
0x6b: {  	_ =	shalt  }
0x6c: {  	_ =	shalt  }
0x6d: {  	_ =	shalt  }
0x6e: {  	_ =	shalt  }
0x6f: {  	_ =	shalt  }
0x70: {  	_ =	shalt  }
0x71: {  	_ =	shalt  }
0x72: {  	_ =	shalt  }
0x73: {  	_ =	shalt  }
0x74: {  	_ =	shalt  }
0x75: {  	_ =	shalt  }
0x76: {  	_ =	shalt  }
0x77: {  	_ =	shalt  }
0x78: {  	_ =	shalt  }
0x79: {  	_ =	shalt  }
0x7a: {  	_ =	shalt  }
0x7b: {  	_ =	shalt  }
0x7c: {  	_ =	shalt  }
0x7d: {  	_ =	shalt  }
0x7e: {  	_ =	shalt  }
0x7f: {  	_ =	shalt  }
0x80: {  	_ =	shalt  }
0x81: {  	_ =	shalt  }
0x82: {  	_ =	shalt  }
0x83: {  	_ =	shalt  }
0x84: {  	_ =	shalt  }
0x85: {  	_ =	shalt  }
0x86: {  	_ =	shalt  }
0x87: {  	_ =	shalt  }
.Lfunc_end0:
.L_simem_size_0:
called_computation_lowered:
.L_overlay_start_0:
0x88: {  	s2 =	sld [smem:$0x3FD9]  }
0x89: {  	s3 =	sld [smem:$0x3FFE];
	_ =	sdelay $0x1  }
0x8a: {  	s1 =	srdreg.scid  }
0x8b: {  	s0 =	sand.u32 $0x1, s1  }
0x8c: {  	s17 =	sshll.u32 s0, $0xA;
	s2 =	sadd.s32 s3, s2  }
0x8d: {  	s2 =	sadd.s32 s2, s17  }
0x8e: {  	[smem:$0x3FC5] =	sst s2  }
0x8f: {  	_ = 	snop  }
0x90: {  	s2 =	sld [smem:$0x3FD0];
	(tm) =	ssettm $0x1  }
0x91: {  	s18 =	sld [smem:$0x3FFB];
	_ =	sdelay $0x3  }
0x92: {  	_ =	strace s18  }
0x93: {  	s3 =	sld [smem:$0x3FFC];
	_ =	sdelay $0x3  }
0x94: {  	_ =	strace s3  }
0x95: {  	s3 =	sld [smem:$0x3FFD];
	_ =	sdelay $0x3  }
0x96: {  	_ =	strace s3  }
0x97: {  	_ =	strace $0x8FFFFFFF  }
0x98: {  	s19 =	sld [smem:$0x3FDB];
	_ =	sdelay $0x1  }
0x99: {  	s4 =	simm.s32 $_scs_section_size  }
0x9a: {  	s5 =	simm.s32 $_size__tile_overlayer_lowered;
	s6 =	simm.s32 $_tile_overlayer_lowered  }
0x9b: {  	s22 =	simm.s32 $0x1BFF;
	s21 =	sshll.u32 s6, $0x1;
	s3 =	sadd.s32 s4, s19  }
0x9c: {  	s7 =	simm.s32 $0x0;
	s20 =	sshll.u32 s5, $0x1;
	s5 =	sadd.s32 s21, s3  }
0x9d: {  	[timem:s7], [sflag:s22] =	dma.local [hbm:s5], s20  }
0x9e: {  	_ =	swait.ge [sflag:s22], s20  }
0x9f: {  	s4 =	ssub.s32 $0x0, s20;
	[sflag:s22] =	ssyncset.done $0x0  }
0xa0: {  	[sflag:s22] =	ssyncadd.s32 s4;
	_ =	sdelay $0x1  }
0xa1: {  	s23 =	simm.s32 $0x1B8B  }
0xa2: {  	_ =	swait.ge [sflag:s23], $0x1  }
0xa3: {  	[sflag:s23] =	ssyncset.done $0x0  }
0xa4: {  	s25 =	simm.s32 $0x1B8E;
	s24 =	sld [smem:$0x3FFE];
	[sflag:s23] =	ssyncadd.s32 $0xFFFFFFFF  }
0xa5: {  	s26 =	simm.s32 $execute0_lowered;
	[smem:$0x3FD2] =	sst s25  }
0xa6: {  	s5 =	sshll.u32 s26, $0x1;
	_ =	strace $0x80000046;
	[dreg:$0x1] =	wrdreg $0xFFFFFFFF  }
0xa7: {  	s28 =	simm.s32 $_size_execute0_lowered;
	s3 =	sadd.s32 s3, s5;
	[dreg:$0x0] =	wrdreg $0x0  }
0xa8: {  	s5 =	sshll.u32 s28, $0x1;
	[dreg:$0x2] =	wrdreg s3  }
0xa9: {  	[dreg:$0x3] =	wrdreg s5  }
0xaa: {  	[dreg:$0x4] =	wrdreg $0xC0  }
0xab: {  	_ =	task [dreg:s7], $0x5FFFF  }
0xac: {  	[dreg:$0x1] =	wrdreg $0xFFFFFFFF  }
0xad: {  	[dreg:$0x0] =	wrdreg $0x60  }
0xae: {  	[dreg:$0x2] =	wrdreg s2  }
0xaf: {  	[dreg:$0x3] =	wrdreg s24  }
0xb0: {  	[dreg:$0x4] =	wrdreg $0x9  }
0xb1: {  	_ =	task.clear_ibuf [dreg:s7], $0x5FFFF;
	_ =	strace $0x90000046  }
0xb2: {  	s29 =	simm.s32 $0x9;
	_ =	strace $0x80000048  }
0xb3: {  	_ =	swait.ge [sflag:s29], $0x1  }
0xb4: {  	[sflag:s29] =	ssyncadd.s32 $0xFFFFFFFF  }
0xb5: {  	_ =	strace $0x90000048  }
0xb6: {  	_ =	sfence  }
0xb7: {  	s30 =	sld [smem:$0x0];
	_ =	sdelay $0x2  }
0xb8: {  	s31 =	sshll.u32 s1, $0xD;
	s1 =	sshrl.u32 s1, $0x2  }
0xb9: {  	s3 =	sand.u32 $0x4000, s31;
	s1 =	sadd.s32 s1, s30  }
0xba: {  	s0 =	sor.u32 s3, s0;
	s1 =	sshll.u32 s1, $0x11  }
0xbb: {  	s0 =	sor.u32 s1, s0  }
0xbc: {  	s0 =	sadd.s32 $0x8F2B, s0  }
0xbd: {  	[sflag:s0] =	ssyncadd.remote.s32 $0x1  }
0xbe: {  	_ =	sfence.sel $0xFFFF  }
0xbf: {  	[dreg:$0x0] =	wrdreg $0xFFFFFFFF;
	(pc) =	sbr.abs _section_cstart, $3  }
0xc0: {  	[dreg:$0x1] =	wrdreg $0xFFFFFFFF  }
0xc1: {  	_ =	task.clear_ibuf [dreg:s7], $0x2FFFF;
	_ =	strace $0x9FFFFFFF  }
0xc2: {  	(tm) =	ssettm $0x7FFFFFFF  }
0xc3: {  	_ =	shalt  }
tec
execute0_lowered:
.L_overlay_start_1:
0x0: {  	(tag) =	ssettag $0x1  }
0x1: {  	s0 =	rddreg [dreg:$0x0]  }
0x2: {  	s1 =	rddreg [dreg:$0x1]  }
0x3: {  	s3 =	srdreg.scid;
	s2 =	simm.s32 $0x0;
	s4 =	stileid.u32  }
0x4: {  	s15 =	simm.s32 $0x50;
	s28 =	simm.s32 $0xB400;
	s30 =	simm.s32 $0xC800  }
0x5: {  	s31 =	simm.s32 $0x1;
	s14 =	simm.s32 $0x5;
	s16 =	simm.s32 $0x9  }
0x6: {  	s17 =	simm.s32 $0x6;
	s18 =	simm.s32 $0xA;
	s19 =	simm.s32 $0x7  }
0x7: {  	s20 =	simm.s32 $0xB;
	s21 =	simm.s32 $0x8;
	s5 =	sand.u32 $0x1, s3  }
0x8: {  	[smem:$0x7FF] =	sst s2;
	s22 =	sshll.u32 s4, $0x8;
	s4 =	sadd.s32 $0xF42E00, s1  }
0x9: {  	s23 =	sshll.u32 s5, $0x7;
	_ =	strace $0x80000047;
	s6 =	ssub.s32 $0x2, s5  }
0xa: {  	s5 =	sadd.s32 $0xA00, s1;
	s1 =	sadd.s32 $0x600, s1;
	s3 =	sor.u32 s23, s22  }
0xb: {  	s8 =	sshrl.u32 s6, $0x1;
	[dreg:$0x3] =	wrdreg s1;
	s7 =	smul.u32 $0x280, s3  }
0xc: {  	s1 =	simm.s32 $0x10400;
	s9 =	smul.u32 $0xA, s3;
	s24 =	ssub.s32 s6, s8  }
.Ltmp0:
0xd: {  	s22 =	simm.s32 $0xC;
	s29 =	smax.u32 s24, $0x1;
	(pc) =	sbr.rel .LBB2_1-.Ltmp0, $4  }
0xe: {  	s23 =	simm.s32 $0x11800;
	s0 =	sadd.s32 s0, s9;
	[dreg:$0x6] =	wrdreg s29  }
0xf: {  	s25 =	sadd.s32 s5, s7;
	s7 =	simm.s32 $0x0;
	[dreg:$0x4] =	wrdreg s0  }
0x10: {  	s8 =	sadd.s32 $0x13880, s25;
	s26 =	sadd.s32 $0x13D80, s25;
	s11 =	sadd.s32 $0x12E80, s25  }
0x11: {  	s12 =	sadd.s32 $0x13380, s25;
	s0 =	simm.s32 $0xDC00;
	[dreg:$0x5] =	wrdreg s26  }
.LBB2_8:
0x12: {  	s6 =	rddreg [dreg:$0x5]  }
0x13: {  	[hbm4b:s6+s2] =	stream.linear.scatter [tilespmem:s23], [sflag:$0xC], $0x1400, $0x38;
	[tilespmem:$0x12C00] =	vst v63  }
0x14: {  	_ =	swait.ge [sflag:s16], $0x1400  }
0x15: {  	[sflag:s16] =	ssyncset.done $0x0  }
0x16: {  	[sflag:s16] =	ssyncadd.s32 $0xFFFFEC00  }
0x17: {  	_ =	swait.ge [sflag:s18], $0x1400  }
0x18: {  	[sflag:s18] =	ssyncset.done $0x0  }
0x19: {  	[sflag:s18] =	ssyncadd.s32 $0xFFFFEC00  }
0x1a: {  	_ =	swait.ge [sflag:s20], $0x1400  }
0x1b: {  	[sflag:s20] =	ssyncset.done $0x0  }
0x1c: {  	[sflag:s20] =	ssyncadd.s32 $0xFFFFEC00  }
0x1d: {  	_ =	swait.ge [sflag:s22], $0x1400  }
0x1e: {  	s7 =	rddreg [dreg:$0x7]  }
0x1f: {  	s29 =	rddreg [dreg:$0x6];
	s7 =	sadd.s32 $0x1, s7  }
0x20: {  	p0 =	sne.s32 s7, s29  }
.Ltmp1:
0x21: {  	_ = 	snop;
	(pc) =	sbr.rel @!p0 .LBB2_9-.Ltmp1, $3  }
0x22: {  	_ =	sdelay $0x1  }
0x23: {  	[sflag:s22] =	ssyncset.done $0x0  }
0x24: {  	[sflag:s22] =	ssyncadd.s32 $0xFFFFEC00  }
.LBB2_1:
0x25: {  	[dreg:$0x7] =	wrdreg s7  }
0x26: {  	s6 =	rddreg [dreg:$0x4];
	s10 =	simm.s32 $0xD  }
0x27: {  	[tilespmem:s2], [sflag:$0xD] =	stream.linear.gather [hbm4b:s6+s2], $0x2800, $0x38;
	[tilespmem:$0x12C00] =	vst v63  }
0x28: {  	_ =	swait.ge [sflag:s10], $0x2800  }
0x29: {  	[sflag:s10] =	ssyncset.done $0x0  }
0x2a: {  	s9 =	simm.s32 $0x2800;
	s13 =	rddreg [dreg:$0x3];
	[sflag:s10] =	ssyncadd.s32 $0xFFFFD800  }
0x2b: {  	[tilespmem:s9], [sflag:$0xD] =	stream.linear.gather [hbm4b:s13+s2], $0x1400, $0x38;
	[tilespmem:$0x12C00] =	vst v63  }
0x2c: {  	_ =	swait.ge [sflag:s10], $0x1400  }
0x2d: {  	[sflag:s10] =	ssyncset.done $0x0  }
0x2e: {  	s24 =	simm.s32 $0x3C00;
	[sflag:s10] =	ssyncadd.s32 $0xFFFFEC00  }
0x2f: {  	[tilespmem:s24], [sflag:$0x1] =	stream.indirect.gather [hbm4b:s4+s15], $0x40, s2, s15, $0xb8;
	[tilespmem:$0x12C00] =	vst v63  }
0x30: {  	s25 =	simm.s32 $0x5000  }
0x31: {  	[tilespmem:s25], [sflag:$0x2] =	stream.indirect.gather [hbm4b:s4+s15], $0x40, s15, s15, $0xb8;
	[tilespmem:$0x12C00] =	vst v63  }
0x32: {  	s26 =	simm.s32 $0xA0;
	s29 =	simm.s32 $0x6400  }
0x33: {  	[tilespmem:s29], [sflag:$0x3] =	stream.indirect.gather [hbm4b:s4+s15], $0x40, s26, s15, $0xb8;
	[tilespmem:$0x12C00] =	vst v63  }
0x34: {  	s7 =	simm.s32 $0xF0;
	s9 =	simm.s32 $0x7800  }
0x35: {  	[tilespmem:s9], [sflag:$0x4] =	stream.indirect.gather [hbm4b:s4+s15], $0x40, s7, s15, $0xb8;
	[tilespmem:$0x12C00] =	vst v63  }
0x36: {  	s13 =	simm.s32 $0x8C00;
	s10 =	simm.s32 $0x140  }
0x37: {  	[tilespmem:s13], [sflag:$0x5] =	stream.indirect.gather [hbm4b:s4+s15], $0x40, s10, s15, $0xb8;
	[tilespmem:$0x12C00] =	vst v63  }
0x38: {  	s24 =	simm.s32 $0x190;
	s25 =	simm.s32 $0xA000  }
0x39: {  	[tilespmem:s25], [sflag:$0x6] =	stream.indirect.gather [hbm4b:s4+s15], $0x40, s24, s15, $0xb8;
	[tilespmem:$0x12C00] =	vst v63  }
0x3a: {  	s26 =	simm.s32 $0x1E0  }
0x3b: {  	[tilespmem:s28], [sflag:$0x7] =	stream.indirect.gather [hbm4b:s4+s15], $0x40, s26, s15, $0xb8;
	[tilespmem:$0x12C00] =	vst v63  }
0x3c: {  	s29 =	simm.s32 $0x230;
	s25 =	simm.s32 $0x0  }
0x3d: {  	[tilespmem:s30], [sflag:$0x8] =	stream.indirect.gather [hbm4b:s4+s15], $0x40, s29, s15, $0xb8;
	[tilespmem:$0x12C00] =	vst v63  }
.LBB2_2:
0x3e: {  	_ =	swait.ge [sflag:s31], $0x1400  }
0x3f: {  	p0 =	seq.s32 s25, $0x0;
	[sflag:s31] =	ssyncset.done $0x0  }
0x40: {  	s6 =	simm.s32 @!p0 $0x9;
	[sflag:s31] =	ssyncadd.s32 $0xFFFFEC00  }
0x41: {  	_ =	swait.ge @!p0 [sflag:s6], $0x1400  }
0x42: {  	[sflag:s6] =	ssyncset.done @!p0 $0x0  }
0x43: {  	[sflag:s6] =	ssyncadd.s32 @!p0 $0xFFFFEC00;
	s6 =	simm.s32 @!p0 $0x2  }
0x44: {  	_ =	swait.ge @!p0 [sflag:s6], $0x1400  }
0x45: {  	[sflag:s6] =	ssyncset.done @!p0 $0x0  }
0x46: {  	[sflag:s6] =	ssyncadd.s32 @!p0 $0xFFFFEC00;
	s6 =	simm.s32 @!p0 $0xA  }
0x47: {  	_ =	swait.ge @!p0 [sflag:s6], $0x1400  }
0x48: {  	[sflag:s6] =	ssyncset.done @!p0 $0x0  }
0x49: {  	[sflag:s6] =	ssyncadd.s32 @!p0 $0xFFFFEC00;
	s6 =	simm.s32 @!p0 $0x3  }
0x4a: {  	_ =	swait.ge @!p0 [sflag:s6], $0x1400  }
0x4b: {  	s7 =	simm.s32 @!p0 $0xB;
	[sflag:s6] =	ssyncset.done @!p0 $0x0  }
0x4c: {  	s7 =	simm.s32 @p0 $0x2;
	[sflag:s6] =	ssyncadd.s32 @!p0 $0xFFFFEC00  }
0x4d: {  	_ =	swait.ge [sflag:s7], $0x1400  }
0x4e: {  	s6 =	simm.s32 @!p0 $0x4;
	[sflag:s7] =	ssyncset.done $0x0  }
0x4f: {  	s6 =	simm.s32 @p0 $0x3;
	[sflag:s7] =	ssyncadd.s32 $0xFFFFEC00  }
0x50: {  	_ =	swait.ge [sflag:s6], $0x1400  }
0x51: {  	s7 =	simm.s32 @!p0 $0xC;
	[sflag:s6] =	ssyncset.done $0x0  }
0x52: {  	s7 =	simm.s32 @p0 $0x4;
	[sflag:s6] =	ssyncadd.s32 $0xFFFFEC00  }
0x53: {  	_ =	swait.ge [sflag:s7], $0x1400  }
0x54: {  	[sflag:s7] =	ssyncset.done $0x0  }
0x55: {  	s6 =	simm.s32 $0x0;
	[sflag:s7] =	ssyncadd.s32 $0xFFFFEC00  }
0x56: {  	v0 =	vld [tilespmem:s6+$0x2870]  }
0x57: {  	v1 =	vld [tilespmem:s6+$0x7870]  }
0x58: {  	v2 =	vld [tilespmem:s6+$0x2800]  }
0x59: {  	v3 =	vld [tilespmem:s6+$0x3C00]  }
0x5a: {  	v4 =	vld [tilespmem:s6+$0x5000]  }
0x5b: {  	v5 =	vld [tilespmem:s6+$0x6400]  }
0x5c: {  	v6 =	vld [tilespmem:s6+$0x7800]  }
0x5d: {  	v7 =	vld [tilespmem:s6+$0x2810]  }
0x5e: {  	v8 =	vld [tilespmem:s6+$0x3C10];
	v1 =	vadd.f32 v1, v0  }
0x5f: {  	v9 =	vld [tilespmem:s6+$0x7850];
	v3 =	vadd.f32 v3, v2  }
0x60: {  	v4 =	vadd.f32 v4, v2;
	[tilespmem:s6+$0x11870] =	vst v1;
	v1 =	vld [tilespmem:s6+$0x5010]  }
0x61: {  	v5 =	vadd.f32 v5, v2;
	[tilespmem:s6+$0xDC00] =	vst v3;
	v3 =	vld [tilespmem:s6+$0x6410]  }
0x62: {  	v2 =	vadd.f32 v6, v2;
	[tilespmem:s6+$0xF000] =	vst v4;
	v4 =	vld [tilespmem:s6+$0x7810]  }
0x63: {  	v6 =	vld [tilespmem:s6+$0x3C20];
	[tilespmem:s6+$0x10400] =	vst v5  }
0x64: {  	v5 =	vld [tilespmem:s6+$0x2820];
	[tilespmem:s6+$0x11800] =	vst v2;
	v2 =	vadd.f32 v8, v7  }
0x65: {  	v8 =	vld [tilespmem:s6+$0x5020];
	v1 =	vadd.f32 v1, v7  }
0x66: {  	[tilespmem:s6+$0xDC10] =	vst v2;
	v2 =	vld [tilespmem:s6+$0x6420];
	v3 =	vadd.f32 v3, v7  }
0x67: {  	v4 =	vadd.f32 v4, v7;
	v7 =	vld [tilespmem:s6+$0x5030];
	[tilespmem:s6+$0xF010] =	vst v1  }
0x68: {  	v1 =	vld [tilespmem:s6+$0x7820];
	[tilespmem:s6+$0x10410] =	vst v3  }
0x69: {  	v3 =	vld [tilespmem:s6+$0x2830];
	[tilespmem:s6+$0x11810] =	vst v4;
	v4 =	vadd.f32 v6, v5  }
0x6a: {  	v8 =	vadd.f32 v8, v5;
	v6 =	vld [tilespmem:s6+$0x3C30]  }
0x6b: {  	v2 =	vadd.f32 v2, v5;
	[tilespmem:s6+$0xDC20] =	vst v4;
	v4 =	vld [tilespmem:s6+$0x6430]  }
0x6c: {  	[tilespmem:s6+$0xF020] =	vst v8;
	v8 =	vld [tilespmem:s6+$0x7830]  }
0x6d: {  	[tilespmem:s6+$0x10420] =	vst v2;
	v2 =	vld [tilespmem:s6+$0x2840];
	v1 =	vadd.f32 v1, v5  }
0x6e: {  	v5 =	vld [tilespmem:s6+$0x3C40];
	v7 =	vadd.f32 v7, v3  }
0x6f: {  	[tilespmem:s6+$0x11820] =	vst v1;
	v1 =	vadd.f32 v6, v3;
	v6 =	vld [tilespmem:s6+$0x5040]  }
0x70: {  	v4 =	vadd.f32 v4, v3;
	[tilespmem:s6+$0xF030] =	vst v7;
	v7 =	vld [tilespmem:s6+$0x7840]  }
0x71: {  	v3 =	vadd.f32 v8, v3;
	[tilespmem:s6+$0xDC30] =	vst v1;
	v1 =	vld [tilespmem:s6+$0x6440]  }
0x72: {  	[tilespmem:s6+$0x10430] =	vst v4;
	v4 =	vld [tilespmem:s6+$0x2850]  }
0x73: {  	[tilespmem:s6+$0x11830] =	vst v3;
	v3 =	vadd.f32 v5, v2;
	v5 =	vld [tilespmem:s6+$0x3C50]  }
0x74: {  	v8 =	vld [tilespmem:s6+$0x5050];
	v6 =	vadd.f32 v6, v2  }
0x75: {  	[tilespmem:s6+$0xDC40] =	vst v3;
	v3 =	vld [tilespmem:s6+$0x6450]  }
0x76: {  	v1 =	vadd.f32 v1, v2;
	[tilespmem:s6+$0xF040] =	vst v6;
	v6 =	vadd.f32 v7, v2;
	v2 =	vld [tilespmem:s6+$0x2860]  }
0x77: {  	v7 =	vld [tilespmem:s6+$0x3C60]  }
0x78: {  	v10 =	vld [tilespmem:s6+$0x5060];
	[tilespmem:s6+$0x10440] =	vst v1;
	v1 =	vadd.f32 v5, v4  }
0x79: {  	[tilespmem:s6+$0x11840] =	vst v6;
	v5 =	vadd.f32 v8, v4;
	v8 =	vld [tilespmem:s6+$0x6460]  }
0x7a: {  	v6 =	vld [tilespmem:s6+$0x7860];
	[tilespmem:s6+$0xDC50] =	vst v1;
	v1 =	vadd.f32 v3, v4;
	v3 =	vadd.f32 v9, v4  }
0x7b: {  	[tilespmem:s6+$0xF050] =	vst v5;
	v5 =	vld [tilespmem:s6+$0x3C70]  }
0x7c: {  	v9 =	vadd.f32 v7, v2;
	[tilespmem:s6+$0x11850] =	vst v3;
	v3 =	vld [tilespmem:s6+$0x5070]  }
0x7d: {  	s7 =	simm.s32 $0x80;
	v4 =	vld [tilespmem:s6+$0x6470];
	v7 =	vadd.f32 v10, v2;
	[tilespmem:s6+$0x10450] =	vst v1  }
0x7e: {  	s29 =	sshll.u32 s25, $0x3;
	s9 =	simm.s32 $0x400;
	v1 =	vld [tilespmem:s7+$0x2870];
	[tilespmem:s6+$0xDC60] =	vst v9;
	v8 =	vadd.f32 v8, v2  }
.LBB2_3:
0x7f: {  	p0 =	sne.s32 s9, $0x4E00;
	v9 =	vld [tilespmem:s7+$0x7870];
	[tilespmem:s6+$0xF060] =	vst v7;
	v2 =	vadd.f32 v6, v2  }
0x80: {  	v6 =	vld [tilespmem:s7+$0x2800];
	[tilespmem:s6+$0x10460] =	vst v8;
	v5 =	vadd.f32 v5, v0  }
0x81: {  	v7 =	vld [tilespmem:s7+$0x3C00];
	[tilespmem:s6+$0x11860] =	vst v2;
	v2 =	vadd.f32 v3, v0  }
0x82: {  	v3 =	vld [tilespmem:s7+$0x5000];
	[tilespmem:s6+$0xDC70] =	vst v5;
	v4 =	vadd.f32 v4, v0  }
0x83: {  	v5 =	vld [tilespmem:s7+$0x6400];
	[tilespmem:s6+$0xF070] =	vst v2;
	v0 =	vmov v1  }
0x84: {  	v1 =	vld [tilespmem:s7+$0x7800];
	v2 =	vadd.f32 v9, v0;
	[tilespmem:s6+$0x10470] =	vst v4;
	s6 =	smov.u32 s7  }
0x85: {  	v4 =	vld [tilespmem:s6+$0x2810]  }
0x86: {  	v7 =	vadd.f32 v7, v6;
	v8 =	vld [tilespmem:s6+$0x3C10];
	[tilespmem:s6+$0x11870] =	vst v2  }
0x87: {  	v2 =	vadd.f32 v3, v6;
	v3 =	vld [tilespmem:s6+$0x5010]  }
0x88: {  	[tilespmem:s6+$0xDC00] =	vst v7;
	v5 =	vadd.f32 v5, v6;
	v7 =	vld [tilespmem:s6+$0x6410]  }
0x89: {  	[tilespmem:s6+$0xF000] =	vst v2;
	v1 =	vadd.f32 v1, v6;
	v2 =	vld [tilespmem:s6+$0x7810]  }
0x8a: {  	[tilespmem:s6+$0x10400] =	vst v5;
	v5 =	vld [tilespmem:s6+$0x2820]  }
0x8b: {  	[tilespmem:s6+$0x11800] =	vst v1;
	v1 =	vadd.f32 v8, v4;
	v6 =	vld [tilespmem:s6+$0x3C20]  }
0x8c: {  	v3 =	vadd.f32 v3, v4;
	v8 =	vld [tilespmem:s6+$0x5020]  }
0x8d: {  	[tilespmem:s6+$0xDC10] =	vst v1;
	v1 =	vadd.f32 v7, v4;
	v7 =	vld [tilespmem:s6+$0x6420]  }
0x8e: {  	[tilespmem:s6+$0xF010] =	vst v3;
	v2 =	vadd.f32 v2, v4;
	v3 =	vld [tilespmem:s6+$0x7820]  }
0x8f: {  	[tilespmem:s6+$0x10410] =	vst v1;
	v1 =	vld [tilespmem:s6+$0x2830]  }
0x90: {  	[tilespmem:s6+$0x11810] =	vst v2;
	v2 =	vadd.f32 v6, v5;
	v4 =	vld [tilespmem:s6+$0x3C30]  }
0x91: {  	v6 =	vadd.f32 v8, v5;
	v8 =	vld [tilespmem:s6+$0x5030]  }
0x92: {  	[tilespmem:s6+$0xDC20] =	vst v2;
	v2 =	vadd.f32 v7, v5;
	v7 =	vld [tilespmem:s6+$0x6430]  }
0x93: {  	[tilespmem:s6+$0xF020] =	vst v6;
	v3 =	vadd.f32 v3, v5;
	v5 =	vld [tilespmem:s6+$0x7830]  }
0x94: {  	[tilespmem:s6+$0x10420] =	vst v2;
	v2 =	vld [tilespmem:s6+$0x2840]  }
0x95: {  	[tilespmem:s6+$0x11820] =	vst v3;
	v3 =	vadd.f32 v4, v1;
	v4 =	vld [tilespmem:s6+$0x3C40]  }
0x96: {  	v6 =	vadd.f32 v8, v1;
	v8 =	vld [tilespmem:s6+$0x5040]  }
0x97: {  	[tilespmem:s6+$0xDC30] =	vst v3;
	v3 =	vadd.f32 v7, v1;
	v7 =	vld [tilespmem:s6+$0x6440]  }
0x98: {  	[tilespmem:s6+$0xF030] =	vst v6;
	v1 =	vadd.f32 v5, v1;
	v5 =	vld [tilespmem:s6+$0x7840]  }
0x99: {  	[tilespmem:s6+$0x10430] =	vst v3;
	v3 =	vld [tilespmem:s6+$0x2850]  }
0x9a: {  	[tilespmem:s6+$0x11830] =	vst v1;
	v1 =	vadd.f32 v4, v2;
	v4 =	vld [tilespmem:s6+$0x3C50]  }
0x9b: {  	v6 =	vadd.f32 v8, v2;
	v8 =	vld [tilespmem:s6+$0x5050]  }
0x9c: {  	[tilespmem:s6+$0xDC40] =	vst v1;
	v1 =	vadd.f32 v7, v2;
	v7 =	vld [tilespmem:s6+$0x6450]  }
0x9d: {  	[tilespmem:s6+$0xF040] =	vst v6;
	v5 =	vadd.f32 v5, v2;
	v6 =	vld [tilespmem:s6+$0x7850]  }
0x9e: {  	[tilespmem:s6+$0x10440] =	vst v1;
	v2 =	vld [tilespmem:s6+$0x2860]  }
0x9f: {  	[tilespmem:s6+$0x11840] =	vst v5;
	v1 =	vadd.f32 v4, v3;
	v4 =	vld [tilespmem:s6+$0x3C60]  }
0xa0: {  	v5 =	vadd.f32 v8, v3;
	v8 =	vld [tilespmem:s6+$0x5060]  }
0xa1: {  	[tilespmem:s6+$0xDC50] =	vst v1;
	v1 =	vadd.f32 v7, v3;
	v9 =	vld [tilespmem:s6+$0x6460]  }
.Ltmp2:
0xa2: {  	[tilespmem:s6+$0xF050] =	vst v5;
	v3 =	vadd.f32 v6, v3;
	v6 =	vld [tilespmem:s6+$0x7860];
	(pc) =	sbr.rel @p0 .LBB2_3-.Ltmp2, $4  }
0xa3: {  	[tilespmem:s6+$0x10450] =	vst v1;
	v5 =	vld [tilespmem:s6+$0x3C70]  }
0xa4: {  	[tilespmem:s6+$0x11850] =	vst v3;
	v10 =	vadd.f32 v4, v2;
	v3 =	vld [tilespmem:s6+$0x5070]  }
0xa5: {  	s7 =	sshra.s32 s9, $0x2;
	v7 =	vadd.f32 v8, v2;
	v4 =	vld [tilespmem:s6+$0x6470]  }
0xa6: {  	s9 =	sadd.s32 $0x200, s9;
	v1 =	vld [tilespmem:s7+$0x2870];
	[tilespmem:s6+$0xDC60] =	vst v10;
	v8 =	vadd.f32 v9, v2  }
0xa7: {  	v9 =	vld [tilespmem:s7+$0x7870];
	[tilespmem:s6+$0xF060] =	vst v7;
	v2 =	vadd.f32 v6, v2  }
0xa8: {  	v7 =	vld [tilespmem:s7+$0x2800];
	[tilespmem:s6+$0x10460] =	vst v8;
	v5 =	vadd.f32 v5, v0  }
0xa9: {  	v6 =	vld [tilespmem:s7+$0x3C00];
	[tilespmem:s6+$0x11860] =	vst v2;
	v3 =	vadd.f32 v3, v0  }
0xaa: {  	v2 =	vld [tilespmem:s7+$0x5000];
	[tilespmem:s6+$0xDC70] =	vst v5;
	v0 =	vadd.f32 v4, v0  }
0xab: {  	v5 =	vld [tilespmem:s7+$0x6400];
	[tilespmem:s6+$0xF070] =	vst v3  }
0xac: {  	v3 =	vld [tilespmem:s7+$0x7800];
	[tilespmem:s6+$0x10470] =	vst v0  }
0xad: {  	v0 =	vadd.f32 v9, v1;
	v4 =	vld [tilespmem:s7+$0x2810]  }
0xae: {  	v8 =	vld [tilespmem:s7+$0x3C10];
	v6 =	vadd.f32 v6, v7  }
0xaf: {  	[tilespmem:s7+$0x11870] =	vst v0;
	v0 =	vld [tilespmem:s7+$0x5010];
	v2 =	vadd.f32 v2, v7  }
0xb0: {  	[tilespmem:s7+$0xDC00] =	vst v6;
	v6 =	vld [tilespmem:s7+$0x6410];
	v5 =	vadd.f32 v5, v7  }
0xb1: {  	[tilespmem:s7+$0xF000] =	vst v2;
	v2 =	vld [tilespmem:s7+$0x7810];
	v3 =	vadd.f32 v3, v7  }
0xb2: {  	v7 =	vld [tilespmem:s7+$0x3C20];
	[tilespmem:s7+$0x10400] =	vst v5  }
0xb3: {  	v5 =	vld [tilespmem:s7+$0x2820];
	[tilespmem:s7+$0x11800] =	vst v3;
	v3 =	vadd.f32 v8, v4  }
0xb4: {  	v8 =	vld [tilespmem:s7+$0x5020];
	v0 =	vadd.f32 v0, v4  }
0xb5: {  	[tilespmem:s7+$0xDC10] =	vst v3;
	v3 =	vld [tilespmem:s7+$0x6420];
	v6 =	vadd.f32 v6, v4  }
0xb6: {  	[tilespmem:s7+$0xF010] =	vst v0;
	v0 =	vld [tilespmem:s7+$0x7820];
	v2 =	vadd.f32 v2, v4  }
0xb7: {  	v4 =	vld [tilespmem:s7+$0x2830];
	[tilespmem:s7+$0x10410] =	vst v6  }
0xb8: {  	v6 =	vld [tilespmem:s7+$0x3C30];
	[tilespmem:s7+$0x11810] =	vst v2;
	v2 =	vadd.f32 v7, v5  }
0xb9: {  	v7 =	vld [tilespmem:s7+$0x5030];
	v8 =	vadd.f32 v8, v5  }
0xba: {  	[tilespmem:s7+$0xDC20] =	vst v2;
	v2 =	vld [tilespmem:s7+$0x6430];
	v3 =	vadd.f32 v3, v5  }
0xbb: {  	[tilespmem:s7+$0xF020] =	vst v8;
	v8 =	vld [tilespmem:s7+$0x7830];
	v0 =	vadd.f32 v0, v5  }
0xbc: {  	v5 =	vld [tilespmem:s7+$0x3C40];
	[tilespmem:s7+$0x10420] =	vst v3  }
0xbd: {  	v3 =	vld [tilespmem:s7+$0x2840];
	[tilespmem:s7+$0x11820] =	vst v0;
	v0 =	vadd.f32 v6, v4  }
0xbe: {  	v6 =	vld [tilespmem:s7+$0x5040];
	v7 =	vadd.f32 v7, v4  }
0xbf: {  	[tilespmem:s7+$0xDC30] =	vst v0;
	v0 =	vld [tilespmem:s7+$0x6440];
	v2 =	vadd.f32 v2, v4  }
0xc0: {  	[tilespmem:s7+$0xF030] =	vst v7;
	v7 =	vld [tilespmem:s7+$0x7840];
	v4 =	vadd.f32 v8, v4  }
0xc1: {  	[tilespmem:s7+$0x10430] =	vst v2;
	v2 =	vld [tilespmem:s7+$0x2850]  }
0xc2: {  	[tilespmem:s7+$0x11830] =	vst v4;
	v4 =	vadd.f32 v5, v3;
	v5 =	vld [tilespmem:s7+$0x3C50]  }
0xc3: {  	v8 =	vld [tilespmem:s7+$0x5050];
	v6 =	vadd.f32 v6, v3  }
0xc4: {  	[tilespmem:s7+$0xDC40] =	vst v4;
	v4 =	vld [tilespmem:s7+$0x6450];
	v0 =	vadd.f32 v0, v3  }
0xc5: {  	[tilespmem:s7+$0xF040] =	vst v6;
	v6 =	vld [tilespmem:s7+$0x7850];
	v3 =	vadd.f32 v7, v3  }
0xc6: {  	[tilespmem:s7+$0x10440] =	vst v0;
	v0 =	vld [tilespmem:s7+$0x2860]  }
0xc7: {  	[tilespmem:s7+$0x11840] =	vst v3;
	v3 =	vadd.f32 v5, v2;
	v5 =	vld [tilespmem:s7+$0x3C60]  }
0xc8: {  	v7 =	vld [tilespmem:s7+$0x5060];
	v8 =	vadd.f32 v8, v2  }
0xc9: {  	[tilespmem:s7+$0xDC50] =	vst v3;
	v3 =	vld [tilespmem:s7+$0x6460];
	v4 =	vadd.f32 v4, v2  }
0xca: {  	[tilespmem:s7+$0xF050] =	vst v8;
	v8 =	vld [tilespmem:s7+$0x7860];
	v2 =	vadd.f32 v6, v2  }
0xcb: {  	[tilespmem:s7+$0x10450] =	vst v4;
	v4 =	vld [tilespmem:s7+$0x3C70]  }
0xcc: {  	[tilespmem:s7+$0x11850] =	vst v2;
	v2 =	vadd.f32 v5, v0;
	v5 =	vld [tilespmem:s7+$0x5070]  }
0xcd: {  	v6 =	vadd.f32 v7, v0;
	v7 =	vld [tilespmem:s7+$0x6470]  }
0xce: {  	[tilespmem:s7+$0xDC60] =	vst v2;
	v2 =	vadd.f32 v3, v0  }
0xcf: {  	[tilespmem:s7+$0xF060] =	vst v6;
	v0 =	vadd.f32 v8, v0  }
0xd0: {  	p0 =	seq.s32 s25, $0xF;
	[tilespmem:s7+$0x10460] =	vst v2;
	v2 =	vadd.f32 v4, v1  }
0xd1: {  	s26 =	sadd.s32 s3, s29;
	s9 =	smul.u32 @!p0 $0xA00, s25;
	[tilespmem:s7+$0x11860] =	vst v0;
	v0 =	vadd.f32 v5, v1  }
0xd2: {  	s6 =	smul.u32 $0x280, s26;
	v1 =	vadd.f32 v7, v1;
	[tilespmem:s7+$0xDC70] =	vst v2  }
0xd3: {  	[tilespmem:s7+$0xF070] =	vst v0  }
0xd4: {  	s10 =	simm.s32 @!p0 $0x50;
	s26 =	sshra.s32 @!p0 s9, $0x2;
	s6 =	sadd.s32 s5, s6;
	[tilespmem:s7+$0x10470] =	vst v1  }
0xd5: {  	[hbm4b:s6+s2] =	stream.linear.scatter [tilespmem:s0], [sflag:$0x9], $0x1400, $0x38;
	[tilespmem:$0x12C00] =	vst v63  }
0xd6: {  	s9 =	sadd.s32 @!p0 s29, s3;
	s7 =	simm.s32 @p0 $0x0;
	s6 =	simm.s32 @p0 $0xF000  }
0xd7: {  	[hbm4b:s11+s7] =	stream.linear.scatter @p0 [tilespmem:s6], [sflag:$0xA], $0x1400, $0x38;
	[tilespmem:$0x12C00] =	vst v63  }
0xd8: {  	s13 =	simm.s32 @!p0 $0x3C00;
	s9 =	smul.u32 @!p0 $0x280, s9;
	s6 =	sadd.s32 @!p0 $0x280, s26  }
0xd9: {  	[tilespmem:s13], [sflag:$0x1] =	stream.indirect.gather @!p0 [hbm4b:s4+s10], $0x40, s6, s10, $0xb8;
	[tilespmem:$0x12C00] =	vst v63  }
0xda: {  	s6 =	sadd.s32 @!p0 s5, s9  }
0xdb: {  	s24 =	simm.s32 @!p0 $0xF000;
	s13 =	simm.s32 @!p0 $0x0;
	s9 =	sadd.s32 @!p0 $0x280, s6  }
0xdc: {  	[hbm4b:s9+s13] =	stream.linear.scatter @!p0 [tilespmem:s24], [sflag:$0xA], $0x1400, $0x38;
	[tilespmem:$0x12C00] =	vst v63  }
0xdd: {  	s9 =	sadd.s32 s29, s3  }
0xde: {  	s24 =	sadd.s32 @!p0 $0x2D0, s26;
	s29 =	simm.s32 @!p0 $0x5000;
	s9 =	smul.u32 $0x280, s9  }
0xdf: {  	[tilespmem:s29], [sflag:$0x2] =	stream.indirect.gather @!p0 [hbm4b:s4+s10], $0x40, s24, s10, $0xb8;
	[tilespmem:$0x12C00] =	vst v63  }
0xe0: {  	s29 =	sadd.s32 s5, s9  }
0xe1: {  	s9 =	sadd.s32 $0x500, s29  }
0xe2: {  	[hbm4b:s9+s2] =	stream.linear.scatter [tilespmem:s1], [sflag:$0xB], $0x1400, $0x38;
	[tilespmem:$0x12C00] =	vst v63  }
0xe3: {  	s9 =	simm.s32 @p0 $0x11800  }
0xe4: {  	[hbm4b:s12+s7] =	stream.linear.scatter @p0 [tilespmem:s9], [sflag:$0xC], $0x1400, $0x38;
	[tilespmem:$0x12C00] =	vst v63  }
0xe5: {  	s7 =	sadd.s32 @!p0 $0x320, s26;
	s9 =	simm.s32 @!p0 $0x6400  }
0xe6: {  	[tilespmem:s9], [sflag:$0x3] =	stream.indirect.gather @!p0 [hbm4b:s4+s10], $0x40, s7, s10, $0xb8;
	[tilespmem:$0x12C00] =	vst v63  }
0xe7: {  	s7 =	sadd.s32 @!p0 $0x780, s6;
	s9 =	simm.s32 @!p0 $0x11800  }
0xe8: {  	[hbm4b:s7+s13] =	stream.linear.scatter @!p0 [tilespmem:s9], [sflag:$0xC], $0x1400, $0x38;
	[tilespmem:$0x12C00] =	vst v63  }
0xe9: {  	s7 =	sadd.s32 @!p0 $0x370, s26;
	s9 =	simm.s32 @!p0 $0x7800  }
0xea: {  	[tilespmem:s9], [sflag:$0x4] =	stream.indirect.gather @!p0 [hbm4b:s4+s10], $0x40, s7, s10, $0xb8;
	[tilespmem:$0x12C00] =	vst v63  }
0xeb: {  	_ =	swait.ge [sflag:s14], $0x1400  }
0xec: {  	[sflag:s14] =	ssyncset.done $0x0  }
0xed: {  	[sflag:s14] =	ssyncadd.s32 $0xFFFFEC00  }
0xee: {  	_ =	swait.ge [sflag:s16], $0x1400  }
0xef: {  	[sflag:s16] =	ssyncset.done $0x0  }
0xf0: {  	[sflag:s16] =	ssyncadd.s32 $0xFFFFEC00  }
0xf1: {  	_ =	swait.ge [sflag:s17], $0x1400  }
0xf2: {  	[sflag:s17] =	ssyncset.done $0x0  }
0xf3: {  	[sflag:s17] =	ssyncadd.s32 $0xFFFFEC00  }
0xf4: {  	_ =	swait.ge [sflag:s18], $0x1400  }
0xf5: {  	[sflag:s18] =	ssyncset.done $0x0  }
0xf6: {  	[sflag:s18] =	ssyncadd.s32 $0xFFFFEC00  }
0xf7: {  	_ =	swait.ge [sflag:s19], $0x1400  }
0xf8: {  	[sflag:s19] =	ssyncset.done $0x0  }
0xf9: {  	[sflag:s19] =	ssyncadd.s32 $0xFFFFEC00  }
0xfa: {  	_ =	swait.ge [sflag:s20], $0x1400  }
0xfb: {  	[sflag:s20] =	ssyncset.done $0x0  }
0xfc: {  	[sflag:s20] =	ssyncadd.s32 $0xFFFFEC00  }
0xfd: {  	_ =	swait.ge [sflag:s21], $0x1400  }
0xfe: {  	[sflag:s21] =	ssyncset.done $0x0  }
0xff: {  	[sflag:s21] =	ssyncadd.s32 $0xFFFFEC00  }
0x100: {  	_ =	swait.ge [sflag:s22], $0x1400  }
0x101: {  	[sflag:s22] =	ssyncset.done $0x0  }
0x102: {  	s7 =	simm.s32 $0x0;
	[sflag:s22] =	ssyncadd.s32 $0xFFFFEC00  }
0x103: {  	v0 =	vld [tilespmem:s7+$0x2870]  }
0x104: {  	v1 =	vld [tilespmem:s7+$0xC870]  }
0x105: {  	v2 =	vld [tilespmem:s7+$0x2800]  }
0x106: {  	v3 =	vld [tilespmem:s7+$0x8C00]  }
0x107: {  	v4 =	vld [tilespmem:s7+$0xA000]  }
0x108: {  	v5 =	vld [tilespmem:s7+$0xB400]  }
0x109: {  	v6 =	vld [tilespmem:s7+$0xC800]  }
0x10a: {  	v7 =	vld [tilespmem:s7+$0x2810]  }
0x10b: {  	v8 =	vld [tilespmem:s7+$0x8C10];
	v1 =	vadd.f32 v1, v0  }
0x10c: {  	v9 =	vld [tilespmem:s7+$0xC850];
	v3 =	vadd.f32 v3, v2  }
0x10d: {  	v4 =	vadd.f32 v4, v2;
	[tilespmem:s7+$0x11870] =	vst v1;
	v1 =	vld [tilespmem:s7+$0xA010]  }
0x10e: {  	v5 =	vadd.f32 v5, v2;
	[tilespmem:s7+$0xDC00] =	vst v3;
	v3 =	vld [tilespmem:s7+$0xB410]  }
0x10f: {  	v2 =	vadd.f32 v6, v2;
	[tilespmem:s7+$0xF000] =	vst v4;
	v4 =	vld [tilespmem:s7+$0xC810]  }
0x110: {  	v6 =	vld [tilespmem:s7+$0x8C20];
	[tilespmem:s7+$0x10400] =	vst v5  }
0x111: {  	v5 =	vld [tilespmem:s7+$0x2820];
	[tilespmem:s7+$0x11800] =	vst v2;
	v2 =	vadd.f32 v8, v7  }
0x112: {  	v8 =	vld [tilespmem:s7+$0xA020];
	v1 =	vadd.f32 v1, v7  }
0x113: {  	[tilespmem:s7+$0xDC10] =	vst v2;
	v2 =	vld [tilespmem:s7+$0xB420];
	v3 =	vadd.f32 v3, v7  }
0x114: {  	v4 =	vadd.f32 v4, v7;
	v7 =	vld [tilespmem:s7+$0xA030];
	[tilespmem:s7+$0xF010] =	vst v1  }
0x115: {  	v1 =	vld [tilespmem:s7+$0xC820];
	[tilespmem:s7+$0x10410] =	vst v3  }
0x116: {  	v3 =	vld [tilespmem:s7+$0x2830];
	[tilespmem:s7+$0x11810] =	vst v4;
	v4 =	vadd.f32 v6, v5  }
0x117: {  	v8 =	vadd.f32 v8, v5;
	v6 =	vld [tilespmem:s7+$0x8C30]  }
0x118: {  	v2 =	vadd.f32 v2, v5;
	[tilespmem:s7+$0xDC20] =	vst v4;
	v4 =	vld [tilespmem:s7+$0xB430]  }
0x119: {  	[tilespmem:s7+$0xF020] =	vst v8;
	v8 =	vld [tilespmem:s7+$0xC830]  }
0x11a: {  	[tilespmem:s7+$0x10420] =	vst v2;
	v2 =	vld [tilespmem:s7+$0x2840];
	v1 =	vadd.f32 v1, v5  }
0x11b: {  	v5 =	vld [tilespmem:s7+$0x8C40];
	v7 =	vadd.f32 v7, v3  }
0x11c: {  	[tilespmem:s7+$0x11820] =	vst v1;
	v1 =	vadd.f32 v6, v3;
	v6 =	vld [tilespmem:s7+$0xA040]  }
0x11d: {  	v4 =	vadd.f32 v4, v3;
	[tilespmem:s7+$0xF030] =	vst v7;
	v7 =	vld [tilespmem:s7+$0xC840]  }
0x11e: {  	v3 =	vadd.f32 v8, v3;
	[tilespmem:s7+$0xDC30] =	vst v1;
	v1 =	vld [tilespmem:s7+$0xB440]  }
0x11f: {  	[tilespmem:s7+$0x10430] =	vst v4;
	v4 =	vld [tilespmem:s7+$0x2850]  }
0x120: {  	[tilespmem:s7+$0x11830] =	vst v3;
	v3 =	vadd.f32 v5, v2;
	v5 =	vld [tilespmem:s7+$0x8C50]  }
0x121: {  	v8 =	vld [tilespmem:s7+$0xA050];
	v6 =	vadd.f32 v6, v2  }
0x122: {  	[tilespmem:s7+$0xDC40] =	vst v3;
	v3 =	vld [tilespmem:s7+$0xB450]  }
0x123: {  	v1 =	vadd.f32 v1, v2;
	[tilespmem:s7+$0xF040] =	vst v6;
	v6 =	vadd.f32 v7, v2;
	v2 =	vld [tilespmem:s7+$0x2860]  }
0x124: {  	v7 =	vld [tilespmem:s7+$0x8C60]  }
0x125: {  	v10 =	vld [tilespmem:s7+$0xA060];
	[tilespmem:s7+$0x10440] =	vst v1;
	v1 =	vadd.f32 v5, v4  }
0x126: {  	[tilespmem:s7+$0x11840] =	vst v6;
	v5 =	vadd.f32 v8, v4;
	v8 =	vld [tilespmem:s7+$0xB460]  }
0x127: {  	v6 =	vld [tilespmem:s7+$0xC860];
	[tilespmem:s7+$0xDC50] =	vst v1;
	v1 =	vadd.f32 v3, v4;
	v3 =	vadd.f32 v9, v4  }
0x128: {  	[tilespmem:s7+$0xF050] =	vst v5;
	v5 =	vld [tilespmem:s7+$0x8C70]  }
0x129: {  	v9 =	vadd.f32 v7, v2;
	[tilespmem:s7+$0x11850] =	vst v3;
	v3 =	vld [tilespmem:s7+$0xA070]  }
0x12a: {  	s9 =	simm.s32 $0x80;
	v4 =	vld [tilespmem:s7+$0xB470];
	v7 =	vadd.f32 v10, v2;
	[tilespmem:s7+$0x10450] =	vst v1  }
0x12b: {  	s10 =	simm.s32 $0x400;
	v1 =	vld [tilespmem:s9+$0x2870];
	[tilespmem:s7+$0xDC60] =	vst v9;
	v8 =	vadd.f32 v8, v2  }
.LBB2_5:
0x12c: {  	p1 =	sne.s32 s10, $0x4E00;
	v9 =	vld [tilespmem:s9+$0xC870];
	[tilespmem:s7+$0xF060] =	vst v7;
	v2 =	vadd.f32 v6, v2  }
0x12d: {  	v6 =	vld [tilespmem:s9+$0x2800];
	[tilespmem:s7+$0x10460] =	vst v8;
	v5 =	vadd.f32 v5, v0  }
0x12e: {  	v7 =	vld [tilespmem:s9+$0x8C00];
	[tilespmem:s7+$0x11860] =	vst v2;
	v2 =	vadd.f32 v3, v0  }
0x12f: {  	v3 =	vld [tilespmem:s9+$0xA000];
	[tilespmem:s7+$0xDC70] =	vst v5;
	v4 =	vadd.f32 v4, v0  }
0x130: {  	v5 =	vld [tilespmem:s9+$0xB400];
	[tilespmem:s7+$0xF070] =	vst v2;
	v0 =	vmov v1  }
0x131: {  	v1 =	vld [tilespmem:s9+$0xC800];
	v2 =	vadd.f32 v9, v0;
	[tilespmem:s7+$0x10470] =	vst v4;
	s7 =	smov.u32 s9  }
0x132: {  	v4 =	vld [tilespmem:s7+$0x2810]  }
0x133: {  	v7 =	vadd.f32 v7, v6;
	v8 =	vld [tilespmem:s7+$0x8C10];
	[tilespmem:s7+$0x11870] =	vst v2  }
0x134: {  	v2 =	vadd.f32 v3, v6;
	v3 =	vld [tilespmem:s7+$0xA010]  }
0x135: {  	[tilespmem:s7+$0xDC00] =	vst v7;
	v5 =	vadd.f32 v5, v6;
	v7 =	vld [tilespmem:s7+$0xB410]  }
0x136: {  	[tilespmem:s7+$0xF000] =	vst v2;
	v1 =	vadd.f32 v1, v6;
	v2 =	vld [tilespmem:s7+$0xC810]  }
0x137: {  	[tilespmem:s7+$0x10400] =	vst v5;
	v5 =	vld [tilespmem:s7+$0x2820]  }
0x138: {  	[tilespmem:s7+$0x11800] =	vst v1;
	v1 =	vadd.f32 v8, v4;
	v6 =	vld [tilespmem:s7+$0x8C20]  }
0x139: {  	v3 =	vadd.f32 v3, v4;
	v8 =	vld [tilespmem:s7+$0xA020]  }
0x13a: {  	[tilespmem:s7+$0xDC10] =	vst v1;
	v1 =	vadd.f32 v7, v4;
	v7 =	vld [tilespmem:s7+$0xB420]  }
0x13b: {  	[tilespmem:s7+$0xF010] =	vst v3;
	v2 =	vadd.f32 v2, v4;
	v3 =	vld [tilespmem:s7+$0xC820]  }
0x13c: {  	[tilespmem:s7+$0x10410] =	vst v1;
	v1 =	vld [tilespmem:s7+$0x2830]  }
0x13d: {  	[tilespmem:s7+$0x11810] =	vst v2;
	v2 =	vadd.f32 v6, v5;
	v4 =	vld [tilespmem:s7+$0x8C30]  }
0x13e: {  	v6 =	vadd.f32 v8, v5;
	v8 =	vld [tilespmem:s7+$0xA030]  }
0x13f: {  	[tilespmem:s7+$0xDC20] =	vst v2;
	v2 =	vadd.f32 v7, v5;
	v7 =	vld [tilespmem:s7+$0xB430]  }
0x140: {  	[tilespmem:s7+$0xF020] =	vst v6;
	v3 =	vadd.f32 v3, v5;
	v5 =	vld [tilespmem:s7+$0xC830]  }
0x141: {  	[tilespmem:s7+$0x10420] =	vst v2;
	v2 =	vld [tilespmem:s7+$0x2840]  }
0x142: {  	[tilespmem:s7+$0x11820] =	vst v3;
	v3 =	vadd.f32 v4, v1;
	v4 =	vld [tilespmem:s7+$0x8C40]  }
0x143: {  	v6 =	vadd.f32 v8, v1;
	v8 =	vld [tilespmem:s7+$0xA040]  }
0x144: {  	[tilespmem:s7+$0xDC30] =	vst v3;
	v3 =	vadd.f32 v7, v1;
	v7 =	vld [tilespmem:s7+$0xB440]  }
0x145: {  	[tilespmem:s7+$0xF030] =	vst v6;
	v1 =	vadd.f32 v5, v1;
	v5 =	vld [tilespmem:s7+$0xC840]  }
0x146: {  	[tilespmem:s7+$0x10430] =	vst v3;
	v3 =	vld [tilespmem:s7+$0x2850]  }
0x147: {  	[tilespmem:s7+$0x11830] =	vst v1;
	v1 =	vadd.f32 v4, v2;
	v4 =	vld [tilespmem:s7+$0x8C50]  }
0x148: {  	v6 =	vadd.f32 v8, v2;
	v8 =	vld [tilespmem:s7+$0xA050]  }
0x149: {  	[tilespmem:s7+$0xDC40] =	vst v1;
	v1 =	vadd.f32 v7, v2;
	v7 =	vld [tilespmem:s7+$0xB450]  }
0x14a: {  	[tilespmem:s7+$0xF040] =	vst v6;
	v5 =	vadd.f32 v5, v2;
	v6 =	vld [tilespmem:s7+$0xC850]  }
0x14b: {  	[tilespmem:s7+$0x10440] =	vst v1;
	v2 =	vld [tilespmem:s7+$0x2860]  }
0x14c: {  	[tilespmem:s7+$0x11840] =	vst v5;
	v1 =	vadd.f32 v4, v3;
	v4 =	vld [tilespmem:s7+$0x8C60]  }
0x14d: {  	v5 =	vadd.f32 v8, v3;
	v8 =	vld [tilespmem:s7+$0xA060]  }
0x14e: {  	[tilespmem:s7+$0xDC50] =	vst v1;
	v1 =	vadd.f32 v7, v3;
	v9 =	vld [tilespmem:s7+$0xB460]  }
.Ltmp3:
0x14f: {  	[tilespmem:s7+$0xF050] =	vst v5;
	v3 =	vadd.f32 v6, v3;
	v6 =	vld [tilespmem:s7+$0xC860];
	(pc) =	sbr.rel @p1 .LBB2_5-.Ltmp3, $4  }
0x150: {  	[tilespmem:s7+$0x10450] =	vst v1;
	v5 =	vld [tilespmem:s7+$0x8C70]  }
0x151: {  	[tilespmem:s7+$0x11850] =	vst v3;
	v10 =	vadd.f32 v4, v2;
	v3 =	vld [tilespmem:s7+$0xA070]  }
0x152: {  	s9 =	sshra.s32 s10, $0x2;
	v7 =	vadd.f32 v8, v2;
	v4 =	vld [tilespmem:s7+$0xB470]  }
0x153: {  	s10 =	sadd.s32 $0x200, s10;
	v1 =	vld [tilespmem:s9+$0x2870];
	[tilespmem:s7+$0xDC60] =	vst v10;
	v8 =	vadd.f32 v9, v2  }
0x154: {  	v9 =	vld [tilespmem:s9+$0xC870];
	[tilespmem:s7+$0xF060] =	vst v7;
	v2 =	vadd.f32 v6, v2  }
0x155: {  	v7 =	vld [tilespmem:s9+$0x2800];
	[tilespmem:s7+$0x10460] =	vst v8;
	v5 =	vadd.f32 v5, v0  }
0x156: {  	v18 =	vld [tilespmem:s9+$0x8C00];
	[tilespmem:s7+$0x11860] =	vst v2;
	v3 =	vadd.f32 v3, v0  }
0x157: {  	v2 =	vld [tilespmem:s9+$0xA000];
	[tilespmem:s7+$0xDC70] =	vst v5;
	v19 =	vadd.f32 v4, v0  }
0x158: {  	v5 =	vld [tilespmem:s9+$0xB400];
	[tilespmem:s7+$0xF070] =	vst v3  }
0x159: {  	v3 =	vld [tilespmem:s9+$0xC800];
	[tilespmem:s7+$0x10470] =	vst v19  }
0x15a: {  	v21 =	vld [tilespmem:s9+$0x2810]  }
0x15b: {  	v8 =	vld [tilespmem:s9+$0x8C10]  }
0x15c: {  	v22 =	vld [tilespmem:s9+$0xA010]  }
0x15d: {  	v23 =	vld [tilespmem:s9+$0xB410]  }
0x15e: {  	v24 =	vld [tilespmem:s9+$0xC810]  }
0x15f: {  	v25 =	vld [tilespmem:s9+$0x2820]  }
0x160: {  	v20 =	vadd.f32 v9, v1;
	v27 =	vld [tilespmem:s9+$0x8C20]  }
0x161: {  	v28 =	vld [tilespmem:s9+$0xA020];
	v6 =	vadd.f32 v18, v7  }
0x162: {  	v31 =	vld [tilespmem:s9+$0x2830];
	[tilespmem:s9+$0x11870] =	vst v20;
	v2 =	vadd.f32 v2, v7  }
0x163: {  	v33 =	vld [tilespmem:s9+$0x8C30];
	[tilespmem:s9+$0xDC00] =	vst v6;
	v5 =	vadd.f32 v5, v7  }
0x164: {  	v34 =	vld [tilespmem:s9+$0xA030];
	[tilespmem:s9+$0xF000] =	vst v2;
	v3 =	vadd.f32 v3, v7  }
0x165: {  	v36 =	vld [tilespmem:s9+$0xC830];
	[tilespmem:s9+$0x10400] =	vst v5;
	v26 =	vadd.f32 v8, v21  }
0x166: {  	v37 =	vld [tilespmem:s9+$0x2840];
	v0 =	vadd.f32 v22, v21;
	[tilespmem:s9+$0x11800] =	vst v3  }
0x167: {  	v39 =	vld [tilespmem:s9+$0x8C40];
	v6 =	vadd.f32 v23, v21;
	[tilespmem:s9+$0xDC10] =	vst v26  }
0x168: {  	v43 =	vld [tilespmem:s9+$0x2850];
	v2 =	vadd.f32 v24, v21;
	[tilespmem:s9+$0xF010] =	vst v0  }
0x169: {  	v45 =	vld [tilespmem:s9+$0x8C50];
	v32 =	vadd.f32 v27, v25;
	[tilespmem:s9+$0x10410] =	vst v6  }
0x16a: {  	v49 =	vld [tilespmem:s9+$0x2860];
	v8 =	vadd.f32 v28, v25;
	[tilespmem:s9+$0x11810] =	vst v2  }
0x16b: {  	v51 =	vld [tilespmem:s9+$0x8C60];
	v38 =	vadd.f32 v33, v31;
	[tilespmem:s9+$0xDC20] =	vst v32  }
0x16c: {  	v52 =	vld [tilespmem:s9+$0xA060];
	v7 =	vadd.f32 v34, v31;
	[tilespmem:s9+$0xF020] =	vst v8  }
0x16d: {  	v53 =	vld [tilespmem:s9+$0xB460];
	v4 =	vadd.f32 v36, v31;
	[tilespmem:s9+$0xDC30] =	vst v38  }
0x16e: {  	v55 =	vld [tilespmem:s9+$0x8C70];
	v44 =	vadd.f32 v39, v37;
	[tilespmem:s9+$0xF030] =	vst v7  }
0x16f: {  	v57 =	vld [tilespmem:s9+$0xA070];
	v50 =	vadd.f32 v45, v43;
	[tilespmem:s9+$0x11830] =	vst v4  }
0x170: {  	v59 =	vld [tilespmem:s9+$0xB470];
	v56 =	vadd.f32 v51, v49;
	[tilespmem:s9+$0xDC40] =	vst v44  }
0x171: {  	v29 =	vld [tilespmem:s9+$0xB420];
	v58 =	vadd.f32 v52, v49;
	[tilespmem:s9+$0xDC50] =	vst v50  }
0x172: {  	v30 =	vld [tilespmem:s9+$0xC820];
	v60 =	vadd.f32 v53, v49;
	[tilespmem:s9+$0xDC60] =	vst v56  }
0x173: {  	v35 =	vld [tilespmem:s9+$0xB430];
	v61 =	vadd.f32 v55, v1;
	[tilespmem:s9+$0xF060] =	vst v58  }
0x174: {  	v40 =	vld [tilespmem:s9+$0xA040];
	v62 =	vadd.f32 v57, v1;
	[tilespmem:s9+$0x10460] =	vst v60  }
0x175: {  	v46 =	vld [tilespmem:s9+$0xA050];
	v63 =	vadd.f32 v59, v1;
	[tilespmem:s9+$0xDC70] =	vst v61  }
0x176: {  	v47 =	vld [tilespmem:s9+$0xB450];
	v3 =	vadd.f32 v29, v25;
	[tilespmem:s9+$0xF070] =	vst v62  }
0x177: {  	v42 =	vld [tilespmem:s9+$0xC840];
	v0 =	vadd.f32 v30, v25;
	[tilespmem:s9+$0x10470] =	vst v63  }
0x178: {  	v41 =	vld [tilespmem:s9+$0xB440];
	v2 =	vadd.f32 v35, v31;
	[tilespmem:s9+$0x10420] =	vst v3  }
0x179: {  	v48 =	vld [tilespmem:s9+$0xC850];
	v6 =	vadd.f32 v40, v37;
	[tilespmem:s9+$0x11820] =	vst v0  }
0x17a: {  	v54 =	vld [tilespmem:s9+$0xC860];
	v8 =	vadd.f32 v46, v43;
	[tilespmem:s9+$0x10430] =	vst v2  }
0x17b: {  	v4 =	vadd.f32 v47, v43;
	[tilespmem:s9+$0xF040] =	vst v6  }
0x17c: {  	v3 =	vadd.f32 v42, v37;
	[tilespmem:s9+$0xF050] =	vst v8  }
0x17d: {  	v0 =	vadd.f32 v41, v37;
	[tilespmem:s9+$0x10450] =	vst v4  }
0x17e: {  	v2 =	vadd.f32 v48, v43;
	[tilespmem:s9+$0x11840] =	vst v3  }
0x17f: {  	[tilespmem:s9+$0x10440] =	vst v0;
	v0 =	vadd.f32 v54, v49  }
0x180: {  	[tilespmem:s9+$0x11850] =	vst v2  }
0x181: {  	s24 =	sadd.s32 $0xA00, s29;
	[tilespmem:s9+$0x11860] =	vst v0  }
0x182: {  	[hbm4b:s24+s2] =	stream.linear.scatter [tilespmem:s0], [sflag:$0x9], $0x1400, $0x38;
	[tilespmem:$0x12C00] =	vst v63  }
0x183: {  	s7 =	simm.s32 @p0 $0x0;
	s9 =	simm.s32 @p0 $0xF000  }
0x184: {  	[hbm4b:s8+s7] =	stream.linear.scatter @p0 [tilespmem:s9], [sflag:$0xA], $0x1400, $0x38;
	[tilespmem:$0x12C00] =	vst v63  }
0x185: {  	s10 =	simm.s32 @!p0 $0x8C00;
	s7 =	sadd.s32 @!p0 $0x3C0, s26;
	s9 =	simm.s32 @!p0 $0x50  }
0x186: {  	[tilespmem:s10], [sflag:$0x5] =	stream.indirect.gather @!p0 [hbm4b:s4+s9], $0x40, s7, s9, $0xb8;
	[tilespmem:$0x12C00] =	vst v63  }
0x187: {  	s6 =	sadd.s32 @!p0 $0xC80, s6;
	s7 =	simm.s32 @!p0 $0x0;
	s10 =	simm.s32 @!p0 $0xF000  }
0x188: {  	[hbm4b:s6+s7] =	stream.linear.scatter @!p0 [tilespmem:s10], [sflag:$0xA], $0x1400, $0x38;
	[tilespmem:$0x12C00] =	vst v63  }
.Ltmp4:
0x189: {  	_ = 	snop;
	(pc) =	sbr.rel @p0 .LBB2_8-.Ltmp4, $4  }
0x18a: {  	s6 =	sadd.s32 @!p0 $0x410, s26;
	s7 =	simm.s32 @!p0 $0xA000  }
0x18b: {  	[tilespmem:s7], [sflag:$0x6] =	stream.indirect.gather @!p0 [hbm4b:s4+s9], $0x40, s6, s9, $0xb8;
	[tilespmem:$0x12C00] =	vst v63  }
0x18c: {  	s26 =	sadd.s32 $0xF00, s29  }
0x18d: {  	[hbm4b:s26+s2] =	stream.linear.scatter [tilespmem:s1], [sflag:$0xB], $0x1400, $0x38;
	[tilespmem:$0x12C00] =	vst v63  }
0x18e: {  	s6 =	smul.u32 $0xA00, s25;
	_ =	sdelay $0x1  }
0x18f: {  	s6 =	sshra.s32 s6, $0x2  }
0x190: {  	s7 =	sadd.s32 $0x460, s6  }
0x191: {  	[tilespmem:s28], [sflag:$0x7] =	stream.indirect.gather [hbm4b:s4+s15], $0x40, s7, s15, $0xb8;
	[tilespmem:$0x12C00] =	vst v63  }
.Ltmp5:
0x192: {  	_ = 	snop;
	(pc) =	sbr.rel .LBB2_2-.Ltmp5, $4  }
0x193: {  	s29 =	sadd.s32 $0x1180, s29  }
0x194: {  	[hbm4b:s29+s2] =	stream.linear.scatter [tilespmem:s23], [sflag:$0xC], $0x1400, $0x38;
	[tilespmem:$0x12C00] =	vst v63  }
0x195: {  	s25 =	sadd.s32 $0x1, s25;
	s6 =	sadd.s32 $0x4B0, s6  }
0x196: {  	[tilespmem:s30], [sflag:$0x8] =	stream.indirect.gather [hbm4b:s4+s15], $0x40, s6, s15, $0xb8;
	[tilespmem:$0x12C00] =	vst v63  }
.LBB2_9:
0x197: {  	_ =	sfence.sel $0x180000  }
0x198: {  	[bflag:$0x0] =	sbarrier.arrive $0xFFFF  }
0x199: {  	_ =	strace $0x90000047  }
0x19a: {  	s0 =	stileid.u32;
	[bflag:$0x2] =	sbarrier.arrive $0xFFFF  }
0x19b: {  	p0 =	sne.s32 s0, $0x0;
	s0 =	rddreg [dreg:$0x2]  }
0x19c: {  	s0 =	sadd.s32 @!p0 $0x100000, s0  }
0x19d: {  	[sflag:s0] =	ssyncadd.tile.s32 @!p0 $0x1;
	_ =	shalt  }
.Lfunc_end2:
_tile_overlayer_lowered:
.L_overlay_start_2:
0x19e: {  	(tag) =	ssettag $0x2  }
0x19f: {  	s0 =	rddreg [dreg:$0x0];
	s2 =	stileid.u32  }
0x1a0: {  	s1 =	rddreg [dreg:$0x1];
	p0 =	sne.s32 s2, $0x0  }
0x1a1: {  	s3 =	rddreg [dreg:$0x2];
	[bflag:$0x3] =	sbarrier.arrive $0xFFFF;
	s2 =	simm.s32 @!p0 $0x1C0D  }
0x1a2: {  	[timem:s3], [sflag:s2] =	dma.local @!p0 [hbm:s0], s1  }
0x1a3: {  	s0 =	simm.s32 @!p0 $0xD  }
0x1a4: {  	_ =	swait.ge @!p0 [sflag:s0], s1  }
0x1a5: {  	s1 =	ssub.s32 @!p0 $0x0, s1;
	[sflag:s0] =	ssyncset.done @!p0 $0x0  }
0x1a6: {  	[sflag:s0] =	ssyncadd.s32 @!p0 s1  }
0x1a7: {  	[bflag:$0x3] =	sbarrier.arrive $0xFFFF  }
0x1a8: {  	_ =	shalt  }

</sc_bundles>
